<compile_context>
chip_gen: v7x
topology: tpu7x:2x2x1
jax: 0.10.2.dev20260603
libtpu: 0.0.44.dev20260713+nightly
codegen_flags: <defaults>
</compile_context>

<pallas_src>
import jax
import jax.numpy as jnp
from jax import lax
from jax.experimental import pallas as pl
from jax.experimental.pallas import tpu as pltpu
from jax.experimental.pallas import tpu_sc as plsc

B = 4096 * 50
D = 32
NC, NS, L = 2, 16, 16
NW = NC * NS
B_PER_W = B // NW
CH = 1600
NCH = B_PER_W // CH

_GATHER_DNUMS = lax.GatherDimensionNumbers(
    offset_dims=(), collapsed_slice_dims=(0,), start_index_map=(0,))


def _splat_lane(vec, lane):
    idx = jnp.full((L, 1), lane, jnp.int32)
    return lax.gather(vec, idx, _GATHER_DNUMS, slice_sizes=(1,),
                      mode=lax.GatherScatterMode.PROMISE_IN_BOUNDS)


def _emb_body(x_hbm, table_hbm, out_hbm, idx_v, rows0, rows1, flag_v,
              shared_f, flag_s, gsem0, gsem1, ssem0, ssem1):
    rows = (rows0, rows1)
    gsem = (gsem0, gsem1)
    ssem = (ssem0, ssem1)
    cid = lax.axis_index("c")
    sid = lax.axis_index("s")
    wid = sid * NC + cid

    pltpu.sync_copy(x_hbm.at[wid], idx_v)

    def gather_start(c, b):
        pltpu.async_copy(table_hbm.at[idx_v.at[pl.ds(c * CH, CH)]],
                         rows[b], gsem[b])

    def gather_wait(c, b):
        pltpu.make_async_copy(table_hbm.at[idx_v.at[pl.ds(c * CH, CH)]],
                              rows[b], gsem[b]).wait()

    def store_start(c, b):
        pltpu.async_copy(rows[b], out_hbm.at[wid, pl.ds(c * CH, CH)],
                         ssem[b])

    def store_wait(c, b):
        pltpu.make_async_copy(rows[b], out_hbm.at[wid, pl.ds(c * CH, CH)],
                              ssem[b]).wait()

    gather_start(0, 0)

    def scan_j(j, a):
        return jnp.minimum(a, idx_v[pl.ds(j * L, L)])

    mn = lax.fori_loop(0, B_PER_W // L, scan_j,
                       jnp.full((L,), 2**31 - 1, jnp.int32))

    flag_v[pl.ds(0, L)] = mn
    pltpu.sync_copy(flag_v, shared_f.at[sid])
    pltpu.sync_copy(shared_f.at[sid], flag_s)
    hz = flag_s[0]
    for l in range(1, L):
        hz = jnp.minimum(hz, flag_s[l])
    has_zero = hz == 0

    for c in range(NCH):
        b = c % 2
        gather_wait(c, b)
        if c + 1 < NCH:
            if c >= 1:
                store_wait(c - 1, 1 - b)
            gather_start(c + 1, 1 - b)

        @pl.when(has_zero)
        def _(c=c, b=b):
            def mask16(j, carry):
                v = idx_v[pl.ds(c * CH + j * L, L)]
                mf = jnp.where(v == 0, 0.0, 1.0)
                for l in range(L):
                    mb = _splat_lane(mf, l)
                    r = j * L + l
                    lo = rows[b][r, pl.ds(0, L)]
                    hi = rows[b][r, pl.ds(L, L)]
                    rows[b][r, pl.ds(0, L)] = lo * mb
                    rows[b][r, pl.ds(L, L)] = hi * mb
                return carry

            lax.fori_loop(0, CH // L, mask16, 0)

        store_start(c, b)

    store_wait(NCH - 2, NCH % 2)
    store_wait(NCH - 1, (NCH - 1) % 2)


def _emb(x2d, table):
    mesh = plsc.VectorSubcoreMesh(core_axis_name="c", subcore_axis_name="s")
    return pl.kernel(
        _emb_body,
        out_type=jax.ShapeDtypeStruct((NW, B_PER_W, D), jnp.float32),
        mesh=mesh,
        compiler_params=pltpu.CompilerParams(use_tc_tiling_on_sc=False),
        scratch_types=[
            pltpu.VMEM((B_PER_W,), jnp.int32),
            pltpu.VMEM((CH, D), jnp.float32),
            pltpu.VMEM((CH, D), jnp.float32),
            pltpu.VMEM((L,), jnp.int32),
            pltpu.VMEM_SHARED((NS, L), jnp.int32),
            pltpu.SMEM((L,), jnp.int32),
            pltpu.SemaphoreType.DMA,
            pltpu.SemaphoreType.DMA,
            pltpu.SemaphoreType.DMA,
            pltpu.SemaphoreType.DMA,
        ],
    )(x2d, table)


def kernel(x, table):
    x2d = x.reshape(NW, B_PER_W).astype(jnp.int32)
    t = lax.optimization_barrier(table.reshape(250000, 128))
    out = _emb(x2d, t.reshape(1000000, 32))
    return out.reshape(x.shape[0], x.shape[1], D)

# --- scband reference (transcript-rebuilt; emitter-appended) ---
"""Pipeline reference for scband-embedding-78365973283030 (READ-ONLY COPY).

The authoritative reference and input builder live on the scoring server;
editing this copy changes nothing except your own understanding.
"""

import jax, jax.numpy as jnp
import numpy as np

VOCAB = 1000000
DIM = 32

def setup_inputs(seed: int = 0) -> dict:
    key = jax.random.key(seed)
    k1, k2 = jax.random.split(key)
    x = jax.random.randint(k1, (4096, 50), 0, VOCAB)
    table = jax.random.normal(k2, (VOCAB, DIM), dtype=jnp.float32) * 0.02
    return {"x": x, "table": table}

def reference(x, table):
    # nn.Embedding with padding_idx=0: row 0 is zero
    t = table.at[0].set(0.0)
    out = jnp.take(t, x, axis=0)  # [B, L, DIM]
    # Dropout in eval mode is identity
    return out

if __name__ == "__main__":
    import jax
    _d = setup_inputs()
    print(jax.jit(kernel)(*tuple(_d.values())))

</pallas_src>

<mosaic_0001>
#map = affine_map<(d0, d1) -> (0, 0)>
#map1 = affine_map<(d0, d1) -> (0, 0, 0)>
module attributes {stable_mosaic.version = 14 : i64} {
  func.func @_emb_body(%arg0: i32, %arg1: i32, %arg2: memref<32x6400xi32, #tpu.memory_space<hbm>>, %arg3: memref<1000000x32xf32, #tpu.memory_space<hbm>>, %arg4: memref<32x6400x32xf32, #tpu.memory_space<hbm>>, %arg5: memref<6400xi32, #tpu.memory_space<vmem>>, %arg6: memref<1600x32xf32, #tpu.memory_space<vmem>>, %arg7: memref<1600x32xf32, #tpu.memory_space<vmem>>, %arg8: memref<16xi32, #tpu.memory_space<vmem>>, %arg9: memref<16x16xi32, #tpu.memory_space<vmem_shared>>, %arg10: memref<16xi32, #tpu.memory_space<smem>>, %arg11: memref<!tpu.dma_semaphore, #tpu.memory_space<semaphore_mem>>, %arg12: memref<!tpu.dma_semaphore, #tpu.memory_space<semaphore_mem>>, %arg13: memref<!tpu.dma_semaphore, #tpu.memory_space<semaphore_mem>>, %arg14: memref<!tpu.dma_semaphore, #tpu.memory_space<semaphore_mem>>) attributes {dimension_semantics = [#tpu.dimension_semantics<core_parallel>, #tpu.dimension_semantics<subcore_parallel>], iteration_bounds = array<i64: 2, 16>, scalar_prefetch = 0 : i64, scratch_operands = 10 : i64, tpu.core_type = #tpu.core_type<sc_vector_subcore>, window_params = [{transform_indices = #map}, {transform_indices = #map}, {transform_indices = #map1}]} {
    %mul3A = arith.constant 2 : i32
    %mul3A_0 = arith.muli %arg1, %mul3A : i32
    %add3A = arith.addi %mul3A_0, %arg0 : i32
    "tpu.region"() ({
      %run_scoped3A = tpu.sem_alloc : memref<!tpu.dma_semaphore, #tpu.memory_space<semaphore_mem>>
      %dma_start3A_184 = arith.constant 0 : i32
      %dma_start3A_185 = tpu.memref_slice %arg2[%add3A, %dma_start3A_184] : memref<32x6400xi32, #tpu.memory_space<hbm>> -> memref<1x6400xi32, #tpu.memory_space<hbm>>
      %dma_start3A_186 = tpu.memref_squeeze %dma_start3A_185 : memref<1x6400xi32, #tpu.memory_space<hbm>> -> memref<6400xi32, #tpu.memory_space<hbm>>
      %dma_start3A_187 = arith.constant 0 : i32
      %dma_start3A_188 = tpu.memref_slice %arg2[%add3A, %dma_start3A_187] : memref<32x6400xi32, #tpu.memory_space<hbm>> -> memref<1x6400xi32, #tpu.memory_space<hbm>>
      %dma_start3A_189 = tpu.memref_squeeze %dma_start3A_188 : memref<1x6400xi32, #tpu.memory_space<hbm>> -> memref<6400xi32, #tpu.memory_space<hbm>>
      tpu.enqueue_dma source(%dma_start3A_189 : memref<6400xi32, #tpu.memory_space<hbm>>) target(%arg5 : memref<6400xi32, #tpu.memory_space<vmem>>) target_semaphore(%run_scoped3A : memref<!tpu.dma_semaphore, #tpu.memory_space<semaphore_mem>>)
      %dma_wait3A_190 = arith.constant 0 : i32
      %dma_wait3A_191 = tpu.memref_slice %arg2[%add3A, %dma_wait3A_190] : memref<32x6400xi32, #tpu.memory_space<hbm>> -> memref<1x6400xi32, #tpu.memory_space<hbm>>
      %dma_wait3A_192 = tpu.memref_squeeze %dma_wait3A_191 : memref<1x6400xi32, #tpu.memory_space<hbm>> -> memref<6400xi32, #tpu.memory_space<hbm>>
      %dma_wait3A_193 = arith.constant 0 : i32
      %dma_wait3A_194 = tpu.memref_slice %arg2[%add3A, %dma_wait3A_193] : memref<32x6400xi32, #tpu.memory_space<hbm>> -> memref<1x6400xi32, #tpu.memory_space<hbm>>
      %dma_wait3A_195 = tpu.memref_squeeze %dma_wait3A_194 : memref<1x6400xi32, #tpu.memory_space<hbm>> -> memref<6400xi32, #tpu.memory_space<hbm>>
      tpu.wait_dma2 semaphore(%run_scoped3A : memref<!tpu.dma_semaphore, #tpu.memory_space<semaphore_mem>>) src(%dma_wait3A_195 : memref<6400xi32, #tpu.memory_space<hbm>>) dst(%arg5 : memref<6400xi32, #tpu.memory_space<vmem>>)
      tpu.yield
    }) : () -> ()
    %dma_start3A = arith.constant 0 : i32
    %dma_start3A_1 = tpu.memref_slice %arg5[%dma_start3A] : memref<6400xi32, #tpu.memory_space<vmem>> -> memref<1600xi32, #tpu.memory_space<vmem>>
    %dma_start3A_2 = arith.constant 0 : i32
    %dma_start3A_3 = arith.constant 0 : i32
    %dma_start3A_4 = tpu.memref_slice %arg3[%dma_start3A_2, %dma_start3A_3] : memref<1000000x32xf32, #tpu.memory_space<hbm>> -> memref<1000000x32xf32, #tpu.memory_space<hbm>>
    tpu.enqueue_indirect_dma source(%dma_start3A_4 : memref<1000000x32xf32, #tpu.memory_space<hbm>>) target(%arg6 : memref<1600x32xf32, #tpu.memory_space<vmem>>) offsets(%dma_start3A_1 : memref<1600xi32, #tpu.memory_space<vmem>>) semaphore(%arg11 : memref<!tpu.dma_semaphore, #tpu.memory_space<semaphore_mem>>)
    %broadcast_in_dim3A = arith.constant 2147483647 : i32
    %broadcast_in_dim3A_5 = vector.broadcast %broadcast_in_dim3A : i32 to vector<16xi32>
    %scan3A = arith.constant 0 : i32
    %scan3A_6 = arith.constant 400 : i32
    %scan3A_7 = arith.addi %scan3A, %scan3A_6 : i32
    %scan3A_8 = arith.constant 1 : i32
    %scan3A_9 = scf.for %scan3A_184 = %scan3A to %scan3A_7 step %scan3A_8 iter_args(%scan3A_185 = %broadcast_in_dim3A_5) -> (vector<16xi32>)  : i32 {
      %mul3A_186 = arith.constant 16 : i32
      %mul3A_187 = arith.muli %scan3A_184, %mul3A_186 : i32
      %get3A_188 = arith.index_cast %mul3A_187 : i32 to index
      %get3A_189 = tpu.vector_load %arg5[%get3A_188] {strides = array<i32>} : memref<6400xi32, #tpu.memory_space<vmem>>, vector<16xi32>,
      %get3A_190 = vector.shape_cast %get3A_189 : vector<16xi32> to vector<16xi32>
      %min3A_191 = arith.minsi %scan3A_185, %get3A_190 : vector<16xi32>
      scf.yield %min3A_191 : vector<16xi32>
    }
    %scan3A_10 = arith.constant 400 : i32
    %swap3A = arith.constant 0 : index
    %swap3A_11 = tpu.vector_load %arg8[%swap3A] {strides = array<i32>} : memref<16xi32, #tpu.memory_space<vmem>>, vector<16xi32>,
    %swap3A_12 = vector.shape_cast %swap3A_11 : vector<16xi32> to vector<16xi32>
    %swap3A_13 = vector.shape_cast %scan3A_9 : vector<16xi32> to vector<16xi32>
    tpu.vector_store %arg8[%swap3A], %swap3A_13 {strides = array<i32>} : memref<16xi32, #tpu.memory_space<vmem>>, vector<16xi32>,
    "tpu.region"() ({
      %run_scoped3A = tpu.sem_alloc : memref<!tpu.dma_semaphore, #tpu.memory_space<semaphore_mem>>
      %dma_start3A_184 = arith.constant 0 : i32
      %dma_start3A_185 = tpu.memref_slice %arg9[%arg1, %dma_start3A_184] : memref<16x16xi32, #tpu.memory_space<vmem_shared>> -> memref<1x16xi32, #tpu.memory_space<vmem_shared>>
      %dma_start3A_186 = tpu.memref_squeeze %dma_start3A_185 : memref<1x16xi32, #tpu.memory_space<vmem_shared>> -> memref<16xi32, #tpu.memory_space<vmem_shared>>
      %dma_start3A_187 = arith.constant 0 : i32
      %dma_start3A_188 = tpu.memref_slice %arg9[%arg1, %dma_start3A_187] : memref<16x16xi32, #tpu.memory_space<vmem_shared>> -> memref<1x16xi32, #tpu.memory_space<vmem_shared>>
      %dma_start3A_189 = tpu.memref_squeeze %dma_start3A_188 : memref<1x16xi32, #tpu.memory_space<vmem_shared>> -> memref<16xi32, #tpu.memory_space<vmem_shared>>
      tpu.enqueue_dma source(%arg8 : memref<16xi32, #tpu.memory_space<vmem>>) target(%dma_start3A_189 : memref<16xi32, #tpu.memory_space<vmem_shared>>) target_semaphore(%run_scoped3A : memref<!tpu.dma_semaphore, #tpu.memory_space<semaphore_mem>>)
      %dma_wait3A_190 = arith.constant 0 : i32
      %dma_wait3A_191 = tpu.memref_slice %arg9[%arg1, %dma_wait3A_190] : memref<16x16xi32, #tpu.memory_space<vmem_shared>> -> memref<1x16xi32, #tpu.memory_space<vmem_shared>>
      %dma_wait3A_192 = tpu.memref_squeeze %dma_wait3A_191 : memref<1x16xi32, #tpu.memory_space<vmem_shared>> -> memref<16xi32, #tpu.memory_space<vmem_shared>>
      %dma_wait3A_193 = arith.constant 0 : i32
      %dma_wait3A_194 = tpu.memref_slice %arg9[%arg1, %dma_wait3A_193] : memref<16x16xi32, #tpu.memory_space<vmem_shared>> -> memref<1x16xi32, #tpu.memory_space<vmem_shared>>
      %dma_wait3A_195 = tpu.memref_squeeze %dma_wait3A_194 : memref<1x16xi32, #tpu.memory_space<vmem_shared>> -> memref<16xi32, #tpu.memory_space<vmem_shared>>
      tpu.wait_dma2 semaphore(%run_scoped3A : memref<!tpu.dma_semaphore, #tpu.memory_space<semaphore_mem>>) src(%arg8 : memref<16xi32, #tpu.memory_space<vmem>>) dst(%dma_wait3A_195 : memref<16xi32, #tpu.memory_space<vmem_shared>>)
      tpu.yield
    }) : () -> ()
    "tpu.region"() ({
      %run_scoped3A = tpu.sem_alloc : memref<!tpu.dma_semaphore, #tpu.memory_space<semaphore_mem>>
      %dma_start3A_184 = arith.constant 0 : i32
      %dma_start3A_185 = tpu.memref_slice %arg9[%arg1, %dma_start3A_184] : memref<16x16xi32, #tpu.memory_space<vmem_shared>> -> memref<1x16xi32, #tpu.memory_space<vmem_shared>>
      %dma_start3A_186 = tpu.memref_squeeze %dma_start3A_185 : memref<1x16xi32, #tpu.memory_space<vmem_shared>> -> memref<16xi32, #tpu.memory_space<vmem_shared>>
      tpu.enqueue_dma source(%dma_start3A_186 : memref<16xi32, #tpu.memory_space<vmem_shared>>) target(%arg10 : memref<16xi32, #tpu.memory_space<smem>>) target_semaphore(%run_scoped3A : memref<!tpu.dma_semaphore, #tpu.memory_space<semaphore_mem>>)
      %dma_wait3A_187 = arith.constant 0 : i32
      %dma_wait3A_188 = tpu.memref_slice %arg9[%arg1, %dma_wait3A_187] : memref<16x16xi32, #tpu.memory_space<vmem_shared>> -> memref<1x16xi32, #tpu.memory_space<vmem_shared>>
      %dma_wait3A_189 = tpu.memref_squeeze %dma_wait3A_188 : memref<1x16xi32, #tpu.memory_space<vmem_shared>> -> memref<16xi32, #tpu.memory_space<vmem_shared>>
      tpu.wait_dma2 semaphore(%run_scoped3A : memref<!tpu.dma_semaphore, #tpu.memory_space<semaphore_mem>>) src(%dma_wait3A_189 : memref<16xi32, #tpu.memory_space<vmem_shared>>) dst(%arg10 : memref<16xi32, #tpu.memory_space<smem>>)
      tpu.yield
    }) : () -> ()
    %get3A = arith.constant 0 : i32
    %get3A_14 = arith.index_cast %get3A : i32 to index
    %get3A_15 = memref.load %arg10[%get3A_14] : memref<16xi32, #tpu.memory_space<smem>>
    %get3A_16 = arith.constant 1 : i32
    %get3A_17 = arith.index_cast %get3A_16 : i32 to index
    %get3A_18 = memref.load %arg10[%get3A_17] : memref<16xi32, #tpu.memory_space<smem>>
    %min3A = arith.minsi %get3A_15, %get3A_18 : i32
    %get3A_19 = arith.constant 2 : i32
    %get3A_20 = arith.index_cast %get3A_19 : i32 to index
    %get3A_21 = memref.load %arg10[%get3A_20] : memref<16xi32, #tpu.memory_space<smem>>
    %min3A_22 = arith.minsi %min3A, %get3A_21 : i32
    %get3A_23 = arith.constant 3 : i32
    %get3A_24 = arith.index_cast %get3A_23 : i32 to index
    %get3A_25 = memref.load %arg10[%get3A_24] : memref<16xi32, #tpu.memory_space<smem>>
    %min3A_26 = arith.minsi %min3A_22, %get3A_25 : i32
    %get3A_27 = arith.constant 4 : i32
    %get3A_28 = arith.index_cast %get3A_27 : i32 to index
    %get3A_29 = memref.load %arg10[%get3A_28] : memref<16xi32, #tpu.memory_space<smem>>
    %min3A_30 = arith.minsi %min3A_26, %get3A_29 : i32
    %get3A_31 = arith.constant 5 : i32
    %get3A_32 = arith.index_cast %get3A_31 : i32 to index
    %get3A_33 = memref.load %arg10[%get3A_32] : memref<16xi32, #tpu.memory_space<smem>>
    %min3A_34 = arith.minsi %min3A_30, %get3A_33 : i32
    %get3A_35 = arith.constant 6 : i32
    %get3A_36 = arith.index_cast %get3A_35 : i32 to index
    %get3A_37 = memref.load %arg10[%get3A_36] : memref<16xi32, #tpu.memory_space<smem>>
    %min3A_38 = arith.minsi %min3A_34, %get3A_37 : i32
    %get3A_39 = arith.constant 7 : i32
    %get3A_40 = arith.index_cast %get3A_39 : i32 to index
    %get3A_41 = memref.load %arg10[%get3A_40] : memref<16xi32, #tpu.memory_space<smem>>
    %min3A_42 = arith.minsi %min3A_38, %get3A_41 : i32
    %get3A_43 = arith.constant 8 : i32
    %get3A_44 = arith.index_cast %get3A_43 : i32 to index
    %get3A_45 = memref.load %arg10[%get3A_44] : memref<16xi32, #tpu.memory_space<smem>>
    %min3A_46 = arith.minsi %min3A_42, %get3A_45 : i32
    %get3A_47 = arith.constant 9 : i32
    %get3A_48 = arith.index_cast %get3A_47 : i32 to index
    %get3A_49 = memref.load %arg10[%get3A_48] : memref<16xi32, #tpu.memory_space<smem>>
    %min3A_50 = arith.minsi %min3A_46, %get3A_49 : i32
    %get3A_51 = arith.constant 10 : i32
    %get3A_52 = arith.index_cast %get3A_51 : i32 to index
    %get3A_53 = memref.load %arg10[%get3A_52] : memref<16xi32, #tpu.memory_space<smem>>
    %min3A_54 = arith.minsi %min3A_50, %get3A_53 : i32
    %get3A_55 = arith.constant 11 : i32
    %get3A_56 = arith.index_cast %get3A_55 : i32 to index
    %get3A_57 = memref.load %arg10[%get3A_56] : memref<16xi32, #tpu.memory_space<smem>>
    %min3A_58 = arith.minsi %min3A_54, %get3A_57 : i32
    %get3A_59 = arith.constant 12 : i32
    %get3A_60 = arith.index_cast %get3A_59 : i32 to index
    %get3A_61 = memref.load %arg10[%get3A_60] : memref<16xi32, #tpu.memory_space<smem>>
    %min3A_62 = arith.minsi %min3A_58, %get3A_61 : i32
    %get3A_63 = arith.constant 13 : i32
    %get3A_64 = arith.index_cast %get3A_63 : i32 to index
    %get3A_65 = memref.load %arg10[%get3A_64] : memref<16xi32, #tpu.memory_space<smem>>
    %min3A_66 = arith.minsi %min3A_62, %get3A_65 : i32
    %get3A_67 = arith.constant 14 : i32
    %get3A_68 = arith.index_cast %get3A_67 : i32 to index
    %get3A_69 = memref.load %arg10[%get3A_68] : memref<16xi32, #tpu.memory_space<smem>>
    %min3A_70 = arith.minsi %min3A_66, %get3A_69 : i32
    %get3A_71 = arith.constant 15 : i32
    %get3A_72 = arith.index_cast %get3A_71 : i32 to index
    %get3A_73 = memref.load %arg10[%get3A_72] : memref<16xi32, #tpu.memory_space<smem>>
    %min3A_74 = arith.minsi %min3A_70, %get3A_73 : i32
    %eq3A = arith.constant 0 : i32
    %eq3A_75 = arith.cmpi eq, %min3A_74, %eq3A : i32
    %dma_wait3A = arith.constant 0 : i32
    %dma_wait3A_76 = tpu.memref_slice %arg5[%dma_wait3A] : memref<6400xi32, #tpu.memory_space<vmem>> -> memref<1600xi32, #tpu.memory_space<vmem>>
    %dma_wait3A_77 = arith.constant 0 : i32
    %dma_wait3A_78 = arith.constant 0 : i32
    %dma_wait3A_79 = tpu.memref_slice %arg3[%dma_wait3A_77, %dma_wait3A_78] : memref<1000000x32xf32, #tpu.memory_space<hbm>> -> memref<1000000x32xf32, #tpu.memory_space<hbm>>
    tpu.wait_indirect_dma semaphore(%arg11 : memref<!tpu.dma_semaphore, #tpu.memory_space<semaphore_mem>>) src(%dma_wait3A_79 : memref<1000000x32xf32, #tpu.memory_space<hbm>>) dst(%arg6 : memref<1600x32xf32, #tpu.memory_space<vmem>>)
    %dma_start3A_80 = arith.constant 1600 : i32
    %dma_start3A_81 = tpu.memref_slice %arg5[%dma_start3A_80] : memref<6400xi32, #tpu.memory_space<vmem>> -> memref<1600xi32, #tpu.memory_space<vmem>>
    %dma_start3A_82 = arith.constant 0 : i32
    %dma_start3A_83 = arith.constant 0 : i32
    %dma_start3A_84 = tpu.memref_slice %arg3[%dma_start3A_82, %dma_start3A_83] : memref<1000000x32xf32, #tpu.memory_space<hbm>> -> memref<1000000x32xf32, #tpu.memory_space<hbm>>
    tpu.enqueue_indirect_dma source(%dma_start3A_84 : memref<1000000x32xf32, #tpu.memory_space<hbm>>) target(%arg7 : memref<1600x32xf32, #tpu.memory_space<vmem>>) offsets(%dma_start3A_81 : memref<1600xi32, #tpu.memory_space<vmem>>) semaphore(%arg12 : memref<!tpu.dma_semaphore, #tpu.memory_space<semaphore_mem>>)
    %convert_element_type3A = arith.extui %eq3A_75 : i1 to i32
    %cond3A = arith.constant 0 : i32
    %cond3A_85 = arith.cmpi ne, %convert_element_type3A, %cond3A : i32
    scf.if %cond3A_85 {
      %scan3A_184 = arith.constant 0 : i32
      %scan3A_185 = arith.constant 0 : i32
      %scan3A_186 = arith.constant 100 : i32
      %scan3A_187 = arith.addi %scan3A_185, %scan3A_186 : i32
      %scan3A_188 = arith.constant 1 : i32
      scf.for %scan3A_190 = %scan3A_185 to %scan3A_187 step %scan3A_188  : i32 {
        %mul3A_191 = arith.constant 16 : i32
        %mul3A_192 = arith.muli %scan3A_190, %mul3A_191 : i32
        %add3A_193 = arith.constant 0 : i32
        %add3A_194 = arith.addi %add3A_193, %mul3A_192 : i32
        %get3A_195 = arith.index_cast %add3A_194 : i32 to index
        %get3A_196 = tpu.vector_load %arg5[%get3A_195] {strides = array<i32>} : memref<6400xi32, #tpu.memory_space<vmem>>, vector<16xi32>,
        %get3A_197 = vector.shape_cast %get3A_196 : vector<16xi32> to vector<16xi32>
        %eq3A_198 = arith.constant 0 : i32
        %eq3A_199 = vector.broadcast %eq3A_198 : i32 to vector<16xi32>
        %eq3A_200 = arith.cmpi eq, %get3A_197, %eq3A_199 : vector<16xi32>
        %jit3A = arith.constant 0.000000e+00 : f32
        %jit3A_201 = arith.constant 1.000000e+00 : f32
        %broadcast_in_dim3A_202 = vector.broadcast %jit3A : f32 to vector<16xf32>
        %broadcast_in_dim3A_203 = vector.broadcast %jit3A_201 : f32 to vector<16xf32>
        %select_n3A = arith.select %eq3A_200, %broadcast_in_dim3A_202, %broadcast_in_dim3A_203 : vector<16xi1>, vector<16xf32>
        %broadcast_in_dim3A_204 = arith.constant 0 : i32
        %broadcast_in_dim3A_205 = vector.broadcast %broadcast_in_dim3A_204 : i32 to vector<16x1xi32>
        %gather3A = vector.shape_cast %broadcast_in_dim3A_205 : vector<16x1xi32> to vector<16xi32>
        %gather3A_206 = tpu.dynamic_gather %select_n3A[%gather3A] in [0] : vector<16xf32>, vector<16xi32> -> vector<16xf32>
        %mul3A_207 = arith.constant 16 : i32
        %mul3A_208 = arith.muli %scan3A_190, %mul3A_207 : i32
        %add3A_209 = arith.constant 0 : i32
        %add3A_210 = arith.addi %mul3A_208, %add3A_209 : i32
        %get3A_211 = arith.index_cast %add3A_210 : i32 to index
        %get3A_212 = arith.constant 0 : index
        %get3A_213 = tpu.vector_load %arg6[%get3A_211, %get3A_212] {strides = array<i32>} : memref<1600x32xf32, #tpu.memory_space<vmem>>, vector<1x16xf32>,
        %get3A_214 = vector.shape_cast %get3A_213 : vector<1x16xf32> to vector<16xf32>
        %get3A_215 = arith.index_cast %add3A_210 : i32 to index
        %get3A_216 = arith.constant 16 : index
        %get3A_217 = tpu.vector_load %arg6[%get3A_215, %get3A_216] {strides = array<i32>} : memref<1600x32xf32, #tpu.memory_space<vmem>>, vector<1x16xf32>,
        %get3A_218 = vector.shape_cast %get3A_217 : vector<1x16xf32> to vector<16xf32>
        %mul3A_219 = arith.mulf %get3A_214, %gather3A_206 : vector<16xf32>
        %swap3A_220 = arith.index_cast %add3A_210 : i32 to index
        %swap3A_221 = arith.constant 0 : index
        %swap3A_222 = tpu.vector_load %arg6[%swap3A_220, %swap3A_221] {strides = array<i32>} : memref<1600x32xf32, #tpu.memory_space<vmem>>, vector<1x16xf32>,
        %swap3A_223 = vector.shape_cast %swap3A_222 : vector<1x16xf32> to vector<16xf32>
        %swap3A_224 = vector.shape_cast %mul3A_219 : vector<16xf32> to vector<1x16xf32>
        tpu.vector_store %arg6[%swap3A_220, %swap3A_221], %swap3A_224 {strides = array<i32>} : memref<1600x32xf32, #tpu.memory_space<vmem>>, vector<1x16xf32>,
        %mul3A_225 = arith.mulf %get3A_218, %gather3A_206 : vector<16xf32>
        %swap3A_226 = arith.index_cast %add3A_210 : i32 to index
        %swap3A_227 = arith.constant 16 : index
        %swap3A_228 = tpu.vector_load %arg6[%swap3A_226, %swap3A_227] {strides = array<i32>} : memref<1600x32xf32, #tpu.memory_space<vmem>>, vector<1x16xf32>,
        %swap3A_229 = vector.shape_cast %swap3A_228 : vector<1x16xf32> to vector<16xf32>
        %swap3A_230 = vector.shape_cast %mul3A_225 : vector<16xf32> to vector<1x16xf32>
        tpu.vector_store %arg6[%swap3A_226, %swap3A_227], %swap3A_230 {strides = array<i32>} : memref<1600x32xf32, #tpu.memory_space<vmem>>, vector<1x16xf32>,
        %broadcast_in_dim3A_231 = arith.constant 1 : i32
        %broadcast_in_dim3A_232 = vector.broadcast %broadcast_in_dim3A_231 : i32 to vector<16x1xi32>
        %gather3A_233 = vector.shape_cast %broadcast_in_dim3A_232 : vector<16x1xi32> to vector<16xi32>
        %gather3A_234 = tpu.dynamic_gather %select_n3A[%gather3A_233] in [0] : vector<16xf32>, vector<16xi32> -> vector<16xf32>
        %mul3A_235 = arith.constant 16 : i32
        %mul3A_236 = arith.muli %scan3A_190, %mul3A_235 : i32
        %add3A_237 = arith.constant 1 : i32
        %add3A_238 = arith.addi %mul3A_236, %add3A_237 : i32
        %get3A_239 = arith.index_cast %add3A_238 : i32 to index
        %get3A_240 = arith.constant 0 : index
        %get3A_241 = tpu.vector_load %arg6[%get3A_239, %get3A_240] {strides = array<i32>} : memref<1600x32xf32, #tpu.memory_space<vmem>>, vector<1x16xf32>,
        %get3A_242 = vector.shape_cast %get3A_241 : vector<1x16xf32> to vector<16xf32>
        %get3A_243 = arith.index_cast %add3A_238 : i32 to index
        %get3A_244 = arith.constant 16 : index
        %get3A_245 = tpu.vector_load %arg6[%get3A_243, %get3A_244] {strides = array<i32>} : memref<1600x32xf32, #tpu.memory_space<vmem>>, vector<1x16xf32>,
        %get3A_246 = vector.shape_cast %get3A_245 : vector<1x16xf32> to vector<16xf32>
        %mul3A_247 = arith.mulf %get3A_242, %gather3A_234 : vector<16xf32>
        %swap3A_248 = arith.index_cast %add3A_238 : i32 to index
        %swap3A_249 = arith.constant 0 : index
        %swap3A_250 = tpu.vector_load %arg6[%swap3A_248, %swap3A_249] {strides = array<i32>} : memref<1600x32xf32, #tpu.memory_space<vmem>>, vector<1x16xf32>,
        %swap3A_251 = vector.shape_cast %swap3A_250 : vector<1x16xf32> to vector<16xf32>
        %swap3A_252 = vector.shape_cast %mul3A_247 : vector<16xf32> to vector<1x16xf32>
        tpu.vector_store %arg6[%swap3A_248, %swap3A_249], %swap3A_252 {strides = array<i32>} : memref<1600x32xf32, #tpu.memory_space<vmem>>, vector<1x16xf32>,
        %mul3A_253 = arith.mulf %get3A_246, %gather3A_234 : vector<16xf32>
        %swap3A_254 = arith.index_cast %add3A_238 : i32 to index
        %swap3A_255 = arith.constant 16 : index
        %swap3A_256 = tpu.vector_load %arg6[%swap3A_254, %swap3A_255] {strides = array<i32>} : memref<1600x32xf32, #tpu.memory_space<vmem>>, vector<1x16xf32>,
        %swap3A_257 = vector.shape_cast %swap3A_256 : vector<1x16xf32> to vector<16xf32>
        %swap3A_258 = vector.shape_cast %mul3A_253 : vector<16xf32> to vector<1x16xf32>
        tpu.vector_store %arg6[%swap3A_254, %swap3A_255], %swap3A_258 {strides = array<i32>} : memref<1600x32xf32, #tpu.memory_space<vmem>>, vector<1x16xf32>,
        %broadcast_in_dim3A_259 = arith.constant 2 : i32
        %broadcast_in_dim3A_260 = vector.broadcast %broadcast_in_dim3A_259 : i32 to vector<16x1xi32>
        %gather3A_261 = vector.shape_cast %broadcast_in_dim3A_260 : vector<16x1xi32> to vector<16xi32>
        %gather3A_262 = tpu.dynamic_gather %select_n3A[%gather3A_261] in [0] : vector<16xf32>, vector<16xi32> -> vector<16xf32>
        %mul3A_263 = arith.constant 16 : i32
        %mul3A_264 = arith.muli %scan3A_190, %mul3A_263 : i32
        %add3A_265 = arith.constant 2 : i32
        %add3A_266 = arith.addi %mul3A_264, %add3A_265 : i32
        %get3A_267 = arith.index_cast %add3A_266 : i32 to index
        %get3A_268 = arith.constant 0 : index
        %get3A_269 = tpu.vector_load %arg6[%get3A_267, %get3A_268] {strides = array<i32>} : memref<1600x32xf32, #tpu.memory_space<vmem>>, vector<1x16xf32>,
        %get3A_270 = vector.shape_cast %get3A_269 : vector<1x16xf32> to vector<16xf32>
        %get3A_271 = arith.index_cast %add3A_266 : i32 to index
        %get3A_272 = arith.constant 16 : index
        %get3A_273 = tpu.vector_load %arg6[%get3A_271, %get3A_272] {strides = array<i32>} : memref<1600x32xf32, #tpu.memory_space<vmem>>, vector<1x16xf32>,
        %get3A_274 = vector.shape_cast %get3A_273 : vector<1x16xf32> to vector<16xf32>
        %mul3A_275 = arith.mulf %get3A_270, %gather3A_262 : vector<16xf32>
        %swap3A_276 = arith.index_cast %add3A_266 : i32 to index
        %swap3A_277 = arith.constant 0 : index
        %swap3A_278 = tpu.vector_load %arg6[%swap3A_276, %swap3A_277] {strides = array<i32>} : memref<1600x32xf32, #tpu.memory_space<vmem>>, vector<1x16xf32>,
        %swap3A_279 = vector.shape_cast %swap3A_278 : vector<1x16xf32> to vector<16xf32>
        %swap3A_280 = vector.shape_cast %mul3A_275 : vector<16xf32> to vector<1x16xf32>
        tpu.vector_store %arg6[%swap3A_276, %swap3A_277], %swap3A_280 {strides = array<i32>} : memref<1600x32xf32, #tpu.memory_space<vmem>>, vector<1x16xf32>,
        %mul3A_281 = arith.mulf %get3A_274, %gather3A_262 : vector<16xf32>
        %swap3A_282 = arith.index_cast %add3A_266 : i32 to index
        %swap3A_283 = arith.constant 16 : index
        %swap3A_284 = tpu.vector_load %arg6[%swap3A_282, %swap3A_283] {strides = array<i32>} : memref<1600x32xf32, #tpu.memory_space<vmem>>, vector<1x16xf32>,
        %swap3A_285 = vector.shape_cast %swap3A_284 : vector<1x16xf32> to vector<16xf32>
        %swap3A_286 = vector.shape_cast %mul3A_281 : vector<16xf32> to vector<1x16xf32>
        tpu.vector_store %arg6[%swap3A_282, %swap3A_283], %swap3A_286 {strides = array<i32>} : memref<1600x32xf32, #tpu.memory_space<vmem>>, vector<1x16xf32>,
        %broadcast_in_dim3A_287 = arith.constant 3 : i32
        %broadcast_in_dim3A_288 = vector.broadcast %broadcast_in_dim3A_287 : i32 to vector<16x1xi32>
        %gather3A_289 = vector.shape_cast %broadcast_in_dim3A_288 : vector<16x1xi32> to vector<16xi32>
        %gather3A_290 = tpu.dynamic_gather %select_n3A[%gather3A_289] in [0] : vector<16xf32>, vector<16xi32> -> vector<16xf32>
        %mul3A_291 = arith.constant 16 : i32
        %mul3A_292 = arith.muli %scan3A_190, %mul3A_291 : i32
        %add3A_293 = arith.constant 3 : i32
        %add3A_294 = arith.addi %mul3A_292, %add3A_293 : i32
        %get3A_295 = arith.index_cast %add3A_294 : i32 to index
        %get3A_296 = arith.constant 0 : index
        %get3A_297 = tpu.vector_load %arg6[%get3A_295, %get3A_296] {strides = array<i32>} : memref<1600x32xf32, #tpu.memory_space<vmem>>, vector<1x16xf32>,
        %get3A_298 = vector.shape_cast %get3A_297 : vector<1x16xf32> to vector<16xf32>
        %get3A_299 = arith.index_cast %add3A_294 : i32 to index
        %get3A_300 = arith.constant 16 : index
        %get3A_301 = tpu.vector_load %arg6[%get3A_299, %get3A_300] {strides = array<i32>} : memref<1600x32xf32, #tpu.memory_space<vmem>>, vector<1x16xf32>,
        %get3A_302 = vector.shape_cast %get3A_301 : vector<1x16xf32> to vector<16xf32>
        %mul3A_303 = arith.mulf %get3A_298, %gather3A_290 : vector<16xf32>
        %swap3A_304 = arith.index_cast %add3A_294 : i32 to index
        %swap3A_305 = arith.constant 0 : index
        %swap3A_306 = tpu.vector_load %arg6[%swap3A_304, %swap3A_305] {strides = array<i32>} : memref<1600x32xf32, #tpu.memory_space<vmem>>, vector<1x16xf32>,
        %swap3A_307 = vector.shape_cast %swap3A_306 : vector<1x16xf32> to vector<16xf32>
        %swap3A_308 = vector.shape_cast %mul3A_303 : vector<16xf32> to vector<1x16xf32>
        tpu.vector_store %arg6[%swap3A_304, %swap3A_305], %swap3A_308 {strides = array<i32>} : memref<1600x32xf32, #tpu.memory_space<vmem>>, vector<1x16xf32>,
        %mul3A_309 = arith.mulf %get3A_302, %gather3A_290 : vector<16xf32>
        %swap3A_310 = arith.index_cast %add3A_294 : i32 to index
        %swap3A_311 = arith.constant 16 : index
        %swap3A_312 = tpu.vector_load %arg6[%swap3A_310, %swap3A_311] {strides = array<i32>} : memref<1600x32xf32, #tpu.memory_space<vmem>>, vector<1x16xf32>,
        %swap3A_313 = vector.shape_cast %swap3A_312 : vector<1x16xf32> to vector<16xf32>
        %swap3A_314 = vector.shape_cast %mul3A_309 : vector<16xf32> to vector<1x16xf32>
        tpu.vector_store %arg6[%swap3A_310, %swap3A_311], %swap3A_314 {strides = array<i32>} : memref<1600x32xf32, #tpu.memory_space<vmem>>, vector<1x16xf32>,
        %broadcast_in_dim3A_315 = arith.constant 4 : i32
        %broadcast_in_dim3A_316 = vector.broadcast %broadcast_in_dim3A_315 : i32 to vector<16x1xi32>
        %gather3A_317 = vector.shape_cast %broadcast_in_dim3A_316 : vector<16x1xi32> to vector<16xi32>
        %gather3A_318 = tpu.dynamic_gather %select_n3A[%gather3A_317] in [0] : vector<16xf32>, vector<16xi32> -> vector<16xf32>
        %mul3A_319 = arith.constant 16 : i32
        %mul3A_320 = arith.muli %scan3A_190, %mul3A_319 : i32
        %add3A_321 = arith.constant 4 : i32
        %add3A_322 = arith.addi %mul3A_320, %add3A_321 : i32
        %get3A_323 = arith.index_cast %add3A_322 : i32 to index
        %get3A_324 = arith.constant 0 : index
        %get3A_325 = tpu.vector_load %arg6[%get3A_323, %get3A_324] {strides = array<i32>} : memref<1600x32xf32, #tpu.memory_space<vmem>>, vector<1x16xf32>,
        %get3A_326 = vector.shape_cast %get3A_325 : vector<1x16xf32> to vector<16xf32>
        %get3A_327 = arith.index_cast %add3A_322 : i32 to index
        %get3A_328 = arith.constant 16 : index
        %get3A_329 = tpu.vector_load %arg6[%get3A_327, %get3A_328] {strides = array<i32>} : memref<1600x32xf32, #tpu.memory_space<vmem>>, vector<1x16xf32>,
        %get3A_330 = vector.shape_cast %get3A_329 : vector<1x16xf32> to vector<16xf32>
        %mul3A_331 = arith.mulf %get3A_326, %gather3A_318 : vector<16xf32>
        %swap3A_332 = arith.index_cast %add3A_322 : i32 to index
        %swap3A_333 = arith.constant 0 : index
        %swap3A_334 = tpu.vector_load %arg6[%swap3A_332, %swap3A_333] {strides = array<i32>} : memref<1600x32xf32, #tpu.memory_space<vmem>>, vector<1x16xf32>,
        %swap3A_335 = vector.shape_cast %swap3A_334 : vector<1x16xf32> to vector<16xf32>
        %swap3A_336 = vector.shape_cast %mul3A_331 : vector<16xf32> to vector<1x16xf32>
        tpu.vector_store %arg6[%swap3A_332, %swap3A_333], %swap3A_336 {strides = array<i32>} : memref<1600x32xf32, #tpu.memory_space<vmem>>, vector<1x16xf32>,
        %mul3A_337 = arith.mulf %get3A_330, %gather3A_318 : vector<16xf32>
        %swap3A_338 = arith.index_cast %add3A_322 : i32 to index
        %swap3A_339 = arith.constant 16 : index
        %swap3A_340 = tpu.vector_load %arg6[%swap3A_338, %swap3A_339] {strides = array<i32>} : memref<1600x32xf32, #tpu.memory_space<vmem>>, vector<1x16xf32>,
        %swap3A_341 = vector.shape_cast %swap3A_340 : vector<1x16xf32> to vector<16xf32>
        %swap3A_342 = vector.shape_cast %mul3A_337 : vector<16xf32> to vector<1x16xf32>
        tpu.vector_store %arg6[%swap3A_338, %swap3A_339], %swap3A_342 {strides = array<i32>} : memref<1600x32xf32, #tpu.memory_space<vmem>>, vector<1x16xf32>,
        %broadcast_in_dim3A_343 = arith.constant 5 : i32
        %broadcast_in_dim3A_344 = vector.broadcast %broadcast_in_dim3A_343 : i32 to vector<16x1xi32>
        %gather3A_345 = vector.shape_cast %broadcast_in_dim3A_344 : vector<16x1xi32> to vector<16xi32>
        %gather3A_346 = tpu.dynamic_gather %select_n3A[%gather3A_345] in [0] : vector<16xf32>, vector<16xi32> -> vector<16xf32>
        %mul3A_347 = arith.constant 16 : i32
        %mul3A_348 = arith.muli %scan3A_190, %mul3A_347 : i32
        %add3A_349 = arith.constant 5 : i32
        %add3A_350 = arith.addi %mul3A_348, %add3A_349 : i32
        %get3A_351 = arith.index_cast %add3A_350 : i32 to index
        %get3A_352 = arith.constant 0 : index
        %get3A_353 = tpu.vector_load %arg6[%get3A_351, %get3A_352] {strides = array<i32>} : memref<1600x32xf32, #tpu.memory_space<vmem>>, vector<1x16xf32>,
        %get3A_354 = vector.shape_cast %get3A_353 : vector<1x16xf32> to vector<16xf32>
        %get3A_355 = arith.index_cast %add3A_350 : i32 to index
        %get3A_356 = arith.constant 16 : index
        %get3A_357 = tpu.vector_load %arg6[%get3A_355, %get3A_356] {strides = array<i32>} : memref<1600x32xf32, #tpu.memory_space<vmem>>, vector<1x16xf32>,
        %get3A_358 = vector.shape_cast %get3A_357 : vector<1x16xf32> to vector<16xf32>
        %mul3A_359 = arith.mulf %get3A_354, %gather3A_346 : vector<16xf32>
        %swap3A_360 = arith.index_cast %add3A_350 : i32 to index
        %swap3A_361 = arith.constant 0 : index
        %swap3A_362 = tpu.vector_load %arg6[%swap3A_360, %swap3A_361] {strides = array<i32>} : memref<1600x32xf32, #tpu.memory_space<vmem>>, vector<1x16xf32>,
        %swap3A_363 = vector.shape_cast %swap3A_362 : vector<1x16xf32> to vector<16xf32>
        %swap3A_364 = vector.shape_cast %mul3A_359 : vector<16xf32> to vector<1x16xf32>
        tpu.vector_store %arg6[%swap3A_360, %swap3A_361], %swap3A_364 {strides = array<i32>} : memref<1600x32xf32, #tpu.memory_space<vmem>>, vector<1x16xf32>,
        %mul3A_365 = arith.mulf %get3A_358, %gather3A_346 : vector<16xf32>
        %swap3A_366 = arith.index_cast %add3A_350 : i32 to index
        %swap3A_367 = arith.constant 16 : index
        %swap3A_368 = tpu.vector_load %arg6[%swap3A_366, %swap3A_367] {strides = array<i32>} : memref<1600x32xf32, #tpu.memory_space<vmem>>, vector<1x16xf32>,
        %swap3A_369 = vector.shape_cast %swap3A_368 : vector<1x16xf32> to vector<16xf32>
        %swap3A_370 = vector.shape_cast %mul3A_365 : vector<16xf32> to vector<1x16xf32>
        tpu.vector_store %arg6[%swap3A_366, %swap3A_367], %swap3A_370 {strides = array<i32>} : memref<1600x32xf32, #tpu.memory_space<vmem>>, vector<1x16xf32>,
        %broadcast_in_dim3A_371 = arith.constant 6 : i32
        %broadcast_in_dim3A_372 = vector.broadcast %broadcast_in_dim3A_371 : i32 to vector<16x1xi32>
        %gather3A_373 = vector.shape_cast %broadcast_in_dim3A_372 : vector<16x1xi32> to vector<16xi32>
        %gather3A_374 = tpu.dynamic_gather %select_n3A[%gather3A_373] in [0] : vector<16xf32>, vector<16xi32> -> vector<16xf32>
        %mul3A_375 = arith.constant 16 : i32
        %mul3A_376 = arith.muli %scan3A_190, %mul3A_375 : i32
        %add3A_377 = arith.constant 6 : i32
        %add3A_378 = arith.addi %mul3A_376, %add3A_377 : i32
        %get3A_379 = arith.index_cast %add3A_378 : i32 to index
        %get3A_380 = arith.constant 0 : index
        %get3A_381 = tpu.vector_load %arg6[%get3A_379, %get3A_380] {strides = array<i32>} : memref<1600x32xf32, #tpu.memory_space<vmem>>, vector<1x16xf32>,
        %get3A_382 = vector.shape_cast %get3A_381 : vector<1x16xf32> to vector<16xf32>
        %get3A_383 = arith.index_cast %add3A_378 : i32 to index
        %get3A_384 = arith.constant 16 : index
        %get3A_385 = tpu.vector_load %arg6[%get3A_383, %get3A_384] {strides = array<i32>} : memref<1600x32xf32, #tpu.memory_space<vmem>>, vector<1x16xf32>,
        %get3A_386 = vector.shape_cast %get3A_385 : vector<1x16xf32> to vector<16xf32>
        %mul3A_387 = arith.mulf %get3A_382, %gather3A_374 : vector<16xf32>
        %swap3A_388 = arith.index_cast %add3A_378 : i32 to index
        %swap3A_389 = arith.constant 0 : index
        %swap3A_390 = tpu.vector_load %arg6[%swap3A_388, %swap3A_389] {strides = array<i32>} : memref<1600x32xf32, #tpu.memory_space<vmem>>, vector<1x16xf32>,
        %swap3A_391 = vector.shape_cast %swap3A_390 : vector<1x16xf32> to vector<16xf32>
        %swap3A_392 = vector.shape_cast %mul3A_387 : vector<16xf32> to vector<1x16xf32>
        tpu.vector_store %arg6[%swap3A_388, %swap3A_389], %swap3A_392 {strides = array<i32>} : memref<1600x32xf32, #tpu.memory_space<vmem>>, vector<1x16xf32>,
        %mul3A_393 = arith.mulf %get3A_386, %gather3A_374 : vector<16xf32>
        %swap3A_394 = arith.index_cast %add3A_378 : i32 to index
        %swap3A_395 = arith.constant 16 : index
        %swap3A_396 = tpu.vector_load %arg6[%swap3A_394, %swap3A_395] {strides = array<i32>} : memref<1600x32xf32, #tpu.memory_space<vmem>>, vector<1x16xf32>,
        %swap3A_397 = vector.shape_cast %swap3A_396 : vector<1x16xf32> to vector<16xf32>
        %swap3A_398 = vector.shape_cast %mul3A_393 : vector<16xf32> to vector<1x16xf32>
        tpu.vector_store %arg6[%swap3A_394, %swap3A_395], %swap3A_398 {strides = array<i32>} : memref<1600x32xf32, #tpu.memory_space<vmem>>, vector<1x16xf32>,
        %broadcast_in_dim3A_399 = arith.constant 7 : i32
        %broadcast_in_dim3A_400 = vector.broadcast %broadcast_in_dim3A_399 : i32 to vector<16x1xi32>
        %gather3A_401 = vector.shape_cast %broadcast_in_dim3A_400 : vector<16x1xi32> to vector<16xi32>
        %gather3A_402 = tpu.dynamic_gather %select_n3A[%gather3A_401] in [0] : vector<16xf32>, vector<16xi32> -> vector<16xf32>
        %mul3A_403 = arith.constant 16 : i32
        %mul3A_404 = arith.muli %scan3A_190, %mul3A_403 : i32
        %add3A_405 = arith.constant 7 : i32
        %add3A_406 = arith.addi %mul3A_404, %add3A_405 : i32
        %get3A_407 = arith.index_cast %add3A_406 : i32 to index
        %get3A_408 = arith.constant 0 : index
        %get3A_409 = tpu.vector_load %arg6[%get3A_407, %get3A_408] {strides = array<i32>} : memref<1600x32xf32, #tpu.memory_space<vmem>>, vector<1x16xf32>,
        %get3A_410 = vector.shape_cast %get3A_409 : vector<1x16xf32> to vector<16xf32>
        %get3A_411 = arith.index_cast %add3A_406 : i32 to index
        %get3A_412 = arith.constant 16 : index
        %get3A_413 = tpu.vector_load %arg6[%get3A_411, %get3A_412] {strides = array<i32>} : memref<1600x32xf32, #tpu.memory_space<vmem>>, vector<1x16xf32>,
        %get3A_414 = vector.shape_cast %get3A_413 : vector<1x16xf32> to vector<16xf32>
        %mul3A_415 = arith.mulf %get3A_410, %gather3A_402 : vector<16xf32>
        %swap3A_416 = arith.index_cast %add3A_406 : i32 to index
        %swap3A_417 = arith.constant 0 : index
        %swap3A_418 = tpu.vector_load %arg6[%swap3A_416, %swap3A_417] {strides = array<i32>} : memref<1600x32xf32, #tpu.memory_space<vmem>>, vector<1x16xf32>,
        %swap3A_419 = vector.shape_cast %swap3A_418 : vector<1x16xf32> to vector<16xf32>
        %swap3A_420 = vector.shape_cast %mul3A_415 : vector<16xf32> to vector<1x16xf32>
        tpu.vector_store %arg6[%swap3A_416, %swap3A_417], %swap3A_420 {strides = array<i32>} : memref<1600x32xf32, #tpu.memory_space<vmem>>, vector<1x16xf32>,
        %mul3A_421 = arith.mulf %get3A_414, %gather3A_402 : vector<16xf32>
        %swap3A_422 = arith.index_cast %add3A_406 : i32 to index
        %swap3A_423 = arith.constant 16 : index
        %swap3A_424 = tpu.vector_load %arg6[%swap3A_422, %swap3A_423] {strides = array<i32>} : memref<1600x32xf32, #tpu.memory_space<vmem>>, vector<1x16xf32>,
        %swap3A_425 = vector.shape_cast %swap3A_424 : vector<1x16xf32> to vector<16xf32>
        %swap3A_426 = vector.shape_cast %mul3A_421 : vector<16xf32> to vector<1x16xf32>
        tpu.vector_store %arg6[%swap3A_422, %swap3A_423], %swap3A_426 {strides = array<i32>} : memref<1600x32xf32, #tpu.memory_space<vmem>>, vector<1x16xf32>,
        %broadcast_in_dim3A_427 = arith.constant 8 : i32
        %broadcast_in_dim3A_428 = vector.broadcast %broadcast_in_dim3A_427 : i32 to vector<16x1xi32>
        %gather3A_429 = vector.shape_cast %broadcast_in_dim3A_428 : vector<16x1xi32> to vector<16xi32>
        %gather3A_430 = tpu.dynamic_gather %select_n3A[%gather3A_429] in [0] : vector<16xf32>, vector<16xi32> -> vector<16xf32>
        %mul3A_431 = arith.constant 16 : i32
        %mul3A_432 = arith.muli %scan3A_190, %mul3A_431 : i32
        %add3A_433 = arith.constant 8 : i32
        %add3A_434 = arith.addi %mul3A_432, %add3A_433 : i32
        %get3A_435 = arith.index_cast %add3A_434 : i32 to index
        %get3A_436 = arith.constant 0 : index
        %get3A_437 = tpu.vector_load %arg6[%get3A_435, %get3A_436] {strides = array<i32>} : memref<1600x32xf32, #tpu.memory_space<vmem>>, vector<1x16xf32>,
        %get3A_438 = vector.shape_cast %get3A_437 : vector<1x16xf32> to vector<16xf32>
        %get3A_439 = arith.index_cast %add3A_434 : i32 to index
        %get3A_440 = arith.constant 16 : index
        %get3A_441 = tpu.vector_load %arg6[%get3A_439, %get3A_440] {strides = array<i32>} : memref<1600x32xf32, #tpu.memory_space<vmem>>, vector<1x16xf32>,
        %get3A_442 = vector.shape_cast %get3A_441 : vector<1x16xf32> to vector<16xf32>
        %mul3A_443 = arith.mulf %get3A_438, %gather3A_430 : vector<16xf32>
        %swap3A_444 = arith.index_cast %add3A_434 : i32 to index
        %swap3A_445 = arith.constant 0 : index
        %swap3A_446 = tpu.vector_load %arg6[%swap3A_444, %swap3A_445] {strides = array<i32>} : memref<1600x32xf32, #tpu.memory_space<vmem>>, vector<1x16xf32>,
        %swap3A_447 = vector.shape_cast %swap3A_446 : vector<1x16xf32> to vector<16xf32>
        %swap3A_448 = vector.shape_cast %mul3A_443 : vector<16xf32> to vector<1x16xf32>
        tpu.vector_store %arg6[%swap3A_444, %swap3A_445], %swap3A_448 {strides = array<i32>} : memref<1600x32xf32, #tpu.memory_space<vmem>>, vector<1x16xf32>,
        %mul3A_449 = arith.mulf %get3A_442, %gather3A_430 : vector<16xf32>
        %swap3A_450 = arith.index_cast %add3A_434 : i32 to index
        %swap3A_451 = arith.constant 16 : index
        %swap3A_452 = tpu.vector_load %arg6[%swap3A_450, %swap3A_451] {strides = array<i32>} : memref<1600x32xf32, #tpu.memory_space<vmem>>, vector<1x16xf32>,
        %swap3A_453 = vector.shape_cast %swap3A_452 : vector<1x16xf32> to vector<16xf32>
        %swap3A_454 = vector.shape_cast %mul3A_449 : vector<16xf32> to vector<1x16xf32>
        tpu.vector_store %arg6[%swap3A_450, %swap3A_451], %swap3A_454 {strides = array<i32>} : memref<1600x32xf32, #tpu.memory_space<vmem>>, vector<1x16xf32>,
        %broadcast_in_dim3A_455 = arith.constant 9 : i32
        %broadcast_in_dim3A_456 = vector.broadcast %broadcast_in_dim3A_455 : i32 to vector<16x1xi32>
        %gather3A_457 = vector.shape_cast %broadcast_in_dim3A_456 : vector<16x1xi32> to vector<16xi32>
        %gather3A_458 = tpu.dynamic_gather %select_n3A[%gather3A_457] in [0] : vector<16xf32>, vector<16xi32> -> vector<16xf32>
        %mul3A_459 = arith.constant 16 : i32
        %mul3A_460 = arith.muli %scan3A_190, %mul3A_459 : i32
        %add3A_461 = arith.constant 9 : i32
        %add3A_462 = arith.addi %mul3A_460, %add3A_461 : i32
        %get3A_463 = arith.index_cast %add3A_462 : i32 to index
        %get3A_464 = arith.constant 0 : index
        %get3A_465 = tpu.vector_load %arg6[%get3A_463, %get3A_464] {strides = array<i32>} : memref<1600x32xf32, #tpu.memory_space<vmem>>, vector<1x16xf32>,
        %get3A_466 = vector.shape_cast %get3A_465 : vector<1x16xf32> to vector<16xf32>
        %get3A_467 = arith.index_cast %add3A_462 : i32 to index
        %get3A_468 = arith.constant 16 : index
        %get3A_469 = tpu.vector_load %arg6[%get3A_467, %get3A_468] {strides = array<i32>} : memref<1600x32xf32, #tpu.memory_space<vmem>>, vector<1x16xf32>,
        %get3A_470 = vector.shape_cast %get3A_469 : vector<1x16xf32> to vector<16xf32>
        %mul3A_471 = arith.mulf %get3A_466, %gather3A_458 : vector<16xf32>
        %swap3A_472 = arith.index_cast %add3A_462 : i32 to index
        %swap3A_473 = arith.constant 0 : index
        %swap3A_474 = tpu.vector_load %arg6[%swap3A_472, %swap3A_473] {strides = array<i32>} : memref<1600x32xf32, #tpu.memory_space<vmem>>, vector<1x16xf32>,
        %swap3A_475 = vector.shape_cast %swap3A_474 : vector<1x16xf32> to vector<16xf32>
        %swap3A_476 = vector.shape_cast %mul3A_471 : vector<16xf32> to vector<1x16xf32>
        tpu.vector_store %arg6[%swap3A_472, %swap3A_473], %swap3A_476 {strides = array<i32>} : memref<1600x32xf32, #tpu.memory_space<vmem>>, vector<1x16xf32>,
        %mul3A_477 = arith.mulf %get3A_470, %gather3A_458 : vector<16xf32>
        %swap3A_478 = arith.index_cast %add3A_462 : i32 to index
        %swap3A_479 = arith.constant 16 : index
        %swap3A_480 = tpu.vector_load %arg6[%swap3A_478, %swap3A_479] {strides = array<i32>} : memref<1600x32xf32, #tpu.memory_space<vmem>>, vector<1x16xf32>,
        %swap3A_481 = vector.shape_cast %swap3A_480 : vector<1x16xf32> to vector<16xf32>
        %swap3A_482 = vector.shape_cast %mul3A_477 : vector<16xf32> to vector<1x16xf32>
        tpu.vector_store %arg6[%swap3A_478, %swap3A_479], %swap3A_482 {strides = array<i32>} : memref<1600x32xf32, #tpu.memory_space<vmem>>, vector<1x16xf32>,
        %broadcast_in_dim3A_483 = arith.constant 10 : i32
        %broadcast_in_dim3A_484 = vector.broadcast %broadcast_in_dim3A_483 : i32 to vector<16x1xi32>
        %gather3A_485 = vector.shape_cast %broadcast_in_dim3A_484 : vector<16x1xi32> to vector<16xi32>
        %gather3A_486 = tpu.dynamic_gather %select_n3A[%gather3A_485] in [0] : vector<16xf32>, vector<16xi32> -> vector<16xf32>
        %mul3A_487 = arith.constant 16 : i32
        %mul3A_488 = arith.muli %scan3A_190, %mul3A_487 : i32
        %add3A_489 = arith.constant 10 : i32
        %add3A_490 = arith.addi %mul3A_488, %add3A_489 : i32
        %get3A_491 = arith.index_cast %add3A_490 : i32 to index
        %get3A_492 = arith.constant 0 : index
        %get3A_493 = tpu.vector_load %arg6[%get3A_491, %get3A_492] {strides = array<i32>} : memref<1600x32xf32, #tpu.memory_space<vmem>>, vector<1x16xf32>,
        %get3A_494 = vector.shape_cast %get3A_493 : vector<1x16xf32> to vector<16xf32>
        %get3A_495 = arith.index_cast %add3A_490 : i32 to index
        %get3A_496 = arith.constant 16 : index
        %get3A_497 = tpu.vector_load %arg6[%get3A_495, %get3A_496] {strides = array<i32>} : memref<1600x32xf32, #tpu.memory_space<vmem>>, vector<1x16xf32>,
        %get3A_498 = vector.shape_cast %get3A_497 : vector<1x16xf32> to vector<16xf32>
        %mul3A_499 = arith.mulf %get3A_494, %gather3A_486 : vector<16xf32>
        %swap3A_500 = arith.index_cast %add3A_490 : i32 to index
        %swap3A_501 = arith.constant 0 : index
        %swap3A_502 = tpu.vector_load %arg6[%swap3A_500, %swap3A_501] {strides = array<i32>} : memref<1600x32xf32, #tpu.memory_space<vmem>>, vector<1x16xf32>,
        %swap3A_503 = vector.shape_cast %swap3A_502 : vector<1x16xf32> to vector<16xf32>
        %swap3A_504 = vector.shape_cast %mul3A_499 : vector<16xf32> to vector<1x16xf32>
        tpu.vector_store %arg6[%swap3A_500, %swap3A_501], %swap3A_504 {strides = array<i32>} : memref<1600x32xf32, #tpu.memory_space<vmem>>, vector<1x16xf32>,
        %mul3A_505 = arith.mulf %get3A_498, %gather3A_486 : vector<16xf32>
        %swap3A_506 = arith.index_cast %add3A_490 : i32 to index
        %swap3A_507 = arith.constant 16 : index
        %swap3A_508 = tpu.vector_load %arg6[%swap3A_506, %swap3A_507] {strides = array<i32>} : memref<1600x32xf32, #tpu.memory_space<vmem>>, vector<1x16xf32>,
        %swap3A_509 = vector.shape_cast %swap3A_508 : vector<1x16xf32> to vector<16xf32>
        %swap3A_510 = vector.shape_cast %mul3A_505 : vector<16xf32> to vector<1x16xf32>
        tpu.vector_store %arg6[%swap3A_506, %swap3A_507], %swap3A_510 {strides = array<i32>} : memref<1600x32xf32, #tpu.memory_space<vmem>>, vector<1x16xf32>,
        %broadcast_in_dim3A_511 = arith.constant 11 : i32
        %broadcast_in_dim3A_512 = vector.broadcast %broadcast_in_dim3A_511 : i32 to vector<16x1xi32>
        %gather3A_513 = vector.shape_cast %broadcast_in_dim3A_512 : vector<16x1xi32> to vector<16xi32>
        %gather3A_514 = tpu.dynamic_gather %select_n3A[%gather3A_513] in [0] : vector<16xf32>, vector<16xi32> -> vector<16xf32>
        %mul3A_515 = arith.constant 16 : i32
        %mul3A_516 = arith.muli %scan3A_190, %mul3A_515 : i32
        %add3A_517 = arith.constant 11 : i32
        %add3A_518 = arith.addi %mul3A_516, %add3A_517 : i32
        %get3A_519 = arith.index_cast %add3A_518 : i32 to index
        %get3A_520 = arith.constant 0 : index
        %get3A_521 = tpu.vector_load %arg6[%get3A_519, %get3A_520] {strides = array<i32>} : memref<1600x32xf32, #tpu.memory_space<vmem>>, vector<1x16xf32>,
        %get3A_522 = vector.shape_cast %get3A_521 : vector<1x16xf32> to vector<16xf32>
        %get3A_523 = arith.index_cast %add3A_518 : i32 to index
        %get3A_524 = arith.constant 16 : index
        %get3A_525 = tpu.vector_load %arg6[%get3A_523, %get3A_524] {strides = array<i32>} : memref<1600x32xf32, #tpu.memory_space<vmem>>, vector<1x16xf32>,
        %get3A_526 = vector.shape_cast %get3A_525 : vector<1x16xf32> to vector<16xf32>
        %mul3A_527 = arith.mulf %get3A_522, %gather3A_514 : vector<16xf32>
        %swap3A_528 = arith.index_cast %add3A_518 : i32 to index
        %swap3A_529 = arith.constant 0 : index
        %swap3A_530 = tpu.vector_load %arg6[%swap3A_528, %swap3A_529] {strides = array<i32>} : memref<1600x32xf32, #tpu.memory_space<vmem>>, vector<1x16xf32>,
        %swap3A_531 = vector.shape_cast %swap3A_530 : vector<1x16xf32> to vector<16xf32>
        %swap3A_532 = vector.shape_cast %mul3A_527 : vector<16xf32> to vector<1x16xf32>
        tpu.vector_store %arg6[%swap3A_528, %swap3A_529], %swap3A_532 {strides = array<i32>} : memref<1600x32xf32, #tpu.memory_space<vmem>>, vector<1x16xf32>,
        %mul3A_533 = arith.mulf %get3A_526, %gather3A_514 : vector<16xf32>
        %swap3A_534 = arith.index_cast %add3A_518 : i32 to index
        %swap3A_535 = arith.constant 16 : index
        %swap3A_536 = tpu.vector_load %arg6[%swap3A_534, %swap3A_535] {strides = array<i32>} : memref<1600x32xf32, #tpu.memory_space<vmem>>, vector<1x16xf32>,
        %swap3A_537 = vector.shape_cast %swap3A_536 : vector<1x16xf32> to vector<16xf32>
        %swap3A_538 = vector.shape_cast %mul3A_533 : vector<16xf32> to vector<1x16xf32>
        tpu.vector_store %arg6[%swap3A_534, %swap3A_535], %swap3A_538 {strides = array<i32>} : memref<1600x32xf32, #tpu.memory_space<vmem>>, vector<1x16xf32>,
        %broadcast_in_dim3A_539 = arith.constant 12 : i32
        %broadcast_in_dim3A_540 = vector.broadcast %broadcast_in_dim3A_539 : i32 to vector<16x1xi32>
        %gather3A_541 = vector.shape_cast %broadcast_in_dim3A_540 : vector<16x1xi32> to vector<16xi32>
        %gather3A_542 = tpu.dynamic_gather %select_n3A[%gather3A_541] in [0] : vector<16xf32>, vector<16xi32> -> vector<16xf32>
        %mul3A_543 = arith.constant 16 : i32
        %mul3A_544 = arith.muli %scan3A_190, %mul3A_543 : i32
        %add3A_545 = arith.constant 12 : i32
        %add3A_546 = arith.addi %mul3A_544, %add3A_545 : i32
        %get3A_547 = arith.index_cast %add3A_546 : i32 to index
        %get3A_548 = arith.constant 0 : index
        %get3A_549 = tpu.vector_load %arg6[%get3A_547, %get3A_548] {strides = array<i32>} : memref<1600x32xf32, #tpu.memory_space<vmem>>, vector<1x16xf32>,
        %get3A_550 = vector.shape_cast %get3A_549 : vector<1x16xf32> to vector<16xf32>
        %get3A_551 = arith.index_cast %add3A_546 : i32 to index
        %get3A_552 = arith.constant 16 : index
        %get3A_553 = tpu.vector_load %arg6[%get3A_551, %get3A_552] {strides = array<i32>} : memref<1600x32xf32, #tpu.memory_space<vmem>>, vector<1x16xf32>,
        %get3A_554 = vector.shape_cast %get3A_553 : vector<1x16xf32> to vector<16xf32>
        %mul3A_555 = arith.mulf %get3A_550, %gather3A_542 : vector<16xf32>
        %swap3A_556 = arith.index_cast %add3A_546 : i32 to index
        %swap3A_557 = arith.constant 0 : index
        %swap3A_558 = tpu.vector_load %arg6[%swap3A_556, %swap3A_557] {strides = array<i32>} : memref<1600x32xf32, #tpu.memory_space<vmem>>, vector<1x16xf32>,
        %swap3A_559 = vector.shape_cast %swap3A_558 : vector<1x16xf32> to vector<16xf32>
        %swap3A_560 = vector.shape_cast %mul3A_555 : vector<16xf32> to vector<1x16xf32>
        tpu.vector_store %arg6[%swap3A_556, %swap3A_557], %swap3A_560 {strides = array<i32>} : memref<1600x32xf32, #tpu.memory_space<vmem>>, vector<1x16xf32>,
        %mul3A_561 = arith.mulf %get3A_554, %gather3A_542 : vector<16xf32>
        %swap3A_562 = arith.index_cast %add3A_546 : i32 to index
        %swap3A_563 = arith.constant 16 : index
        %swap3A_564 = tpu.vector_load %arg6[%swap3A_562, %swap3A_563] {strides = array<i32>} : memref<1600x32xf32, #tpu.memory_space<vmem>>, vector<1x16xf32>,
        %swap3A_565 = vector.shape_cast %swap3A_564 : vector<1x16xf32> to vector<16xf32>
        %swap3A_566 = vector.shape_cast %mul3A_561 : vector<16xf32> to vector<1x16xf32>
        tpu.vector_store %arg6[%swap3A_562, %swap3A_563], %swap3A_566 {strides = array<i32>} : memref<1600x32xf32, #tpu.memory_space<vmem>>, vector<1x16xf32>,
        %broadcast_in_dim3A_567 = arith.constant 13 : i32
        %broadcast_in_dim3A_568 = vector.broadcast %broadcast_in_dim3A_567 : i32 to vector<16x1xi32>
        %gather3A_569 = vector.shape_cast %broadcast_in_dim3A_568 : vector<16x1xi32> to vector<16xi32>
        %gather3A_570 = tpu.dynamic_gather %select_n3A[%gather3A_569] in [0] : vector<16xf32>, vector<16xi32> -> vector<16xf32>
        %mul3A_571 = arith.constant 16 : i32
        %mul3A_572 = arith.muli %scan3A_190, %mul3A_571 : i32
        %add3A_573 = arith.constant 13 : i32
        %add3A_574 = arith.addi %mul3A_572, %add3A_573 : i32
        %get3A_575 = arith.index_cast %add3A_574 : i32 to index
        %get3A_576 = arith.constant 0 : index
        %get3A_577 = tpu.vector_load %arg6[%get3A_575, %get3A_576] {strides = array<i32>} : memref<1600x32xf32, #tpu.memory_space<vmem>>, vector<1x16xf32>,
        %get3A_578 = vector.shape_cast %get3A_577 : vector<1x16xf32> to vector<16xf32>
        %get3A_579 = arith.index_cast %add3A_574 : i32 to index
        %get3A_580 = arith.constant 16 : index
        %get3A_581 = tpu.vector_load %arg6[%get3A_579, %get3A_580] {strides = array<i32>} : memref<1600x32xf32, #tpu.memory_space<vmem>>, vector<1x16xf32>,
        %get3A_582 = vector.shape_cast %get3A_581 : vector<1x16xf32> to vector<16xf32>
        %mul3A_583 = arith.mulf %get3A_578, %gather3A_570 : vector<16xf32>
        %swap3A_584 = arith.index_cast %add3A_574 : i32 to index
        %swap3A_585 = arith.constant 0 : index
        %swap3A_586 = tpu.vector_load %arg6[%swap3A_584, %swap3A_585] {strides = array<i32>} : memref<1600x32xf32, #tpu.memory_space<vmem>>, vector<1x16xf32>,
        %swap3A_587 = vector.shape_cast %swap3A_586 : vector<1x16xf32> to vector<16xf32>
        %swap3A_588 = vector.shape_cast %mul3A_583 : vector<16xf32> to vector<1x16xf32>
        tpu.vector_store %arg6[%swap3A_584, %swap3A_585], %swap3A_588 {strides = array<i32>} : memref<1600x32xf32, #tpu.memory_space<vmem>>, vector<1x16xf32>,
        %mul3A_589 = arith.mulf %get3A_582, %gather3A_570 : vector<16xf32>
        %swap3A_590 = arith.index_cast %add3A_574 : i32 to index
        %swap3A_591 = arith.constant 16 : index
        %swap3A_592 = tpu.vector_load %arg6[%swap3A_590, %swap3A_591] {strides = array<i32>} : memref<1600x32xf32, #tpu.memory_space<vmem>>, vector<1x16xf32>,
        %swap3A_593 = vector.shape_cast %swap3A_592 : vector<1x16xf32> to vector<16xf32>
        %swap3A_594 = vector.shape_cast %mul3A_589 : vector<16xf32> to vector<1x16xf32>
        tpu.vector_store %arg6[%swap3A_590, %swap3A_591], %swap3A_594 {strides = array<i32>} : memref<1600x32xf32, #tpu.memory_space<vmem>>, vector<1x16xf32>,
        %broadcast_in_dim3A_595 = arith.constant 14 : i32
        %broadcast_in_dim3A_596 = vector.broadcast %broadcast_in_dim3A_595 : i32 to vector<16x1xi32>
        %gather3A_597 = vector.shape_cast %broadcast_in_dim3A_596 : vector<16x1xi32> to vector<16xi32>
        %gather3A_598 = tpu.dynamic_gather %select_n3A[%gather3A_597] in [0] : vector<16xf32>, vector<16xi32> -> vector<16xf32>
        %mul3A_599 = arith.constant 16 : i32
        %mul3A_600 = arith.muli %scan3A_190, %mul3A_599 : i32
        %add3A_601 = arith.constant 14 : i32
        %add3A_602 = arith.addi %mul3A_600, %add3A_601 : i32
        %get3A_603 = arith.index_cast %add3A_602 : i32 to index
        %get3A_604 = arith.constant 0 : index
        %get3A_605 = tpu.vector_load %arg6[%get3A_603, %get3A_604] {strides = array<i32>} : memref<1600x32xf32, #tpu.memory_space<vmem>>, vector<1x16xf32>,
        %get3A_606 = vector.shape_cast %get3A_605 : vector<1x16xf32> to vector<16xf32>
        %get3A_607 = arith.index_cast %add3A_602 : i32 to index
        %get3A_608 = arith.constant 16 : index
        %get3A_609 = tpu.vector_load %arg6[%get3A_607, %get3A_608] {strides = array<i32>} : memref<1600x32xf32, #tpu.memory_space<vmem>>, vector<1x16xf32>,
        %get3A_610 = vector.shape_cast %get3A_609 : vector<1x16xf32> to vector<16xf32>
        %mul3A_611 = arith.mulf %get3A_606, %gather3A_598 : vector<16xf32>
        %swap3A_612 = arith.index_cast %add3A_602 : i32 to index
        %swap3A_613 = arith.constant 0 : index
        %swap3A_614 = tpu.vector_load %arg6[%swap3A_612, %swap3A_613] {strides = array<i32>} : memref<1600x32xf32, #tpu.memory_space<vmem>>, vector<1x16xf32>,
        %swap3A_615 = vector.shape_cast %swap3A_614 : vector<1x16xf32> to vector<16xf32>
        %swap3A_616 = vector.shape_cast %mul3A_611 : vector<16xf32> to vector<1x16xf32>
        tpu.vector_store %arg6[%swap3A_612, %swap3A_613], %swap3A_616 {strides = array<i32>} : memref<1600x32xf32, #tpu.memory_space<vmem>>, vector<1x16xf32>,
        %mul3A_617 = arith.mulf %get3A_610, %gather3A_598 : vector<16xf32>
        %swap3A_618 = arith.index_cast %add3A_602 : i32 to index
        %swap3A_619 = arith.constant 16 : index
        %swap3A_620 = tpu.vector_load %arg6[%swap3A_618, %swap3A_619] {strides = array<i32>} : memref<1600x32xf32, #tpu.memory_space<vmem>>, vector<1x16xf32>,
        %swap3A_621 = vector.shape_cast %swap3A_620 : vector<1x16xf32> to vector<16xf32>
        %swap3A_622 = vector.shape_cast %mul3A_617 : vector<16xf32> to vector<1x16xf32>
        tpu.vector_store %arg6[%swap3A_618, %swap3A_619], %swap3A_622 {strides = array<i32>} : memref<1600x32xf32, #tpu.memory_space<vmem>>, vector<1x16xf32>,
        %broadcast_in_dim3A_623 = arith.constant 15 : i32
        %broadcast_in_dim3A_624 = vector.broadcast %broadcast_in_dim3A_623 : i32 to vector<16x1xi32>
        %gather3A_625 = vector.shape_cast %broadcast_in_dim3A_624 : vector<16x1xi32> to vector<16xi32>
        %gather3A_626 = tpu.dynamic_gather %select_n3A[%gather3A_625] in [0] : vector<16xf32>, vector<16xi32> -> vector<16xf32>
        %mul3A_627 = arith.constant 16 : i32
        %mul3A_628 = arith.muli %scan3A_190, %mul3A_627 : i32
        %add3A_629 = arith.constant 15 : i32
        %add3A_630 = arith.addi %mul3A_628, %add3A_629 : i32
        %get3A_631 = arith.index_cast %add3A_630 : i32 to index
        %get3A_632 = arith.constant 0 : index
        %get3A_633 = tpu.vector_load %arg6[%get3A_631, %get3A_632] {strides = array<i32>} : memref<1600x32xf32, #tpu.memory_space<vmem>>, vector<1x16xf32>,
        %get3A_634 = vector.shape_cast %get3A_633 : vector<1x16xf32> to vector<16xf32>
        %get3A_635 = arith.index_cast %add3A_630 : i32 to index
        %get3A_636 = arith.constant 16 : index
        %get3A_637 = tpu.vector_load %arg6[%get3A_635, %get3A_636] {strides = array<i32>} : memref<1600x32xf32, #tpu.memory_space<vmem>>, vector<1x16xf32>,
        %get3A_638 = vector.shape_cast %get3A_637 : vector<1x16xf32> to vector<16xf32>
        %mul3A_639 = arith.mulf %get3A_634, %gather3A_626 : vector<16xf32>
        %swap3A_640 = arith.index_cast %add3A_630 : i32 to index
        %swap3A_641 = arith.constant 0 : index
        %swap3A_642 = tpu.vector_load %arg6[%swap3A_640, %swap3A_641] {strides = array<i32>} : memref<1600x32xf32, #tpu.memory_space<vmem>>, vector<1x16xf32>,
        %swap3A_643 = vector.shape_cast %swap3A_642 : vector<1x16xf32> to vector<16xf32>
        %swap3A_644 = vector.shape_cast %mul3A_639 : vector<16xf32> to vector<1x16xf32>
        tpu.vector_store %arg6[%swap3A_640, %swap3A_641], %swap3A_644 {strides = array<i32>} : memref<1600x32xf32, #tpu.memory_space<vmem>>, vector<1x16xf32>,
        %mul3A_645 = arith.mulf %get3A_638, %gather3A_626 : vector<16xf32>
        %swap3A_646 = arith.index_cast %add3A_630 : i32 to index
        %swap3A_647 = arith.constant 16 : index
        %swap3A_648 = tpu.vector_load %arg6[%swap3A_646, %swap3A_647] {strides = array<i32>} : memref<1600x32xf32, #tpu.memory_space<vmem>>, vector<1x16xf32>,
        %swap3A_649 = vector.shape_cast %swap3A_648 : vector<1x16xf32> to vector<16xf32>
        %swap3A_650 = vector.shape_cast %mul3A_645 : vector<16xf32> to vector<1x16xf32>
        tpu.vector_store %arg6[%swap3A_646, %swap3A_647], %swap3A_650 {strides = array<i32>} : memref<1600x32xf32, #tpu.memory_space<vmem>>, vector<1x16xf32>,
      }
      %scan3A_189 = arith.constant 100 : i32
    } else {
    }
    %dma_start3A_86 = arith.constant 0 : i32
    %dma_start3A_87 = arith.constant 0 : i32
    %dma_start3A_88 = tpu.memref_slice %arg4[%add3A, %dma_start3A_86, %dma_start3A_87] : memref<32x6400x32xf32, #tpu.memory_space<hbm>> -> memref<1x1600x32xf32, #tpu.memory_space<hbm>>
    %dma_start3A_89 = tpu.memref_squeeze %dma_start3A_88 : memref<1x1600x32xf32, #tpu.memory_space<hbm>> -> memref<1600x32xf32, #tpu.memory_space<hbm>>
    %dma_start3A_90 = arith.constant 0 : i32
    %dma_start3A_91 = arith.constant 0 : i32
    %dma_start3A_92 = tpu.memref_slice %arg4[%add3A, %dma_start3A_90, %dma_start3A_91] : memref<32x6400x32xf32, #tpu.memory_space<hbm>> -> memref<1x1600x32xf32, #tpu.memory_space<hbm>>
    %dma_start3A_93 = tpu.memref_squeeze %dma_start3A_92 : memref<1x1600x32xf32, #tpu.memory_space<hbm>> -> memref<1600x32xf32, #tpu.memory_space<hbm>>
    tpu.enqueue_dma source(%arg6 : memref<1600x32xf32, #tpu.memory_space<vmem>>) target(%dma_start3A_93 : memref<1600x32xf32, #tpu.memory_space<hbm>>) target_semaphore(%arg13 : memref<!tpu.dma_semaphore, #tpu.memory_space<semaphore_mem>>)
    %dma_wait3A_94 = arith.constant 1600 : i32
    %dma_wait3A_95 = tpu.memref_slice %arg5[%dma_wait3A_94] : memref<6400xi32, #tpu.memory_space<vmem>> -> memref<1600xi32, #tpu.memory_space<vmem>>
    %dma_wait3A_96 = arith.constant 0 : i32
    %dma_wait3A_97 = arith.constant 0 : i32
    %dma_wait3A_98 = tpu.memref_slice %arg3[%dma_wait3A_96, %dma_wait3A_97] : memref<1000000x32xf32, #tpu.memory_space<hbm>> -> memref<1000000x32xf32, #tpu.memory_space<hbm>>
    tpu.wait_indirect_dma semaphore(%arg12 : memref<!tpu.dma_semaphore, #tpu.memory_space<semaphore_mem>>) src(%dma_wait3A_98 : memref<1000000x32xf32, #tpu.memory_space<hbm>>) dst(%arg7 : memref<1600x32xf32, #tpu.memory_space<vmem>>)
    %dma_wait3A_99 = arith.constant 0 : i32
    %dma_wait3A_100 = arith.constant 0 : i32
    %dma_wait3A_101 = tpu.memref_slice %arg4[%add3A, %dma_wait3A_99, %dma_wait3A_100] : memref<32x6400x32xf32, #tpu.memory_space<hbm>> -> memref<1x1600x32xf32, #tpu.memory_space<hbm>>
    %dma_wait3A_102 = tpu.memref_squeeze %dma_wait3A_101 : memref<1x1600x32xf32, #tpu.memory_space<hbm>> -> memref<1600x32xf32, #tpu.memory_space<hbm>>
    %dma_wait3A_103 = arith.constant 0 : i32
    %dma_wait3A_104 = arith.constant 0 : i32
    %dma_wait3A_105 = tpu.memref_slice %arg4[%add3A, %dma_wait3A_103, %dma_wait3A_104] : memref<32x6400x32xf32, #tpu.memory_space<hbm>> -> memref<1x1600x32xf32, #tpu.memory_space<hbm>>
    %dma_wait3A_106 = tpu.memref_squeeze %dma_wait3A_105 : memref<1x1600x32xf32, #tpu.memory_space<hbm>> -> memref<1600x32xf32, #tpu.memory_space<hbm>>
    tpu.wait_dma2 semaphore(%arg13 : memref<!tpu.dma_semaphore, #tpu.memory_space<semaphore_mem>>) src(%arg6 : memref<1600x32xf32, #tpu.memory_space<vmem>>) dst(%dma_wait3A_106 : memref<1600x32xf32, #tpu.memory_space<hbm>>)
    %dma_start3A_107 = arith.constant 3200 : i32
    %dma_start3A_108 = tpu.memref_slice %arg5[%dma_start3A_107] : memref<6400xi32, #tpu.memory_space<vmem>> -> memref<1600xi32, #tpu.memory_space<vmem>>
    %dma_start3A_109 = arith.constant 0 : i32
    %dma_start3A_110 = arith.constant 0 : i32
    %dma_start3A_111 = tpu.memref_slice %arg3[%dma_start3A_109, %dma_start3A_110] : memref<1000000x32xf32, #tpu.memory_space<hbm>> -> memref<1000000x32xf32, #tpu.memory_space<hbm>>
    tpu.enqueue_indirect_dma source(%dma_start3A_111 : memref<1000000x32xf32, #tpu.memory_space<hbm>>) target(%arg6 : memref<1600x32xf32, #tpu.memory_space<vmem>>) offsets(%dma_start3A_108 : memref<1600xi32, #tpu.memory_space<vmem>>) semaphore(%arg11 : memref<!tpu.dma_semaphore, #tpu.memory_space<semaphore_mem>>)
    %convert_element_type3A_112 = arith.extui %eq3A_75 : i1 to i32
    %cond3A_113 = arith.constant 0 : i32
    %cond3A_114 = arith.cmpi ne, %convert_element_type3A_112, %cond3A_113 : i32
    scf.if %cond3A_114 {
      %scan3A_184 = arith.constant 0 : i32
      %scan3A_185 = arith.constant 0 : i32
      %scan3A_186 = arith.constant 100 : i32
      %scan3A_187 = arith.addi %scan3A_185, %scan3A_186 : i32
      %scan3A_188 = arith.constant 1 : i32
      scf.for %scan3A_190 = %scan3A_185 to %scan3A_187 step %scan3A_188  : i32 {
        %mul3A_191 = arith.constant 16 : i32
        %mul3A_192 = arith.muli %scan3A_190, %mul3A_191 : i32
        %add3A_193 = arith.constant 1600 : i32
        %add3A_194 = arith.addi %add3A_193, %mul3A_192 : i32
        %get3A_195 = arith.index_cast %add3A_194 : i32 to index
        %get3A_196 = tpu.vector_load %arg5[%get3A_195] {strides = array<i32>} : memref<6400xi32, #tpu.memory_space<vmem>>, vector<16xi32>,
        %get3A_197 = vector.shape_cast %get3A_196 : vector<16xi32> to vector<16xi32>
        %eq3A_198 = arith.constant 0 : i32
        %eq3A_199 = vector.broadcast %eq3A_198 : i32 to vector<16xi32>
        %eq3A_200 = arith.cmpi eq, %get3A_197, %eq3A_199 : vector<16xi32>
        %jit3A = arith.constant 0.000000e+00 : f32
        %jit3A_201 = arith.constant 1.000000e+00 : f32
        %broadcast_in_dim3A_202 = vector.broadcast %jit3A : f32 to vector<16xf32>
        %broadcast_in_dim3A_203 = vector.broadcast %jit3A_201 : f32 to vector<16xf32>
        %select_n3A = arith.select %eq3A_200, %broadcast_in_dim3A_202, %broadcast_in_dim3A_203 : vector<16xi1>, vector<16xf32>
        %broadcast_in_dim3A_204 = arith.constant 0 : i32
        %broadcast_in_dim3A_205 = vector.broadcast %broadcast_in_dim3A_204 : i32 to vector<16x1xi32>
        %gather3A = vector.shape_cast %broadcast_in_dim3A_205 : vector<16x1xi32> to vector<16xi32>
        %gather3A_206 = tpu.dynamic_gather %select_n3A[%gather3A] in [0] : vector<16xf32>, vector<16xi32> -> vector<16xf32>
        %mul3A_207 = arith.constant 16 : i32
        %mul3A_208 = arith.muli %scan3A_190, %mul3A_207 : i32
        %add3A_209 = arith.constant 0 : i32
        %add3A_210 = arith.addi %mul3A_208, %add3A_209 : i32
        %get3A_211 = arith.index_cast %add3A_210 : i32 to index
        %get3A_212 = arith.constant 0 : index
        %get3A_213 = tpu.vector_load %arg7[%get3A_211, %get3A_212] {strides = array<i32>} : memref<1600x32xf32, #tpu.memory_space<vmem>>, vector<1x16xf32>,
        %get3A_214 = vector.shape_cast %get3A_213 : vector<1x16xf32> to vector<16xf32>
        %get3A_215 = arith.index_cast %add3A_210 : i32 to index
        %get3A_216 = arith.constant 16 : index
        %get3A_217 = tpu.vector_load %arg7[%get3A_215, %get3A_216] {strides = array<i32>} : memref<1600x32xf32, #tpu.memory_space<vmem>>, vector<1x16xf32>,
        %get3A_218 = vector.shape_cast %get3A_217 : vector<1x16xf32> to vector<16xf32>
        %mul3A_219 = arith.mulf %get3A_214, %gather3A_206 : vector<16xf32>
        %swap3A_220 = arith.index_cast %add3A_210 : i32 to index
        %swap3A_221 = arith.constant 0 : index
        %swap3A_222 = tpu.vector_load %arg7[%swap3A_220, %swap3A_221] {strides = array<i32>} : memref<1600x32xf32, #tpu.memory_space<vmem>>, vector<1x16xf32>,
        %swap3A_223 = vector.shape_cast %swap3A_222 : vector<1x16xf32> to vector<16xf32>
        %swap3A_224 = vector.shape_cast %mul3A_219 : vector<16xf32> to vector<1x16xf32>
        tpu.vector_store %arg7[%swap3A_220, %swap3A_221], %swap3A_224 {strides = array<i32>} : memref<1600x32xf32, #tpu.memory_space<vmem>>, vector<1x16xf32>,
        %mul3A_225 = arith.mulf %get3A_218, %gather3A_206 : vector<16xf32>
        %swap3A_226 = arith.index_cast %add3A_210 : i32 to index
        %swap3A_227 = arith.constant 16 : index
        %swap3A_228 = tpu.vector_load %arg7[%swap3A_226, %swap3A_227] {strides = array<i32>} : memref<1600x32xf32, #tpu.memory_space<vmem>>, vector<1x16xf32>,
        %swap3A_229 = vector.shape_cast %swap3A_228 : vector<1x16xf32> to vector<16xf32>
        %swap3A_230 = vector.shape_cast %mul3A_225 : vector<16xf32> to vector<1x16xf32>
        tpu.vector_store %arg7[%swap3A_226, %swap3A_227], %swap3A_230 {strides = array<i32>} : memref<1600x32xf32, #tpu.memory_space<vmem>>, vector<1x16xf32>,
        %broadcast_in_dim3A_231 = arith.constant 1 : i32
        %broadcast_in_dim3A_232 = vector.broadcast %broadcast_in_dim3A_231 : i32 to vector<16x1xi32>
        %gather3A_233 = vector.shape_cast %broadcast_in_dim3A_232 : vector<16x1xi32> to vector<16xi32>
        %gather3A_234 = tpu.dynamic_gather %select_n3A[%gather3A_233] in [0] : vector<16xf32>, vector<16xi32> -> vector<16xf32>
        %mul3A_235 = arith.constant 16 : i32
        %mul3A_236 = arith.muli %scan3A_190, %mul3A_235 : i32
        %add3A_237 = arith.constant 1 : i32
        %add3A_238 = arith.addi %mul3A_236, %add3A_237 : i32
        %get3A_239 = arith.index_cast %add3A_238 : i32 to index
        %get3A_240 = arith.constant 0 : index
        %get3A_241 = tpu.vector_load %arg7[%get3A_239, %get3A_240] {strides = array<i32>} : memref<1600x32xf32, #tpu.memory_space<vmem>>, vector<1x16xf32>,
        %get3A_242 = vector.shape_cast %get3A_241 : vector<1x16xf32> to vector<16xf32>
        %get3A_243 = arith.index_cast %add3A_238 : i32 to index
        %get3A_244 = arith.constant 16 : index
        %get3A_245 = tpu.vector_load %arg7[%get3A_243, %get3A_244] {strides = array<i32>} : memref<1600x32xf32, #tpu.memory_space<vmem>>, vector<1x16xf32>,
        %get3A_246 = vector.shape_cast %get3A_245 : vector<1x16xf32> to vector<16xf32>
        %mul3A_247 = arith.mulf %get3A_242, %gather3A_234 : vector<16xf32>
        %swap3A_248 = arith.index_cast %add3A_238 : i32 to index
        %swap3A_249 = arith.constant 0 : index
        %swap3A_250 = tpu.vector_load %arg7[%swap3A_248, %swap3A_249] {strides = array<i32>} : memref<1600x32xf32, #tpu.memory_space<vmem>>, vector<1x16xf32>,
        %swap3A_251 = vector.shape_cast %swap3A_250 : vector<1x16xf32> to vector<16xf32>
        %swap3A_252 = vector.shape_cast %mul3A_247 : vector<16xf32> to vector<1x16xf32>
        tpu.vector_store %arg7[%swap3A_248, %swap3A_249], %swap3A_252 {strides = array<i32>} : memref<1600x32xf32, #tpu.memory_space<vmem>>, vector<1x16xf32>,
        %mul3A_253 = arith.mulf %get3A_246, %gather3A_234 : vector<16xf32>
        %swap3A_254 = arith.index_cast %add3A_238 : i32 to index
        %swap3A_255 = arith.constant 16 : index
        %swap3A_256 = tpu.vector_load %arg7[%swap3A_254, %swap3A_255] {strides = array<i32>} : memref<1600x32xf32, #tpu.memory_space<vmem>>, vector<1x16xf32>,
        %swap3A_257 = vector.shape_cast %swap3A_256 : vector<1x16xf32> to vector<16xf32>
        %swap3A_258 = vector.shape_cast %mul3A_253 : vector<16xf32> to vector<1x16xf32>
        tpu.vector_store %arg7[%swap3A_254, %swap3A_255], %swap3A_258 {strides = array<i32>} : memref<1600x32xf32, #tpu.memory_space<vmem>>, vector<1x16xf32>,
        %broadcast_in_dim3A_259 = arith.constant 2 : i32
        %broadcast_in_dim3A_260 = vector.broadcast %broadcast_in_dim3A_259 : i32 to vector<16x1xi32>
        %gather3A_261 = vector.shape_cast %broadcast_in_dim3A_260 : vector<16x1xi32> to vector<16xi32>
        %gather3A_262 = tpu.dynamic_gather %select_n3A[%gather3A_261] in [0] : vector<16xf32>, vector<16xi32> -> vector<16xf32>
        %mul3A_263 = arith.constant 16 : i32
        %mul3A_264 = arith.muli %scan3A_190, %mul3A_263 : i32
        %add3A_265 = arith.constant 2 : i32
        %add3A_266 = arith.addi %mul3A_264, %add3A_265 : i32
        %get3A_267 = arith.index_cast %add3A_266 : i32 to index
        %get3A_268 = arith.constant 0 : index
        %get3A_269 = tpu.vector_load %arg7[%get3A_267, %get3A_268] {strides = array<i32>} : memref<1600x32xf32, #tpu.memory_space<vmem>>, vector<1x16xf32>,
        %get3A_270 = vector.shape_cast %get3A_269 : vector<1x16xf32> to vector<16xf32>
        %get3A_271 = arith.index_cast %add3A_266 : i32 to index
        %get3A_272 = arith.constant 16 : index
        %get3A_273 = tpu.vector_load %arg7[%get3A_271, %get3A_272] {strides = array<i32>} : memref<1600x32xf32, #tpu.memory_space<vmem>>, vector<1x16xf32>,
        %get3A_274 = vector.shape_cast %get3A_273 : vector<1x16xf32> to vector<16xf32>
        %mul3A_275 = arith.mulf %get3A_270, %gather3A_262 : vector<16xf32>
        %swap3A_276 = arith.index_cast %add3A_266 : i32 to index
        %swap3A_277 = arith.constant 0 : index
        %swap3A_278 = tpu.vector_load %arg7[%swap3A_276, %swap3A_277] {strides = array<i32>} : memref<1600x32xf32, #tpu.memory_space<vmem>>, vector<1x16xf32>,
        %swap3A_279 = vector.shape_cast %swap3A_278 : vector<1x16xf32> to vector<16xf32>
        %swap3A_280 = vector.shape_cast %mul3A_275 : vector<16xf32> to vector<1x16xf32>
        tpu.vector_store %arg7[%swap3A_276, %swap3A_277], %swap3A_280 {strides = array<i32>} : memref<1600x32xf32, #tpu.memory_space<vmem>>, vector<1x16xf32>,
        %mul3A_281 = arith.mulf %get3A_274, %gather3A_262 : vector<16xf32>
        %swap3A_282 = arith.index_cast %add3A_266 : i32 to index
        %swap3A_283 = arith.constant 16 : index
        %swap3A_284 = tpu.vector_load %arg7[%swap3A_282, %swap3A_283] {strides = array<i32>} : memref<1600x32xf32, #tpu.memory_space<vmem>>, vector<1x16xf32>,
        %swap3A_285 = vector.shape_cast %swap3A_284 : vector<1x16xf32> to vector<16xf32>
        %swap3A_286 = vector.shape_cast %mul3A_281 : vector<16xf32> to vector<1x16xf32>
        tpu.vector_store %arg7[%swap3A_282, %swap3A_283], %swap3A_286 {strides = array<i32>} : memref<1600x32xf32, #tpu.memory_space<vmem>>, vector<1x16xf32>,
        %broadcast_in_dim3A_287 = arith.constant 3 : i32
        %broadcast_in_dim3A_288 = vector.broadcast %broadcast_in_dim3A_287 : i32 to vector<16x1xi32>
        %gather3A_289 = vector.shape_cast %broadcast_in_dim3A_288 : vector<16x1xi32> to vector<16xi32>
        %gather3A_290 = tpu.dynamic_gather %select_n3A[%gather3A_289] in [0] : vector<16xf32>, vector<16xi32> -> vector<16xf32>
        %mul3A_291 = arith.constant 16 : i32
        %mul3A_292 = arith.muli %scan3A_190, %mul3A_291 : i32
        %add3A_293 = arith.constant 3 : i32
        %add3A_294 = arith.addi %mul3A_292, %add3A_293 : i32
        %get3A_295 = arith.index_cast %add3A_294 : i32 to index
        %get3A_296 = arith.constant 0 : index
        %get3A_297 = tpu.vector_load %arg7[%get3A_295, %get3A_296] {strides = array<i32>} : memref<1600x32xf32, #tpu.memory_space<vmem>>, vector<1x16xf32>,
        %get3A_298 = vector.shape_cast %get3A_297 : vector<1x16xf32> to vector<16xf32>
        %get3A_299 = arith.index_cast %add3A_294 : i32 to index
        %get3A_300 = arith.constant 16 : index
        %get3A_301 = tpu.vector_load %arg7[%get3A_299, %get3A_300] {strides = array<i32>} : memref<1600x32xf32, #tpu.memory_space<vmem>>, vector<1x16xf32>,
        %get3A_302 = vector.shape_cast %get3A_301 : vector<1x16xf32> to vector<16xf32>
        %mul3A_303 = arith.mulf %get3A_298, %gather3A_290 : vector<16xf32>
        %swap3A_304 = arith.index_cast %add3A_294 : i32 to index
        %swap3A_305 = arith.constant 0 : index
        %swap3A_306 = tpu.vector_load %arg7[%swap3A_304, %swap3A_305] {strides = array<i32>} : memref<1600x32xf32, #tpu.memory_space<vmem>>, vector<1x16xf32>,
        %swap3A_307 = vector.shape_cast %swap3A_306 : vector<1x16xf32> to vector<16xf32>
        %swap3A_308 = vector.shape_cast %mul3A_303 : vector<16xf32> to vector<1x16xf32>
        tpu.vector_store %arg7[%swap3A_304, %swap3A_305], %swap3A_308 {strides = array<i32>} : memref<1600x32xf32, #tpu.memory_space<vmem>>, vector<1x16xf32>,
        %mul3A_309 = arith.mulf %get3A_302, %gather3A_290 : vector<16xf32>
        %swap3A_310 = arith.index_cast %add3A_294 : i32 to index
        %swap3A_311 = arith.constant 16 : index
        %swap3A_312 = tpu.vector_load %arg7[%swap3A_310, %swap3A_311] {strides = array<i32>} : memref<1600x32xf32, #tpu.memory_space<vmem>>, vector<1x16xf32>,
        %swap3A_313 = vector.shape_cast %swap3A_312 : vector<1x16xf32> to vector<16xf32>
        %swap3A_314 = vector.shape_cast %mul3A_309 : vector<16xf32> to vector<1x16xf32>
        tpu.vector_store %arg7[%swap3A_310, %swap3A_311], %swap3A_314 {strides = array<i32>} : memref<1600x32xf32, #tpu.memory_space<vmem>>, vector<1x16xf32>,
        %broadcast_in_dim3A_315 = arith.constant 4 : i32
        %broadcast_in_dim3A_316 = vector.broadcast %broadcast_in_dim3A_315 : i32 to vector<16x1xi32>
        %gather3A_317 = vector.shape_cast %broadcast_in_dim3A_316 : vector<16x1xi32> to vector<16xi32>
        %gather3A_318 = tpu.dynamic_gather %select_n3A[%gather3A_317] in [0] : vector<16xf32>, vector<16xi32> -> vector<16xf32>
        %mul3A_319 = arith.constant 16 : i32
        %mul3A_320 = arith.muli %scan3A_190, %mul3A_319 : i32
        %add3A_321 = arith.constant 4 : i32
        %add3A_322 = arith.addi %mul3A_320, %add3A_321 : i32
        %get3A_323 = arith.index_cast %add3A_322 : i32 to index
        %get3A_324 = arith.constant 0 : index
        %get3A_325 = tpu.vector_load %arg7[%get3A_323, %get3A_324] {strides = array<i32>} : memref<1600x32xf32, #tpu.memory_space<vmem>>, vector<1x16xf32>,
        %get3A_326 = vector.shape_cast %get3A_325 : vector<1x16xf32> to vector<16xf32>
        %get3A_327 = arith.index_cast %add3A_322 : i32 to index
        %get3A_328 = arith.constant 16 : index
        %get3A_329 = tpu.vector_load %arg7[%get3A_327, %get3A_328] {strides = array<i32>} : memref<1600x32xf32, #tpu.memory_space<vmem>>, vector<1x16xf32>,
        %get3A_330 = vector.shape_cast %get3A_329 : vector<1x16xf32> to vector<16xf32>
        %mul3A_331 = arith.mulf %get3A_326, %gather3A_318 : vector<16xf32>
        %swap3A_332 = arith.index_cast %add3A_322 : i32 to index
        %swap3A_333 = arith.constant 0 : index
        %swap3A_334 = tpu.vector_load %arg7[%swap3A_332, %swap3A_333] {strides = array<i32>} : memref<1600x32xf32, #tpu.memory_space<vmem>>, vector<1x16xf32>,
        %swap3A_335 = vector.shape_cast %swap3A_334 : vector<1x16xf32> to vector<16xf32>
        %swap3A_336 = vector.shape_cast %mul3A_331 : vector<16xf32> to vector<1x16xf32>
        tpu.vector_store %arg7[%swap3A_332, %swap3A_333], %swap3A_336 {strides = array<i32>} : memref<1600x32xf32, #tpu.memory_space<vmem>>, vector<1x16xf32>,
        %mul3A_337 = arith.mulf %get3A_330, %gather3A_318 : vector<16xf32>
        %swap3A_338 = arith.index_cast %add3A_322 : i32 to index
        %swap3A_339 = arith.constant 16 : index
        %swap3A_340 = tpu.vector_load %arg7[%swap3A_338, %swap3A_339] {strides = array<i32>} : memref<1600x32xf32, #tpu.memory_space<vmem>>, vector<1x16xf32>,
        %swap3A_341 = vector.shape_cast %swap3A_340 : vector<1x16xf32> to vector<16xf32>
        %swap3A_342 = vector.shape_cast %mul3A_337 : vector<16xf32> to vector<1x16xf32>
        tpu.vector_store %arg7[%swap3A_338, %swap3A_339], %swap3A_342 {strides = array<i32>} : memref<1600x32xf32, #tpu.memory_space<vmem>>, vector<1x16xf32>,
        %broadcast_in_dim3A_343 = arith.constant 5 : i32
        %broadcast_in_dim3A_344 = vector.broadcast %broadcast_in_dim3A_343 : i32 to vector<16x1xi32>
        %gather3A_345 = vector.shape_cast %broadcast_in_dim3A_344 : vector<16x1xi32> to vector<16xi32>
        %gather3A_346 = tpu.dynamic_gather %select_n3A[%gather3A_345] in [0] : vector<16xf32>, vector<16xi32> -> vector<16xf32>
        %mul3A_347 = arith.constant 16 : i32
        %mul3A_348 = arith.muli %scan3A_190, %mul3A_347 : i32
        %add3A_349 = arith.constant 5 : i32
        %add3A_350 = arith.addi %mul3A_348, %add3A_349 : i32
        %get3A_351 = arith.index_cast %add3A_350 : i32 to index
        %get3A_352 = arith.constant 0 : index
        %get3A_353 = tpu.vector_load %arg7[%get3A_351, %get3A_352] {strides = array<i32>} : memref<1600x32xf32, #tpu.memory_space<vmem>>, vector<1x16xf32>,
        %get3A_354 = vector.shape_cast %get3A_353 : vector<1x16xf32> to vector<16xf32>
        %get3A_355 = arith.index_cast %add3A_350 : i32 to index
        %get3A_356 = arith.constant 16 : index
        %get3A_357 = tpu.vector_load %arg7[%get3A_355, %get3A_356] {strides = array<i32>} : memref<1600x32xf32, #tpu.memory_space<vmem>>, vector<1x16xf32>,
        %get3A_358 = vector.shape_cast %get3A_357 : vector<1x16xf32> to vector<16xf32>
        %mul3A_359 = arith.mulf %get3A_354, %gather3A_346 : vector<16xf32>
        %swap3A_360 = arith.index_cast %add3A_350 : i32 to index
        %swap3A_361 = arith.constant 0 : index
        %swap3A_362 = tpu.vector_load %arg7[%swap3A_360, %swap3A_361] {strides = array<i32>} : memref<1600x32xf32, #tpu.memory_space<vmem>>, vector<1x16xf32>,
        %swap3A_363 = vector.shape_cast %swap3A_362 : vector<1x16xf32> to vector<16xf32>
        %swap3A_364 = vector.shape_cast %mul3A_359 : vector<16xf32> to vector<1x16xf32>
        tpu.vector_store %arg7[%swap3A_360, %swap3A_361], %swap3A_364 {strides = array<i32>} : memref<1600x32xf32, #tpu.memory_space<vmem>>, vector<1x16xf32>,
        %mul3A_365 = arith.mulf %get3A_358, %gather3A_346 : vector<16xf32>
        %swap3A_366 = arith.index_cast %add3A_350 : i32 to index
        %swap3A_367 = arith.constant 16 : index
        %swap3A_368 = tpu.vector_load %arg7[%swap3A_366, %swap3A_367] {strides = array<i32>} : memref<1600x32xf32, #tpu.memory_space<vmem>>, vector<1x16xf32>,
        %swap3A_369 = vector.shape_cast %swap3A_368 : vector<1x16xf32> to vector<16xf32>
        %swap3A_370 = vector.shape_cast %mul3A_365 : vector<16xf32> to vector<1x16xf32>
        tpu.vector_store %arg7[%swap3A_366, %swap3A_367], %swap3A_370 {strides = array<i32>} : memref<1600x32xf32, #tpu.memory_space<vmem>>, vector<1x16xf32>,
        %broadcast_in_dim3A_371 = arith.constant 6 : i32
        %broadcast_in_dim3A_372 = vector.broadcast %broadcast_in_dim3A_371 : i32 to vector<16x1xi32>
        %gather3A_373 = vector.shape_cast %broadcast_in_dim3A_372 : vector<16x1xi32> to vector<16xi32>
        %gather3A_374 = tpu.dynamic_gather %select_n3A[%gather3A_373] in [0] : vector<16xf32>, vector<16xi32> -> vector<16xf32>
        %mul3A_375 = arith.constant 16 : i32
        %mul3A_376 = arith.muli %scan3A_190, %mul3A_375 : i32
        %add3A_377 = arith.constant 6 : i32
        %add3A_378 = arith.addi %mul3A_376, %add3A_377 : i32
        %get3A_379 = arith.index_cast %add3A_378 : i32 to index
        %get3A_380 = arith.constant 0 : index
        %get3A_381 = tpu.vector_load %arg7[%get3A_379, %get3A_380] {strides = array<i32>} : memref<1600x32xf32, #tpu.memory_space<vmem>>, vector<1x16xf32>,
        %get3A_382 = vector.shape_cast %get3A_381 : vector<1x16xf32> to vector<16xf32>
        %get3A_383 = arith.index_cast %add3A_378 : i32 to index
        %get3A_384 = arith.constant 16 : index
        %get3A_385 = tpu.vector_load %arg7[%get3A_383, %get3A_384] {strides = array<i32>} : memref<1600x32xf32, #tpu.memory_space<vmem>>, vector<1x16xf32>,
        %get3A_386 = vector.shape_cast %get3A_385 : vector<1x16xf32> to vector<16xf32>
        %mul3A_387 = arith.mulf %get3A_382, %gather3A_374 : vector<16xf32>
        %swap3A_388 = arith.index_cast %add3A_378 : i32 to index
        %swap3A_389 = arith.constant 0 : index
        %swap3A_390 = tpu.vector_load %arg7[%swap3A_388, %swap3A_389] {strides = array<i32>} : memref<1600x32xf32, #tpu.memory_space<vmem>>, vector<1x16xf32>,
        %swap3A_391 = vector.shape_cast %swap3A_390 : vector<1x16xf32> to vector<16xf32>
        %swap3A_392 = vector.shape_cast %mul3A_387 : vector<16xf32> to vector<1x16xf32>
        tpu.vector_store %arg7[%swap3A_388, %swap3A_389], %swap3A_392 {strides = array<i32>} : memref<1600x32xf32, #tpu.memory_space<vmem>>, vector<1x16xf32>,
        %mul3A_393 = arith.mulf %get3A_386, %gather3A_374 : vector<16xf32>
        %swap3A_394 = arith.index_cast %add3A_378 : i32 to index
        %swap3A_395 = arith.constant 16 : index
        %swap3A_396 = tpu.vector_load %arg7[%swap3A_394, %swap3A_395] {strides = array<i32>} : memref<1600x32xf32, #tpu.memory_space<vmem>>, vector<1x16xf32>,
        %swap3A_397 = vector.shape_cast %swap3A_396 : vector<1x16xf32> to vector<16xf32>
        %swap3A_398 = vector.shape_cast %mul3A_393 : vector<16xf32> to vector<1x16xf32>
        tpu.vector_store %arg7[%swap3A_394, %swap3A_395], %swap3A_398 {strides = array<i32>} : memref<1600x32xf32, #tpu.memory_space<vmem>>, vector<1x16xf32>,
        %broadcast_in_dim3A_399 = arith.constant 7 : i32
        %broadcast_in_dim3A_400 = vector.broadcast %broadcast_in_dim3A_399 : i32 to vector<16x1xi32>
        %gather3A_401 = vector.shape_cast %broadcast_in_dim3A_400 : vector<16x1xi32> to vector<16xi32>
        %gather3A_402 = tpu.dynamic_gather %select_n3A[%gather3A_401] in [0] : vector<16xf32>, vector<16xi32> -> vector<16xf32>
        %mul3A_403 = arith.constant 16 : i32
        %mul3A_404 = arith.muli %scan3A_190, %mul3A_403 : i32
        %add3A_405 = arith.constant 7 : i32
        %add3A_406 = arith.addi %mul3A_404, %add3A_405 : i32
        %get3A_407 = arith.index_cast %add3A_406 : i32 to index
        %get3A_408 = arith.constant 0 : index
        %get3A_409 = tpu.vector_load %arg7[%get3A_407, %get3A_408] {strides = array<i32>} : memref<1600x32xf32, #tpu.memory_space<vmem>>, vector<1x16xf32>,
        %get3A_410 = vector.shape_cast %get3A_409 : vector<1x16xf32> to vector<16xf32>
        %get3A_411 = arith.index_cast %add3A_406 : i32 to index
        %get3A_412 = arith.constant 16 : index
        %get3A_413 = tpu.vector_load %arg7[%get3A_411, %get3A_412] {strides = array<i32>} : memref<1600x32xf32, #tpu.memory_space<vmem>>, vector<1x16xf32>,
        %get3A_414 = vector.shape_cast %get3A_413 : vector<1x16xf32> to vector<16xf32>
        %mul3A_415 = arith.mulf %get3A_410, %gather3A_402 : vector<16xf32>
        %swap3A_416 = arith.index_cast %add3A_406 : i32 to index
        %swap3A_417 = arith.constant 0 : index
        %swap3A_418 = tpu.vector_load %arg7[%swap3A_416, %swap3A_417] {strides = array<i32>} : memref<1600x32xf32, #tpu.memory_space<vmem>>, vector<1x16xf32>,
        %swap3A_419 = vector.shape_cast %swap3A_418 : vector<1x16xf32> to vector<16xf32>
        %swap3A_420 = vector.shape_cast %mul3A_415 : vector<16xf32> to vector<1x16xf32>
        tpu.vector_store %arg7[%swap3A_416, %swap3A_417], %swap3A_420 {strides = array<i32>} : memref<1600x32xf32, #tpu.memory_space<vmem>>, vector<1x16xf32>,
        %mul3A_421 = arith.mulf %get3A_414, %gather3A_402 : vector<16xf32>
        %swap3A_422 = arith.index_cast %add3A_406 : i32 to index
        %swap3A_423 = arith.constant 16 : index
        %swap3A_424 = tpu.vector_load %arg7[%swap3A_422, %swap3A_423] {strides = array<i32>} : memref<1600x32xf32, #tpu.memory_space<vmem>>, vector<1x16xf32>,
        %swap3A_425 = vector.shape_cast %swap3A_424 : vector<1x16xf32> to vector<16xf32>
        %swap3A_426 = vector.shape_cast %mul3A_421 : vector<16xf32> to vector<1x16xf32>
        tpu.vector_store %arg7[%swap3A_422, %swap3A_423], %swap3A_426 {strides = array<i32>} : memref<1600x32xf32, #tpu.memory_space<vmem>>, vector<1x16xf32>,
        %broadcast_in_dim3A_427 = arith.constant 8 : i32
        %broadcast_in_dim3A_428 = vector.broadcast %broadcast_in_dim3A_427 : i32 to vector<16x1xi32>
        %gather3A_429 = vector.shape_cast %broadcast_in_dim3A_428 : vector<16x1xi32> to vector<16xi32>
        %gather3A_430 = tpu.dynamic_gather %select_n3A[%gather3A_429] in [0] : vector<16xf32>, vector<16xi32> -> vector<16xf32>
        %mul3A_431 = arith.constant 16 : i32
        %mul3A_432 = arith.muli %scan3A_190, %mul3A_431 : i32
        %add3A_433 = arith.constant 8 : i32
        %add3A_434 = arith.addi %mul3A_432, %add3A_433 : i32
        %get3A_435 = arith.index_cast %add3A_434 : i32 to index
        %get3A_436 = arith.constant 0 : index
        %get3A_437 = tpu.vector_load %arg7[%get3A_435, %get3A_436] {strides = array<i32>} : memref<1600x32xf32, #tpu.memory_space<vmem>>, vector<1x16xf32>,
        %get3A_438 = vector.shape_cast %get3A_437 : vector<1x16xf32> to vector<16xf32>
        %get3A_439 = arith.index_cast %add3A_434 : i32 to index
        %get3A_440 = arith.constant 16 : index
        %get3A_441 = tpu.vector_load %arg7[%get3A_439, %get3A_440] {strides = array<i32>} : memref<1600x32xf32, #tpu.memory_space<vmem>>, vector<1x16xf32>,
        %get3A_442 = vector.shape_cast %get3A_441 : vector<1x16xf32> to vector<16xf32>
        %mul3A_443 = arith.mulf %get3A_438, %gather3A_430 : vector<16xf32>
        %swap3A_444 = arith.index_cast %add3A_434 : i32 to index
        %swap3A_445 = arith.constant 0 : index
        %swap3A_446 = tpu.vector_load %arg7[%swap3A_444, %swap3A_445] {strides = array<i32>} : memref<1600x32xf32, #tpu.memory_space<vmem>>, vector<1x16xf32>,
        %swap3A_447 = vector.shape_cast %swap3A_446 : vector<1x16xf32> to vector<16xf32>
        %swap3A_448 = vector.shape_cast %mul3A_443 : vector<16xf32> to vector<1x16xf32>
        tpu.vector_store %arg7[%swap3A_444, %swap3A_445], %swap3A_448 {strides = array<i32>} : memref<1600x32xf32, #tpu.memory_space<vmem>>, vector<1x16xf32>,
        %mul3A_449 = arith.mulf %get3A_442, %gather3A_430 : vector<16xf32>
        %swap3A_450 = arith.index_cast %add3A_434 : i32 to index
        %swap3A_451 = arith.constant 16 : index
        %swap3A_452 = tpu.vector_load %arg7[%swap3A_450, %swap3A_451] {strides = array<i32>} : memref<1600x32xf32, #tpu.memory_space<vmem>>, vector<1x16xf32>,
        %swap3A_453 = vector.shape_cast %swap3A_452 : vector<1x16xf32> to vector<16xf32>
        %swap3A_454 = vector.shape_cast %mul3A_449 : vector<16xf32> to vector<1x16xf32>
        tpu.vector_store %arg7[%swap3A_450, %swap3A_451], %swap3A_454 {strides = array<i32>} : memref<1600x32xf32, #tpu.memory_space<vmem>>, vector<1x16xf32>,
        %broadcast_in_dim3A_455 = arith.constant 9 : i32
        %broadcast_in_dim3A_456 = vector.broadcast %broadcast_in_dim3A_455 : i32 to vector<16x1xi32>
        %gather3A_457 = vector.shape_cast %broadcast_in_dim3A_456 : vector<16x1xi32> to vector<16xi32>
        %gather3A_458 = tpu.dynamic_gather %select_n3A[%gather3A_457] in [0] : vector<16xf32>, vector<16xi32> -> vector<16xf32>
        %mul3A_459 = arith.constant 16 : i32
        %mul3A_460 = arith.muli %scan3A_190, %mul3A_459 : i32
        %add3A_461 = arith.constant 9 : i32
        %add3A_462 = arith.addi %mul3A_460, %add3A_461 : i32
        %get3A_463 = arith.index_cast %add3A_462 : i32 to index
        %get3A_464 = arith.constant 0 : index
        %get3A_465 = tpu.vector_load %arg7[%get3A_463, %get3A_464] {strides = array<i32>} : memref<1600x32xf32, #tpu.memory_space<vmem>>, vector<1x16xf32>,
        %get3A_466 = vector.shape_cast %get3A_465 : vector<1x16xf32> to vector<16xf32>
        %get3A_467 = arith.index_cast %add3A_462 : i32 to index
        %get3A_468 = arith.constant 16 : index
        %get3A_469 = tpu.vector_load %arg7[%get3A_467, %get3A_468] {strides = array<i32>} : memref<1600x32xf32, #tpu.memory_space<vmem>>, vector<1x16xf32>,
        %get3A_470 = vector.shape_cast %get3A_469 : vector<1x16xf32> to vector<16xf32>
        %mul3A_471 = arith.mulf %get3A_466, %gather3A_458 : vector<16xf32>
        %swap3A_472 = arith.index_cast %add3A_462 : i32 to index
        %swap3A_473 = arith.constant 0 : index
        %swap3A_474 = tpu.vector_load %arg7[%swap3A_472, %swap3A_473] {strides = array<i32>} : memref<1600x32xf32, #tpu.memory_space<vmem>>, vector<1x16xf32>,
        %swap3A_475 = vector.shape_cast %swap3A_474 : vector<1x16xf32> to vector<16xf32>
        %swap3A_476 = vector.shape_cast %mul3A_471 : vector<16xf32> to vector<1x16xf32>
        tpu.vector_store %arg7[%swap3A_472, %swap3A_473], %swap3A_476 {strides = array<i32>} : memref<1600x32xf32, #tpu.memory_space<vmem>>, vector<1x16xf32>,
        %mul3A_477 = arith.mulf %get3A_470, %gather3A_458 : vector<16xf32>
        %swap3A_478 = arith.index_cast %add3A_462 : i32 to index
        %swap3A_479 = arith.constant 16 : index
        %swap3A_480 = tpu.vector_load %arg7[%swap3A_478, %swap3A_479] {strides = array<i32>} : memref<1600x32xf32, #tpu.memory_space<vmem>>, vector<1x16xf32>,
        %swap3A_481 = vector.shape_cast %swap3A_480 : vector<1x16xf32> to vector<16xf32>
        %swap3A_482 = vector.shape_cast %mul3A_477 : vector<16xf32> to vector<1x16xf32>
        tpu.vector_store %arg7[%swap3A_478, %swap3A_479], %swap3A_482 {strides = array<i32>} : memref<1600x32xf32, #tpu.memory_space<vmem>>, vector<1x16xf32>,
        %broadcast_in_dim3A_483 = arith.constant 10 : i32
        %broadcast_in_dim3A_484 = vector.broadcast %broadcast_in_dim3A_483 : i32 to vector<16x1xi32>
        %gather3A_485 = vector.shape_cast %broadcast_in_dim3A_484 : vector<16x1xi32> to vector<16xi32>
        %gather3A_486 = tpu.dynamic_gather %select_n3A[%gather3A_485] in [0] : vector<16xf32>, vector<16xi32> -> vector<16xf32>
        %mul3A_487 = arith.constant 16 : i32
        %mul3A_488 = arith.muli %scan3A_190, %mul3A_487 : i32
        %add3A_489 = arith.constant 10 : i32
        %add3A_490 = arith.addi %mul3A_488, %add3A_489 : i32
        %get3A_491 = arith.index_cast %add3A_490 : i32 to index
        %get3A_492 = arith.constant 0 : index
        %get3A_493 = tpu.vector_load %arg7[%get3A_491, %get3A_492] {strides = array<i32>} : memref<1600x32xf32, #tpu.memory_space<vmem>>, vector<1x16xf32>,
        %get3A_494 = vector.shape_cast %get3A_493 : vector<1x16xf32> to vector<16xf32>
        %get3A_495 = arith.index_cast %add3A_490 : i32 to index
        %get3A_496 = arith.constant 16 : index
        %get3A_497 = tpu.vector_load %arg7[%get3A_495, %get3A_496] {strides = array<i32>} : memref<1600x32xf32, #tpu.memory_space<vmem>>, vector<1x16xf32>,
        %get3A_498 = vector.shape_cast %get3A_497 : vector<1x16xf32> to vector<16xf32>
        %mul3A_499 = arith.mulf %get3A_494, %gather3A_486 : vector<16xf32>
        %swap3A_500 = arith.index_cast %add3A_490 : i32 to index
        %swap3A_501 = arith.constant 0 : index
        %swap3A_502 = tpu.vector_load %arg7[%swap3A_500, %swap3A_501] {strides = array<i32>} : memref<1600x32xf32, #tpu.memory_space<vmem>>, vector<1x16xf32>,
        %swap3A_503 = vector.shape_cast %swap3A_502 : vector<1x16xf32> to vector<16xf32>
        %swap3A_504 = vector.shape_cast %mul3A_499 : vector<16xf32> to vector<1x16xf32>
        tpu.vector_store %arg7[%swap3A_500, %swap3A_501], %swap3A_504 {strides = array<i32>} : memref<1600x32xf32, #tpu.memory_space<vmem>>, vector<1x16xf32>,
        %mul3A_505 = arith.mulf %get3A_498, %gather3A_486 : vector<16xf32>
        %swap3A_506 = arith.index_cast %add3A_490 : i32 to index
        %swap3A_507 = arith.constant 16 : index
        %swap3A_508 = tpu.vector_load %arg7[%swap3A_506, %swap3A_507] {strides = array<i32>} : memref<1600x32xf32, #tpu.memory_space<vmem>>, vector<1x16xf32>,
        %swap3A_509 = vector.shape_cast %swap3A_508 : vector<1x16xf32> to vector<16xf32>
        %swap3A_510 = vector.shape_cast %mul3A_505 : vector<16xf32> to vector<1x16xf32>
        tpu.vector_store %arg7[%swap3A_506, %swap3A_507], %swap3A_510 {strides = array<i32>} : memref<1600x32xf32, #tpu.memory_space<vmem>>, vector<1x16xf32>,
        %broadcast_in_dim3A_511 = arith.constant 11 : i32
        %broadcast_in_dim3A_512 = vector.broadcast %broadcast_in_dim3A_511 : i32 to vector<16x1xi32>
        %gather3A_513 = vector.shape_cast %broadcast_in_dim3A_512 : vector<16x1xi32> to vector<16xi32>
        %gather3A_514 = tpu.dynamic_gather %select_n3A[%gather3A_513] in [0] : vector<16xf32>, vector<16xi32> -> vector<16xf32>
        %mul3A_515 = arith.constant 16 : i32
        %mul3A_516 = arith.muli %scan3A_190, %mul3A_515 : i32
        %add3A_517 = arith.constant 11 : i32
        %add3A_518 = arith.addi %mul3A_516, %add3A_517 : i32
        %get3A_519 = arith.index_cast %add3A_518 : i32 to index
        %get3A_520 = arith.constant 0 : index
        %get3A_521 = tpu.vector_load %arg7[%get3A_519, %get3A_520] {strides = array<i32>} : memref<1600x32xf32, #tpu.memory_space<vmem>>, vector<1x16xf32>,
        %get3A_522 = vector.shape_cast %get3A_521 : vector<1x16xf32> to vector<16xf32>
        %get3A_523 = arith.index_cast %add3A_518 : i32 to index
        %get3A_524 = arith.constant 16 : index
        %get3A_525 = tpu.vector_load %arg7[%get3A_523, %get3A_524] {strides = array<i32>} : memref<1600x32xf32, #tpu.memory_space<vmem>>, vector<1x16xf32>,
        %get3A_526 = vector.shape_cast %get3A_525 : vector<1x16xf32> to vector<16xf32>
        %mul3A_527 = arith.mulf %get3A_522, %gather3A_514 : vector<16xf32>
        %swap3A_528 = arith.index_cast %add3A_518 : i32 to index
        %swap3A_529 = arith.constant 0 : index
        %swap3A_530 = tpu.vector_load %arg7[%swap3A_528, %swap3A_529] {strides = array<i32>} : memref<1600x32xf32, #tpu.memory_space<vmem>>, vector<1x16xf32>,
        %swap3A_531 = vector.shape_cast %swap3A_530 : vector<1x16xf32> to vector<16xf32>
        %swap3A_532 = vector.shape_cast %mul3A_527 : vector<16xf32> to vector<1x16xf32>
        tpu.vector_store %arg7[%swap3A_528, %swap3A_529], %swap3A_532 {strides = array<i32>} : memref<1600x32xf32, #tpu.memory_space<vmem>>, vector<1x16xf32>,
        %mul3A_533 = arith.mulf %get3A_526, %gather3A_514 : vector<16xf32>
        %swap3A_534 = arith.index_cast %add3A_518 : i32 to index
        %swap3A_535 = arith.constant 16 : index
        %swap3A_536 = tpu.vector_load %arg7[%swap3A_534, %swap3A_535] {strides = array<i32>} : memref<1600x32xf32, #tpu.memory_space<vmem>>, vector<1x16xf32>,
        %swap3A_537 = vector.shape_cast %swap3A_536 : vector<1x16xf32> to vector<16xf32>
        %swap3A_538 = vector.shape_cast %mul3A_533 : vector<16xf32> to vector<1x16xf32>
        tpu.vector_store %arg7[%swap3A_534, %swap3A_535], %swap3A_538 {strides = array<i32>} : memref<1600x32xf32, #tpu.memory_space<vmem>>, vector<1x16xf32>,
        %broadcast_in_dim3A_539 = arith.constant 12 : i32
        %broadcast_in_dim3A_540 = vector.broadcast %broadcast_in_dim3A_539 : i32 to vector<16x1xi32>
        %gather3A_541 = vector.shape_cast %broadcast_in_dim3A_540 : vector<16x1xi32> to vector<16xi32>
        %gather3A_542 = tpu.dynamic_gather %select_n3A[%gather3A_541] in [0] : vector<16xf32>, vector<16xi32> -> vector<16xf32>
        %mul3A_543 = arith.constant 16 : i32
        %mul3A_544 = arith.muli %scan3A_190, %mul3A_543 : i32
        %add3A_545 = arith.constant 12 : i32
        %add3A_546 = arith.addi %mul3A_544, %add3A_545 : i32
        %get3A_547 = arith.index_cast %add3A_546 : i32 to index
        %get3A_548 = arith.constant 0 : index
        %get3A_549 = tpu.vector_load %arg7[%get3A_547, %get3A_548] {strides = array<i32>} : memref<1600x32xf32, #tpu.memory_space<vmem>>, vector<1x16xf32>,
        %get3A_550 = vector.shape_cast %get3A_549 : vector<1x16xf32> to vector<16xf32>
        %get3A_551 = arith.index_cast %add3A_546 : i32 to index
        %get3A_552 = arith.constant 16 : index
        %get3A_553 = tpu.vector_load %arg7[%get3A_551, %get3A_552] {strides = array<i32>} : memref<1600x32xf32, #tpu.memory_space<vmem>>, vector<1x16xf32>,
        %get3A_554 = vector.shape_cast %get3A_553 : vector<1x16xf32> to vector<16xf32>
        %mul3A_555 = arith.mulf %get3A_550, %gather3A_542 : vector<16xf32>
        %swap3A_556 = arith.index_cast %add3A_546 : i32 to index
        %swap3A_557 = arith.constant 0 : index
        %swap3A_558 = tpu.vector_load %arg7[%swap3A_556, %swap3A_557] {strides = array<i32>} : memref<1600x32xf32, #tpu.memory_space<vmem>>, vector<1x16xf32>,
        %swap3A_559 = vector.shape_cast %swap3A_558 : vector<1x16xf32> to vector<16xf32>
        %swap3A_560 = vector.shape_cast %mul3A_555 : vector<16xf32> to vector<1x16xf32>
        tpu.vector_store %arg7[%swap3A_556, %swap3A_557], %swap3A_560 {strides = array<i32>} : memref<1600x32xf32, #tpu.memory_space<vmem>>, vector<1x16xf32>,
        %mul3A_561 = arith.mulf %get3A_554, %gather3A_542 : vector<16xf32>
        %swap3A_562 = arith.index_cast %add3A_546 : i32 to index
        %swap3A_563 = arith.constant 16 : index
        %swap3A_564 = tpu.vector_load %arg7[%swap3A_562, %swap3A_563] {strides = array<i32>} : memref<1600x32xf32, #tpu.memory_space<vmem>>, vector<1x16xf32>,
        %swap3A_565 = vector.shape_cast %swap3A_564 : vector<1x16xf32> to vector<16xf32>
        %swap3A_566 = vector.shape_cast %mul3A_561 : vector<16xf32> to vector<1x16xf32>
        tpu.vector_store %arg7[%swap3A_562, %swap3A_563], %swap3A_566 {strides = array<i32>} : memref<1600x32xf32, #tpu.memory_space<vmem>>, vector<1x16xf32>,
        %broadcast_in_dim3A_567 = arith.constant 13 : i32
        %broadcast_in_dim3A_568 = vector.broadcast %broadcast_in_dim3A_567 : i32 to vector<16x1xi32>
        %gather3A_569 = vector.shape_cast %broadcast_in_dim3A_568 : vector<16x1xi32> to vector<16xi32>
        %gather3A_570 = tpu.dynamic_gather %select_n3A[%gather3A_569] in [0] : vector<16xf32>, vector<16xi32> -> vector<16xf32>
        %mul3A_571 = arith.constant 16 : i32
        %mul3A_572 = arith.muli %scan3A_190, %mul3A_571 : i32
        %add3A_573 = arith.constant 13 : i32
        %add3A_574 = arith.addi %mul3A_572, %add3A_573 : i32
        %get3A_575 = arith.index_cast %add3A_574 : i32 to index
        %get3A_576 = arith.constant 0 : index
        %get3A_577 = tpu.vector_load %arg7[%get3A_575, %get3A_576] {strides = array<i32>} : memref<1600x32xf32, #tpu.memory_space<vmem>>, vector<1x16xf32>,
        %get3A_578 = vector.shape_cast %get3A_577 : vector<1x16xf32> to vector<16xf32>
        %get3A_579 = arith.index_cast %add3A_574 : i32 to index
        %get3A_580 = arith.constant 16 : index
        %get3A_581 = tpu.vector_load %arg7[%get3A_579, %get3A_580] {strides = array<i32>} : memref<1600x32xf32, #tpu.memory_space<vmem>>, vector<1x16xf32>,
        %get3A_582 = vector.shape_cast %get3A_581 : vector<1x16xf32> to vector<16xf32>
        %mul3A_583 = arith.mulf %get3A_578, %gather3A_570 : vector<16xf32>
        %swap3A_584 = arith.index_cast %add3A_574 : i32 to index
        %swap3A_585 = arith.constant 0 : index
        %swap3A_586 = tpu.vector_load %arg7[%swap3A_584, %swap3A_585] {strides = array<i32>} : memref<1600x32xf32, #tpu.memory_space<vmem>>, vector<1x16xf32>,
        %swap3A_587 = vector.shape_cast %swap3A_586 : vector<1x16xf32> to vector<16xf32>
        %swap3A_588 = vector.shape_cast %mul3A_583 : vector<16xf32> to vector<1x16xf32>
        tpu.vector_store %arg7[%swap3A_584, %swap3A_585], %swap3A_588 {strides = array<i32>} : memref<1600x32xf32, #tpu.memory_space<vmem>>, vector<1x16xf32>,
        %mul3A_589 = arith.mulf %get3A_582, %gather3A_570 : vector<16xf32>
        %swap3A_590 = arith.index_cast %add3A_574 : i32 to index
        %swap3A_591 = arith.constant 16 : index
        %swap3A_592 = tpu.vector_load %arg7[%swap3A_590, %swap3A_591] {strides = array<i32>} : memref<1600x32xf32, #tpu.memory_space<vmem>>, vector<1x16xf32>,
        %swap3A_593 = vector.shape_cast %swap3A_592 : vector<1x16xf32> to vector<16xf32>
        %swap3A_594 = vector.shape_cast %mul3A_589 : vector<16xf32> to vector<1x16xf32>
        tpu.vector_store %arg7[%swap3A_590, %swap3A_591], %swap3A_594 {strides = array<i32>} : memref<1600x32xf32, #tpu.memory_space<vmem>>, vector<1x16xf32>,
        %broadcast_in_dim3A_595 = arith.constant 14 : i32
        %broadcast_in_dim3A_596 = vector.broadcast %broadcast_in_dim3A_595 : i32 to vector<16x1xi32>
        %gather3A_597 = vector.shape_cast %broadcast_in_dim3A_596 : vector<16x1xi32> to vector<16xi32>
        %gather3A_598 = tpu.dynamic_gather %select_n3A[%gather3A_597] in [0] : vector<16xf32>, vector<16xi32> -> vector<16xf32>
        %mul3A_599 = arith.constant 16 : i32
        %mul3A_600 = arith.muli %scan3A_190, %mul3A_599 : i32
        %add3A_601 = arith.constant 14 : i32
        %add3A_602 = arith.addi %mul3A_600, %add3A_601 : i32
        %get3A_603 = arith.index_cast %add3A_602 : i32 to index
        %get3A_604 = arith.constant 0 : index
        %get3A_605 = tpu.vector_load %arg7[%get3A_603, %get3A_604] {strides = array<i32>} : memref<1600x32xf32, #tpu.memory_space<vmem>>, vector<1x16xf32>,
        %get3A_606 = vector.shape_cast %get3A_605 : vector<1x16xf32> to vector<16xf32>
        %get3A_607 = arith.index_cast %add3A_602 : i32 to index
        %get3A_608 = arith.constant 16 : index
        %get3A_609 = tpu.vector_load %arg7[%get3A_607, %get3A_608] {strides = array<i32>} : memref<1600x32xf32, #tpu.memory_space<vmem>>, vector<1x16xf32>,
        %get3A_610 = vector.shape_cast %get3A_609 : vector<1x16xf32> to vector<16xf32>
        %mul3A_611 = arith.mulf %get3A_606, %gather3A_598 : vector<16xf32>
        %swap3A_612 = arith.index_cast %add3A_602 : i32 to index
        %swap3A_613 = arith.constant 0 : index
        %swap3A_614 = tpu.vector_load %arg7[%swap3A_612, %swap3A_613] {strides = array<i32>} : memref<1600x32xf32, #tpu.memory_space<vmem>>, vector<1x16xf32>,
        %swap3A_615 = vector.shape_cast %swap3A_614 : vector<1x16xf32> to vector<16xf32>
        %swap3A_616 = vector.shape_cast %mul3A_611 : vector<16xf32> to vector<1x16xf32>
        tpu.vector_store %arg7[%swap3A_612, %swap3A_613], %swap3A_616 {strides = array<i32>} : memref<1600x32xf32, #tpu.memory_space<vmem>>, vector<1x16xf32>,
        %mul3A_617 = arith.mulf %get3A_610, %gather3A_598 : vector<16xf32>
        %swap3A_618 = arith.index_cast %add3A_602 : i32 to index
        %swap3A_619 = arith.constant 16 : index
        %swap3A_620 = tpu.vector_load %arg7[%swap3A_618, %swap3A_619] {strides = array<i32>} : memref<1600x32xf32, #tpu.memory_space<vmem>>, vector<1x16xf32>,
        %swap3A_621 = vector.shape_cast %swap3A_620 : vector<1x16xf32> to vector<16xf32>
        %swap3A_622 = vector.shape_cast %mul3A_617 : vector<16xf32> to vector<1x16xf32>
        tpu.vector_store %arg7[%swap3A_618, %swap3A_619], %swap3A_622 {strides = array<i32>} : memref<1600x32xf32, #tpu.memory_space<vmem>>, vector<1x16xf32>,
        %broadcast_in_dim3A_623 = arith.constant 15 : i32
        %broadcast_in_dim3A_624 = vector.broadcast %broadcast_in_dim3A_623 : i32 to vector<16x1xi32>
        %gather3A_625 = vector.shape_cast %broadcast_in_dim3A_624 : vector<16x1xi32> to vector<16xi32>
        %gather3A_626 = tpu.dynamic_gather %select_n3A[%gather3A_625] in [0] : vector<16xf32>, vector<16xi32> -> vector<16xf32>
        %mul3A_627 = arith.constant 16 : i32
        %mul3A_628 = arith.muli %scan3A_190, %mul3A_627 : i32
        %add3A_629 = arith.constant 15 : i32
        %add3A_630 = arith.addi %mul3A_628, %add3A_629 : i32
        %get3A_631 = arith.index_cast %add3A_630 : i32 to index
        %get3A_632 = arith.constant 0 : index
        %get3A_633 = tpu.vector_load %arg7[%get3A_631, %get3A_632] {strides = array<i32>} : memref<1600x32xf32, #tpu.memory_space<vmem>>, vector<1x16xf32>,
        %get3A_634 = vector.shape_cast %get3A_633 : vector<1x16xf32> to vector<16xf32>
        %get3A_635 = arith.index_cast %add3A_630 : i32 to index
        %get3A_636 = arith.constant 16 : index
        %get3A_637 = tpu.vector_load %arg7[%get3A_635, %get3A_636] {strides = array<i32>} : memref<1600x32xf32, #tpu.memory_space<vmem>>, vector<1x16xf32>,
        %get3A_638 = vector.shape_cast %get3A_637 : vector<1x16xf32> to vector<16xf32>
        %mul3A_639 = arith.mulf %get3A_634, %gather3A_626 : vector<16xf32>
        %swap3A_640 = arith.index_cast %add3A_630 : i32 to index
        %swap3A_641 = arith.constant 0 : index
        %swap3A_642 = tpu.vector_load %arg7[%swap3A_640, %swap3A_641] {strides = array<i32>} : memref<1600x32xf32, #tpu.memory_space<vmem>>, vector<1x16xf32>,
        %swap3A_643 = vector.shape_cast %swap3A_642 : vector<1x16xf32> to vector<16xf32>
        %swap3A_644 = vector.shape_cast %mul3A_639 : vector<16xf32> to vector<1x16xf32>
        tpu.vector_store %arg7[%swap3A_640, %swap3A_641], %swap3A_644 {strides = array<i32>} : memref<1600x32xf32, #tpu.memory_space<vmem>>, vector<1x16xf32>,
        %mul3A_645 = arith.mulf %get3A_638, %gather3A_626 : vector<16xf32>
        %swap3A_646 = arith.index_cast %add3A_630 : i32 to index
        %swap3A_647 = arith.constant 16 : index
        %swap3A_648 = tpu.vector_load %arg7[%swap3A_646, %swap3A_647] {strides = array<i32>} : memref<1600x32xf32, #tpu.memory_space<vmem>>, vector<1x16xf32>,
        %swap3A_649 = vector.shape_cast %swap3A_648 : vector<1x16xf32> to vector<16xf32>
        %swap3A_650 = vector.shape_cast %mul3A_645 : vector<16xf32> to vector<1x16xf32>
        tpu.vector_store %arg7[%swap3A_646, %swap3A_647], %swap3A_650 {strides = array<i32>} : memref<1600x32xf32, #tpu.memory_space<vmem>>, vector<1x16xf32>,
      }
      %scan3A_189 = arith.constant 100 : i32
    } else {
    }
    %dma_start3A_115 = arith.constant 1600 : i32
    %dma_start3A_116 = arith.constant 0 : i32
    %dma_start3A_117 = tpu.memref_slice %arg4[%add3A, %dma_start3A_115, %dma_start3A_116] : memref<32x6400x32xf32, #tpu.memory_space<hbm>> -> memref<1x1600x32xf32, #tpu.memory_space<hbm>>
    %dma_start3A_118 = tpu.memref_squeeze %dma_start3A_117 : memref<1x1600x32xf32, #tpu.memory_space<hbm>> -> memref<1600x32xf32, #tpu.memory_space<hbm>>
    %dma_start3A_119 = arith.constant 1600 : i32
    %dma_start3A_120 = arith.constant 0 : i32
    %dma_start3A_121 = tpu.memref_slice %arg4[%add3A, %dma_start3A_119, %dma_start3A_120] : memref<32x6400x32xf32, #tpu.memory_space<hbm>> -> memref<1x1600x32xf32, #tpu.memory_space<hbm>>
    %dma_start3A_122 = tpu.memref_squeeze %dma_start3A_121 : memref<1x1600x32xf32, #tpu.memory_space<hbm>> -> memref<1600x32xf32, #tpu.memory_space<hbm>>
    tpu.enqueue_dma source(%arg7 : memref<1600x32xf32, #tpu.memory_space<vmem>>) target(%dma_start3A_122 : memref<1600x32xf32, #tpu.memory_space<hbm>>) target_semaphore(%arg14 : memref<!tpu.dma_semaphore, #tpu.memory_space<semaphore_mem>>)
    %dma_wait3A_123 = arith.constant 3200 : i32
    %dma_wait3A_124 = tpu.memref_slice %arg5[%dma_wait3A_123] : memref<6400xi32, #tpu.memory_space<vmem>> -> memref<1600xi32, #tpu.memory_space<vmem>>
    %dma_wait3A_125 = arith.constant 0 : i32
    %dma_wait3A_126 = arith.constant 0 : i32
    %dma_wait3A_127 = tpu.memref_slice %arg3[%dma_wait3A_125, %dma_wait3A_126] : memref<1000000x32xf32, #tpu.memory_space<hbm>> -> memref<1000000x32xf32, #tpu.memory_space<hbm>>
    tpu.wait_indirect_dma semaphore(%arg11 : memref<!tpu.dma_semaphore, #tpu.memory_space<semaphore_mem>>) src(%dma_wait3A_127 : memref<1000000x32xf32, #tpu.memory_space<hbm>>) dst(%arg6 : memref<1600x32xf32, #tpu.memory_space<vmem>>)
    %dma_wait3A_128 = arith.constant 1600 : i32
    %dma_wait3A_129 = arith.constant 0 : i32
    %dma_wait3A_130 = tpu.memref_slice %arg4[%add3A, %dma_wait3A_128, %dma_wait3A_129] : memref<32x6400x32xf32, #tpu.memory_space<hbm>> -> memref<1x1600x32xf32, #tpu.memory_space<hbm>>
    %dma_wait3A_131 = tpu.memref_squeeze %dma_wait3A_130 : memref<1x1600x32xf32, #tpu.memory_space<hbm>> -> memref<1600x32xf32, #tpu.memory_space<hbm>>
    %dma_wait3A_132 = arith.constant 1600 : i32
    %dma_wait3A_133 = arith.constant 0 : i32
    %dma_wait3A_134 = tpu.memref_slice %arg4[%add3A, %dma_wait3A_132, %dma_wait3A_133] : memref<32x6400x32xf32, #tpu.memory_space<hbm>> -> memref<1x1600x32xf32, #tpu.memory_space<hbm>>
    %dma_wait3A_135 = tpu.memref_squeeze %dma_wait3A_134 : memref<1x1600x32xf32, #tpu.memory_space<hbm>> -> memref<1600x32xf32, #tpu.memory_space<hbm>>
    tpu.wait_dma2 semaphore(%arg14 : memref<!tpu.dma_semaphore, #tpu.memory_space<semaphore_mem>>) src(%arg7 : memref<1600x32xf32, #tpu.memory_space<vmem>>) dst(%dma_wait3A_135 : memref<1600x32xf32, #tpu.memory_space<hbm>>)
    %dma_start3A_136 = arith.constant 4800 : i32
    %dma_start3A_137 = tpu.memref_slice %arg5[%dma_start3A_136] : memref<6400xi32, #tpu.memory_space<vmem>> -> memref<1600xi32, #tpu.memory_space<vmem>>
    %dma_start3A_138 = arith.constant 0 : i32
    %dma_start3A_139 = arith.constant 0 : i32
    %dma_start3A_140 = tpu.memref_slice %arg3[%dma_start3A_138, %dma_start3A_139] : memref<1000000x32xf32, #tpu.memory_space<hbm>> -> memref<1000000x32xf32, #tpu.memory_space<hbm>>
    tpu.enqueue_indirect_dma source(%dma_start3A_140 : memref<1000000x32xf32, #tpu.memory_space<hbm>>) target(%arg7 : memref<1600x32xf32, #tpu.memory_space<vmem>>) offsets(%dma_start3A_137 : memref<1600xi32, #tpu.memory_space<vmem>>) semaphore(%arg12 : memref<!tpu.dma_semaphore, #tpu.memory_space<semaphore_mem>>)
    %convert_element_type3A_141 = arith.extui %eq3A_75 : i1 to i32
    %cond3A_142 = arith.constant 0 : i32
    %cond3A_143 = arith.cmpi ne, %convert_element_type3A_141, %cond3A_142 : i32
    scf.if %cond3A_143 {
      %scan3A_184 = arith.constant 0 : i32
      %scan3A_185 = arith.constant 0 : i32
      %scan3A_186 = arith.constant 100 : i32
      %scan3A_187 = arith.addi %scan3A_185, %scan3A_186 : i32
      %scan3A_188 = arith.constant 1 : i32
      scf.for %scan3A_190 = %scan3A_185 to %scan3A_187 step %scan3A_188  : i32 {
        %mul3A_191 = arith.constant 16 : i32
        %mul3A_192 = arith.muli %scan3A_190, %mul3A_191 : i32
        %add3A_193 = arith.constant 3200 : i32
        %add3A_194 = arith.addi %add3A_193, %mul3A_192 : i32
        %get3A_195 = arith.index_cast %add3A_194 : i32 to index
        %get3A_196 = tpu.vector_load %arg5[%get3A_195] {strides = array<i32>} : memref<6400xi32, #tpu.memory_space<vmem>>, vector<16xi32>,
        %get3A_197 = vector.shape_cast %get3A_196 : vector<16xi32> to vector<16xi32>
        %eq3A_198 = arith.constant 0 : i32
        %eq3A_199 = vector.broadcast %eq3A_198 : i32 to vector<16xi32>
        %eq3A_200 = arith.cmpi eq, %get3A_197, %eq3A_199 : vector<16xi32>
        %jit3A = arith.constant 0.000000e+00 : f32
        %jit3A_201 = arith.constant 1.000000e+00 : f32
        %broadcast_in_dim3A_202 = vector.broadcast %jit3A : f32 to vector<16xf32>
        %broadcast_in_dim3A_203 = vector.broadcast %jit3A_201 : f32 to vector<16xf32>
        %select_n3A = arith.select %eq3A_200, %broadcast_in_dim3A_202, %broadcast_in_dim3A_203 : vector<16xi1>, vector<16xf32>
        %broadcast_in_dim3A_204 = arith.constant 0 : i32
        %broadcast_in_dim3A_205 = vector.broadcast %broadcast_in_dim3A_204 : i32 to vector<16x1xi32>
        %gather3A = vector.shape_cast %broadcast_in_dim3A_205 : vector<16x1xi32> to vector<16xi32>
        %gather3A_206 = tpu.dynamic_gather %select_n3A[%gather3A] in [0] : vector<16xf32>, vector<16xi32> -> vector<16xf32>
        %mul3A_207 = arith.constant 16 : i32
        %mul3A_208 = arith.muli %scan3A_190, %mul3A_207 : i32
        %add3A_209 = arith.constant 0 : i32
        %add3A_210 = arith.addi %mul3A_208, %add3A_209 : i32
        %get3A_211 = arith.index_cast %add3A_210 : i32 to index
        %get3A_212 = arith.constant 0 : index
        %get3A_213 = tpu.vector_load %arg6[%get3A_211, %get3A_212] {strides = array<i32>} : memref<1600x32xf32, #tpu.memory_space<vmem>>, vector<1x16xf32>,
        %get3A_214 = vector.shape_cast %get3A_213 : vector<1x16xf32> to vector<16xf32>
        %get3A_215 = arith.index_cast %add3A_210 : i32 to index
        %get3A_216 = arith.constant 16 : index
        %get3A_217 = tpu.vector_load %arg6[%get3A_215, %get3A_216] {strides = array<i32>} : memref<1600x32xf32, #tpu.memory_space<vmem>>, vector<1x16xf32>,
        %get3A_218 = vector.shape_cast %get3A_217 : vector<1x16xf32> to vector<16xf32>
        %mul3A_219 = arith.mulf %get3A_214, %gather3A_206 : vector<16xf32>
        %swap3A_220 = arith.index_cast %add3A_210 : i32 to index
        %swap3A_221 = arith.constant 0 : index
        %swap3A_222 = tpu.vector_load %arg6[%swap3A_220, %swap3A_221] {strides = array<i32>} : memref<1600x32xf32, #tpu.memory_space<vmem>>, vector<1x16xf32>,
        %swap3A_223 = vector.shape_cast %swap3A_222 : vector<1x16xf32> to vector<16xf32>
        %swap3A_224 = vector.shape_cast %mul3A_219 : vector<16xf32> to vector<1x16xf32>
        tpu.vector_store %arg6[%swap3A_220, %swap3A_221], %swap3A_224 {strides = array<i32>} : memref<1600x32xf32, #tpu.memory_space<vmem>>, vector<1x16xf32>,
        %mul3A_225 = arith.mulf %get3A_218, %gather3A_206 : vector<16xf32>
        %swap3A_226 = arith.index_cast %add3A_210 : i32 to index
        %swap3A_227 = arith.constant 16 : index
        %swap3A_228 = tpu.vector_load %arg6[%swap3A_226, %swap3A_227] {strides = array<i32>} : memref<1600x32xf32, #tpu.memory_space<vmem>>, vector<1x16xf32>,
        %swap3A_229 = vector.shape_cast %swap3A_228 : vector<1x16xf32> to vector<16xf32>
        %swap3A_230 = vector.shape_cast %mul3A_225 : vector<16xf32> to vector<1x16xf32>
        tpu.vector_store %arg6[%swap3A_226, %swap3A_227], %swap3A_230 {strides = array<i32>} : memref<1600x32xf32, #tpu.memory_space<vmem>>, vector<1x16xf32>,
        %broadcast_in_dim3A_231 = arith.constant 1 : i32
        %broadcast_in_dim3A_232 = vector.broadcast %broadcast_in_dim3A_231 : i32 to vector<16x1xi32>
        %gather3A_233 = vector.shape_cast %broadcast_in_dim3A_232 : vector<16x1xi32> to vector<16xi32>
        %gather3A_234 = tpu.dynamic_gather %select_n3A[%gather3A_233] in [0] : vector<16xf32>, vector<16xi32> -> vector<16xf32>
        %mul3A_235 = arith.constant 16 : i32
        %mul3A_236 = arith.muli %scan3A_190, %mul3A_235 : i32
        %add3A_237 = arith.constant 1 : i32
        %add3A_238 = arith.addi %mul3A_236, %add3A_237 : i32
        %get3A_239 = arith.index_cast %add3A_238 : i32 to index
        %get3A_240 = arith.constant 0 : index
        %get3A_241 = tpu.vector_load %arg6[%get3A_239, %get3A_240] {strides = array<i32>} : memref<1600x32xf32, #tpu.memory_space<vmem>>, vector<1x16xf32>,
        %get3A_242 = vector.shape_cast %get3A_241 : vector<1x16xf32> to vector<16xf32>
        %get3A_243 = arith.index_cast %add3A_238 : i32 to index
        %get3A_244 = arith.constant 16 : index
        %get3A_245 = tpu.vector_load %arg6[%get3A_243, %get3A_244] {strides = array<i32>} : memref<1600x32xf32, #tpu.memory_space<vmem>>, vector<1x16xf32>,
        %get3A_246 = vector.shape_cast %get3A_245 : vector<1x16xf32> to vector<16xf32>
        %mul3A_247 = arith.mulf %get3A_242, %gather3A_234 : vector<16xf32>
        %swap3A_248 = arith.index_cast %add3A_238 : i32 to index
        %swap3A_249 = arith.constant 0 : index
        %swap3A_250 = tpu.vector_load %arg6[%swap3A_248, %swap3A_249] {strides = array<i32>} : memref<1600x32xf32, #tpu.memory_space<vmem>>, vector<1x16xf32>,
        %swap3A_251 = vector.shape_cast %swap3A_250 : vector<1x16xf32> to vector<16xf32>
        %swap3A_252 = vector.shape_cast %mul3A_247 : vector<16xf32> to vector<1x16xf32>
        tpu.vector_store %arg6[%swap3A_248, %swap3A_249], %swap3A_252 {strides = array<i32>} : memref<1600x32xf32, #tpu.memory_space<vmem>>, vector<1x16xf32>,
        %mul3A_253 = arith.mulf %get3A_246, %gather3A_234 : vector<16xf32>
        %swap3A_254 = arith.index_cast %add3A_238 : i32 to index
        %swap3A_255 = arith.constant 16 : index
        %swap3A_256 = tpu.vector_load %arg6[%swap3A_254, %swap3A_255] {strides = array<i32>} : memref<1600x32xf32, #tpu.memory_space<vmem>>, vector<1x16xf32>,
        %swap3A_257 = vector.shape_cast %swap3A_256 : vector<1x16xf32> to vector<16xf32>
        %swap3A_258 = vector.shape_cast %mul3A_253 : vector<16xf32> to vector<1x16xf32>
        tpu.vector_store %arg6[%swap3A_254, %swap3A_255], %swap3A_258 {strides = array<i32>} : memref<1600x32xf32, #tpu.memory_space<vmem>>, vector<1x16xf32>,
        %broadcast_in_dim3A_259 = arith.constant 2 : i32
        %broadcast_in_dim3A_260 = vector.broadcast %broadcast_in_dim3A_259 : i32 to vector<16x1xi32>
        %gather3A_261 = vector.shape_cast %broadcast_in_dim3A_260 : vector<16x1xi32> to vector<16xi32>
        %gather3A_262 = tpu.dynamic_gather %select_n3A[%gather3A_261] in [0] : vector<16xf32>, vector<16xi32> -> vector<16xf32>
        %mul3A_263 = arith.constant 16 : i32
        %mul3A_264 = arith.muli %scan3A_190, %mul3A_263 : i32
        %add3A_265 = arith.constant 2 : i32
        %add3A_266 = arith.addi %mul3A_264, %add3A_265 : i32
        %get3A_267 = arith.index_cast %add3A_266 : i32 to index
        %get3A_268 = arith.constant 0 : index
        %get3A_269 = tpu.vector_load %arg6[%get3A_267, %get3A_268] {strides = array<i32>} : memref<1600x32xf32, #tpu.memory_space<vmem>>, vector<1x16xf32>,
        %get3A_270 = vector.shape_cast %get3A_269 : vector<1x16xf32> to vector<16xf32>
        %get3A_271 = arith.index_cast %add3A_266 : i32 to index
        %get3A_272 = arith.constant 16 : index
        %get3A_273 = tpu.vector_load %arg6[%get3A_271, %get3A_272] {strides = array<i32>} : memref<1600x32xf32, #tpu.memory_space<vmem>>, vector<1x16xf32>,
        %get3A_274 = vector.shape_cast %get3A_273 : vector<1x16xf32> to vector<16xf32>
        %mul3A_275 = arith.mulf %get3A_270, %gather3A_262 : vector<16xf32>
        %swap3A_276 = arith.index_cast %add3A_266 : i32 to index
        %swap3A_277 = arith.constant 0 : index
        %swap3A_278 = tpu.vector_load %arg6[%swap3A_276, %swap3A_277] {strides = array<i32>} : memref<1600x32xf32, #tpu.memory_space<vmem>>, vector<1x16xf32>,
        %swap3A_279 = vector.shape_cast %swap3A_278 : vector<1x16xf32> to vector<16xf32>
        %swap3A_280 = vector.shape_cast %mul3A_275 : vector<16xf32> to vector<1x16xf32>
        tpu.vector_store %arg6[%swap3A_276, %swap3A_277], %swap3A_280 {strides = array<i32>} : memref<1600x32xf32, #tpu.memory_space<vmem>>, vector<1x16xf32>,
        %mul3A_281 = arith.mulf %get3A_274, %gather3A_262 : vector<16xf32>
        %swap3A_282 = arith.index_cast %add3A_266 : i32 to index
        %swap3A_283 = arith.constant 16 : index
        %swap3A_284 = tpu.vector_load %arg6[%swap3A_282, %swap3A_283] {strides = array<i32>} : memref<1600x32xf32, #tpu.memory_space<vmem>>, vector<1x16xf32>,
        %swap3A_285 = vector.shape_cast %swap3A_284 : vector<1x16xf32> to vector<16xf32>
        %swap3A_286 = vector.shape_cast %mul3A_281 : vector<16xf32> to vector<1x16xf32>
        tpu.vector_store %arg6[%swap3A_282, %swap3A_283], %swap3A_286 {strides = array<i32>} : memref<1600x32xf32, #tpu.memory_space<vmem>>, vector<1x16xf32>,
        %broadcast_in_dim3A_287 = arith.constant 3 : i32
        %broadcast_in_dim3A_288 = vector.broadcast %broadcast_in_dim3A_287 : i32 to vector<16x1xi32>
        %gather3A_289 = vector.shape_cast %broadcast_in_dim3A_288 : vector<16x1xi32> to vector<16xi32>
        %gather3A_290 = tpu.dynamic_gather %select_n3A[%gather3A_289] in [0] : vector<16xf32>, vector<16xi32> -> vector<16xf32>
        %mul3A_291 = arith.constant 16 : i32
        %mul3A_292 = arith.muli %scan3A_190, %mul3A_291 : i32
        %add3A_293 = arith.constant 3 : i32
        %add3A_294 = arith.addi %mul3A_292, %add3A_293 : i32
        %get3A_295 = arith.index_cast %add3A_294 : i32 to index
        %get3A_296 = arith.constant 0 : index
        %get3A_297 = tpu.vector_load %arg6[%get3A_295, %get3A_296] {strides = array<i32>} : memref<1600x32xf32, #tpu.memory_space<vmem>>, vector<1x16xf32>,
        %get3A_298 = vector.shape_cast %get3A_297 : vector<1x16xf32> to vector<16xf32>
        %get3A_299 = arith.index_cast %add3A_294 : i32 to index
        %get3A_300 = arith.constant 16 : index
        %get3A_301 = tpu.vector_load %arg6[%get3A_299, %get3A_300] {strides = array<i32>} : memref<1600x32xf32, #tpu.memory_space<vmem>>, vector<1x16xf32>,
        %get3A_302 = vector.shape_cast %get3A_301 : vector<1x16xf32> to vector<16xf32>
        %mul3A_303 = arith.mulf %get3A_298, %gather3A_290 : vector<16xf32>
        %swap3A_304 = arith.index_cast %add3A_294 : i32 to index
        %swap3A_305 = arith.constant 0 : index
        %swap3A_306 = tpu.vector_load %arg6[%swap3A_304, %swap3A_305] {strides = array<i32>} : memref<1600x32xf32, #tpu.memory_space<vmem>>, vector<1x16xf32>,
        %swap3A_307 = vector.shape_cast %swap3A_306 : vector<1x16xf32> to vector<16xf32>
        %swap3A_308 = vector.shape_cast %mul3A_303 : vector<16xf32> to vector<1x16xf32>
        tpu.vector_store %arg6[%swap3A_304, %swap3A_305], %swap3A_308 {strides = array<i32>} : memref<1600x32xf32, #tpu.memory_space<vmem>>, vector<1x16xf32>,
        %mul3A_309 = arith.mulf %get3A_302, %gather3A_290 : vector<16xf32>
        %swap3A_310 = arith.index_cast %add3A_294 : i32 to index
        %swap3A_311 = arith.constant 16 : index
        %swap3A_312 = tpu.vector_load %arg6[%swap3A_310, %swap3A_311] {strides = array<i32>} : memref<1600x32xf32, #tpu.memory_space<vmem>>, vector<1x16xf32>,
        %swap3A_313 = vector.shape_cast %swap3A_312 : vector<1x16xf32> to vector<16xf32>
        %swap3A_314 = vector.shape_cast %mul3A_309 : vector<16xf32> to vector<1x16xf32>
        tpu.vector_store %arg6[%swap3A_310, %swap3A_311], %swap3A_314 {strides = array<i32>} : memref<1600x32xf32, #tpu.memory_space<vmem>>, vector<1x16xf32>,
        %broadcast_in_dim3A_315 = arith.constant 4 : i32
        %broadcast_in_dim3A_316 = vector.broadcast %broadcast_in_dim3A_315 : i32 to vector<16x1xi32>
        %gather3A_317 = vector.shape_cast %broadcast_in_dim3A_316 : vector<16x1xi32> to vector<16xi32>
        %gather3A_318 = tpu.dynamic_gather %select_n3A[%gather3A_317] in [0] : vector<16xf32>, vector<16xi32> -> vector<16xf32>
        %mul3A_319 = arith.constant 16 : i32
        %mul3A_320 = arith.muli %scan3A_190, %mul3A_319 : i32
        %add3A_321 = arith.constant 4 : i32
        %add3A_322 = arith.addi %mul3A_320, %add3A_321 : i32
        %get3A_323 = arith.index_cast %add3A_322 : i32 to index
        %get3A_324 = arith.constant 0 : index
        %get3A_325 = tpu.vector_load %arg6[%get3A_323, %get3A_324] {strides = array<i32>} : memref<1600x32xf32, #tpu.memory_space<vmem>>, vector<1x16xf32>,
        %get3A_326 = vector.shape_cast %get3A_325 : vector<1x16xf32> to vector<16xf32>
        %get3A_327 = arith.index_cast %add3A_322 : i32 to index
        %get3A_328 = arith.constant 16 : index
        %get3A_329 = tpu.vector_load %arg6[%get3A_327, %get3A_328] {strides = array<i32>} : memref<1600x32xf32, #tpu.memory_space<vmem>>, vector<1x16xf32>,
        %get3A_330 = vector.shape_cast %get3A_329 : vector<1x16xf32> to vector<16xf32>
        %mul3A_331 = arith.mulf %get3A_326, %gather3A_318 : vector<16xf32>
        %swap3A_332 = arith.index_cast %add3A_322 : i32 to index
        %swap3A_333 = arith.constant 0 : index
        %swap3A_334 = tpu.vector_load %arg6[%swap3A_332, %swap3A_333] {strides = array<i32>} : memref<1600x32xf32, #tpu.memory_space<vmem>>, vector<1x16xf32>,
        %swap3A_335 = vector.shape_cast %swap3A_334 : vector<1x16xf32> to vector<16xf32>
        %swap3A_336 = vector.shape_cast %mul3A_331 : vector<16xf32> to vector<1x16xf32>
        tpu.vector_store %arg6[%swap3A_332, %swap3A_333], %swap3A_336 {strides = array<i32>} : memref<1600x32xf32, #tpu.memory_space<vmem>>, vector<1x16xf32>,
        %mul3A_337 = arith.mulf %get3A_330, %gather3A_318 : vector<16xf32>
        %swap3A_338 = arith.index_cast %add3A_322 : i32 to index
        %swap3A_339 = arith.constant 16 : index
        %swap3A_340 = tpu.vector_load %arg6[%swap3A_338, %swap3A_339] {strides = array<i32>} : memref<1600x32xf32, #tpu.memory_space<vmem>>, vector<1x16xf32>,
        %swap3A_341 = vector.shape_cast %swap3A_340 : vector<1x16xf32> to vector<16xf32>
        %swap3A_342 = vector.shape_cast %mul3A_337 : vector<16xf32> to vector<1x16xf32>
        tpu.vector_store %arg6[%swap3A_338, %swap3A_339], %swap3A_342 {strides = array<i32>} : memref<1600x32xf32, #tpu.memory_space<vmem>>, vector<1x16xf32>,
        %broadcast_in_dim3A_343 = arith.constant 5 : i32
        %broadcast_in_dim3A_344 = vector.broadcast %broadcast_in_dim3A_343 : i32 to vector<16x1xi32>
        %gather3A_345 = vector.shape_cast %broadcast_in_dim3A_344 : vector<16x1xi32> to vector<16xi32>
        %gather3A_346 = tpu.dynamic_gather %select_n3A[%gather3A_345] in [0] : vector<16xf32>, vector<16xi32> -> vector<16xf32>
        %mul3A_347 = arith.constant 16 : i32
        %mul3A_348 = arith.muli %scan3A_190, %mul3A_347 : i32
        %add3A_349 = arith.constant 5 : i32
        %add3A_350 = arith.addi %mul3A_348, %add3A_349 : i32
        %get3A_351 = arith.index_cast %add3A_350 : i32 to index
        %get3A_352 = arith.constant 0 : index
        %get3A_353 = tpu.vector_load %arg6[%get3A_351, %get3A_352] {strides = array<i32>} : memref<1600x32xf32, #tpu.memory_space<vmem>>, vector<1x16xf32>,
        %get3A_354 = vector.shape_cast %get3A_353 : vector<1x16xf32> to vector<16xf32>
        %get3A_355 = arith.index_cast %add3A_350 : i32 to index
        %get3A_356 = arith.constant 16 : index
        %get3A_357 = tpu.vector_load %arg6[%get3A_355, %get3A_356] {strides = array<i32>} : memref<1600x32xf32, #tpu.memory_space<vmem>>, vector<1x16xf32>,
        %get3A_358 = vector.shape_cast %get3A_357 : vector<1x16xf32> to vector<16xf32>
        %mul3A_359 = arith.mulf %get3A_354, %gather3A_346 : vector<16xf32>
        %swap3A_360 = arith.index_cast %add3A_350 : i32 to index
        %swap3A_361 = arith.constant 0 : index
        %swap3A_362 = tpu.vector_load %arg6[%swap3A_360, %swap3A_361] {strides = array<i32>} : memref<1600x32xf32, #tpu.memory_space<vmem>>, vector<1x16xf32>,
        %swap3A_363 = vector.shape_cast %swap3A_362 : vector<1x16xf32> to vector<16xf32>
        %swap3A_364 = vector.shape_cast %mul3A_359 : vector<16xf32> to vector<1x16xf32>
        tpu.vector_store %arg6[%swap3A_360, %swap3A_361], %swap3A_364 {strides = array<i32>} : memref<1600x32xf32, #tpu.memory_space<vmem>>, vector<1x16xf32>,
        %mul3A_365 = arith.mulf %get3A_358, %gather3A_346 : vector<16xf32>
        %swap3A_366 = arith.index_cast %add3A_350 : i32 to index
        %swap3A_367 = arith.constant 16 : index
        %swap3A_368 = tpu.vector_load %arg6[%swap3A_366, %swap3A_367] {strides = array<i32>} : memref<1600x32xf32, #tpu.memory_space<vmem>>, vector<1x16xf32>,
        %swap3A_369 = vector.shape_cast %swap3A_368 : vector<1x16xf32> to vector<16xf32>
        %swap3A_370 = vector.shape_cast %mul3A_365 : vector<16xf32> to vector<1x16xf32>
        tpu.vector_store %arg6[%swap3A_366, %swap3A_367], %swap3A_370 {strides = array<i32>} : memref<1600x32xf32, #tpu.memory_space<vmem>>, vector<1x16xf32>,
        %broadcast_in_dim3A_371 = arith.constant 6 : i32
        %broadcast_in_dim3A_372 = vector.broadcast %broadcast_in_dim3A_371 : i32 to vector<16x1xi32>
        %gather3A_373 = vector.shape_cast %broadcast_in_dim3A_372 : vector<16x1xi32> to vector<16xi32>
        %gather3A_374 = tpu.dynamic_gather %select_n3A[%gather3A_373] in [0] : vector<16xf32>, vector<16xi32> -> vector<16xf32>
        %mul3A_375 = arith.constant 16 : i32
        %mul3A_376 = arith.muli %scan3A_190, %mul3A_375 : i32
        %add3A_377 = arith.constant 6 : i32
        %add3A_378 = arith.addi %mul3A_376, %add3A_377 : i32
        %get3A_379 = arith.index_cast %add3A_378 : i32 to index
        %get3A_380 = arith.constant 0 : index
        %get3A_381 = tpu.vector_load %arg6[%get3A_379, %get3A_380] {strides = array<i32>} : memref<1600x32xf32, #tpu.memory_space<vmem>>, vector<1x16xf32>,
        %get3A_382 = vector.shape_cast %get3A_381 : vector<1x16xf32> to vector<16xf32>
        %get3A_383 = arith.index_cast %add3A_378 : i32 to index
        %get3A_384 = arith.constant 16 : index
        %get3A_385 = tpu.vector_load %arg6[%get3A_383, %get3A_384] {strides = array<i32>} : memref<1600x32xf32, #tpu.memory_space<vmem>>, vector<1x16xf32>,
        %get3A_386 = vector.shape_cast %get3A_385 : vector<1x16xf32> to vector<16xf32>
        %mul3A_387 = arith.mulf %get3A_382, %gather3A_374 : vector<16xf32>
        %swap3A_388 = arith.index_cast %add3A_378 : i32 to index
        %swap3A_389 = arith.constant 0 : index
        %swap3A_390 = tpu.vector_load %arg6[%swap3A_388, %swap3A_389] {strides = array<i32>} : memref<1600x32xf32, #tpu.memory_space<vmem>>, vector<1x16xf32>,
        %swap3A_391 = vector.shape_cast %swap3A_390 : vector<1x16xf32> to vector<16xf32>
        %swap3A_392 = vector.shape_cast %mul3A_387 : vector<16xf32> to vector<1x16xf32>
        tpu.vector_store %arg6[%swap3A_388, %swap3A_389], %swap3A_392 {strides = array<i32>} : memref<1600x32xf32, #tpu.memory_space<vmem>>, vector<1x16xf32>,
        %mul3A_393 = arith.mulf %get3A_386, %gather3A_374 : vector<16xf32>
        %swap3A_394 = arith.index_cast %add3A_378 : i32 to index
        %swap3A_395 = arith.constant 16 : index
        %swap3A_396 = tpu.vector_load %arg6[%swap3A_394, %swap3A_395] {strides = array<i32>} : memref<1600x32xf32, #tpu.memory_space<vmem>>, vector<1x16xf32>,
        %swap3A_397 = vector.shape_cast %swap3A_396 : vector<1x16xf32> to vector<16xf32>
        %swap3A_398 = vector.shape_cast %mul3A_393 : vector<16xf32> to vector<1x16xf32>
        tpu.vector_store %arg6[%swap3A_394, %swap3A_395], %swap3A_398 {strides = array<i32>} : memref<1600x32xf32, #tpu.memory_space<vmem>>, vector<1x16xf32>,
        %broadcast_in_dim3A_399 = arith.constant 7 : i32
        %broadcast_in_dim3A_400 = vector.broadcast %broadcast_in_dim3A_399 : i32 to vector<16x1xi32>
        %gather3A_401 = vector.shape_cast %broadcast_in_dim3A_400 : vector<16x1xi32> to vector<16xi32>
        %gather3A_402 = tpu.dynamic_gather %select_n3A[%gather3A_401] in [0] : vector<16xf32>, vector<16xi32> -> vector<16xf32>
        %mul3A_403 = arith.constant 16 : i32
        %mul3A_404 = arith.muli %scan3A_190, %mul3A_403 : i32
        %add3A_405 = arith.constant 7 : i32
        %add3A_406 = arith.addi %mul3A_404, %add3A_405 : i32
        %get3A_407 = arith.index_cast %add3A_406 : i32 to index
        %get3A_408 = arith.constant 0 : index
        %get3A_409 = tpu.vector_load %arg6[%get3A_407, %get3A_408] {strides = array<i32>} : memref<1600x32xf32, #tpu.memory_space<vmem>>, vector<1x16xf32>,
        %get3A_410 = vector.shape_cast %get3A_409 : vector<1x16xf32> to vector<16xf32>
        %get3A_411 = arith.index_cast %add3A_406 : i32 to index
        %get3A_412 = arith.constant 16 : index
        %get3A_413 = tpu.vector_load %arg6[%get3A_411, %get3A_412] {strides = array<i32>} : memref<1600x32xf32, #tpu.memory_space<vmem>>, vector<1x16xf32>,
        %get3A_414 = vector.shape_cast %get3A_413 : vector<1x16xf32> to vector<16xf32>
        %mul3A_415 = arith.mulf %get3A_410, %gather3A_402 : vector<16xf32>
        %swap3A_416 = arith.index_cast %add3A_406 : i32 to index
        %swap3A_417 = arith.constant 0 : index
        %swap3A_418 = tpu.vector_load %arg6[%swap3A_416, %swap3A_417] {strides = array<i32>} : memref<1600x32xf32, #tpu.memory_space<vmem>>, vector<1x16xf32>,
        %swap3A_419 = vector.shape_cast %swap3A_418 : vector<1x16xf32> to vector<16xf32>
        %swap3A_420 = vector.shape_cast %mul3A_415 : vector<16xf32> to vector<1x16xf32>
        tpu.vector_store %arg6[%swap3A_416, %swap3A_417], %swap3A_420 {strides = array<i32>} : memref<1600x32xf32, #tpu.memory_space<vmem>>, vector<1x16xf32>,
        %mul3A_421 = arith.mulf %get3A_414, %gather3A_402 : vector<16xf32>
        %swap3A_422 = arith.index_cast %add3A_406 : i32 to index
        %swap3A_423 = arith.constant 16 : index
        %swap3A_424 = tpu.vector_load %arg6[%swap3A_422, %swap3A_423] {strides = array<i32>} : memref<1600x32xf32, #tpu.memory_space<vmem>>, vector<1x16xf32>,
        %swap3A_425 = vector.shape_cast %swap3A_424 : vector<1x16xf32> to vector<16xf32>
        %swap3A_426 = vector.shape_cast %mul3A_421 : vector<16xf32> to vector<1x16xf32>
        tpu.vector_store %arg6[%swap3A_422, %swap3A_423], %swap3A_426 {strides = array<i32>} : memref<1600x32xf32, #tpu.memory_space<vmem>>, vector<1x16xf32>,
        %broadcast_in_dim3A_427 = arith.constant 8 : i32
        %broadcast_in_dim3A_428 = vector.broadcast %broadcast_in_dim3A_427 : i32 to vector<16x1xi32>
        %gather3A_429 = vector.shape_cast %broadcast_in_dim3A_428 : vector<16x1xi32> to vector<16xi32>
        %gather3A_430 = tpu.dynamic_gather %select_n3A[%gather3A_429] in [0] : vector<16xf32>, vector<16xi32> -> vector<16xf32>
        %mul3A_431 = arith.constant 16 : i32
        %mul3A_432 = arith.muli %scan3A_190, %mul3A_431 : i32
        %add3A_433 = arith.constant 8 : i32
        %add3A_434 = arith.addi %mul3A_432, %add3A_433 : i32
        %get3A_435 = arith.index_cast %add3A_434 : i32 to index
        %get3A_436 = arith.constant 0 : index
        %get3A_437 = tpu.vector_load %arg6[%get3A_435, %get3A_436] {strides = array<i32>} : memref<1600x32xf32, #tpu.memory_space<vmem>>, vector<1x16xf32>,
        %get3A_438 = vector.shape_cast %get3A_437 : vector<1x16xf32> to vector<16xf32>
        %get3A_439 = arith.index_cast %add3A_434 : i32 to index
        %get3A_440 = arith.constant 16 : index
        %get3A_441 = tpu.vector_load %arg6[%get3A_439, %get3A_440] {strides = array<i32>} : memref<1600x32xf32, #tpu.memory_space<vmem>>, vector<1x16xf32>,
        %get3A_442 = vector.shape_cast %get3A_441 : vector<1x16xf32> to vector<16xf32>
        %mul3A_443 = arith.mulf %get3A_438, %gather3A_430 : vector<16xf32>
        %swap3A_444 = arith.index_cast %add3A_434 : i32 to index
        %swap3A_445 = arith.constant 0 : index
        %swap3A_446 = tpu.vector_load %arg6[%swap3A_444, %swap3A_445] {strides = array<i32>} : memref<1600x32xf32, #tpu.memory_space<vmem>>, vector<1x16xf32>,
        %swap3A_447 = vector.shape_cast %swap3A_446 : vector<1x16xf32> to vector<16xf32>
        %swap3A_448 = vector.shape_cast %mul3A_443 : vector<16xf32> to vector<1x16xf32>
        tpu.vector_store %arg6[%swap3A_444, %swap3A_445], %swap3A_448 {strides = array<i32>} : memref<1600x32xf32, #tpu.memory_space<vmem>>, vector<1x16xf32>,
        %mul3A_449 = arith.mulf %get3A_442, %gather3A_430 : vector<16xf32>
        %swap3A_450 = arith.index_cast %add3A_434 : i32 to index
        %swap3A_451 = arith.constant 16 : index
        %swap3A_452 = tpu.vector_load %arg6[%swap3A_450, %swap3A_451] {strides = array<i32>} : memref<1600x32xf32, #tpu.memory_space<vmem>>, vector<1x16xf32>,
        %swap3A_453 = vector.shape_cast %swap3A_452 : vector<1x16xf32> to vector<16xf32>
        %swap3A_454 = vector.shape_cast %mul3A_449 : vector<16xf32> to vector<1x16xf32>
        tpu.vector_store %arg6[%swap3A_450, %swap3A_451], %swap3A_454 {strides = array<i32>} : memref<1600x32xf32, #tpu.memory_space<vmem>>, vector<1x16xf32>,
        %broadcast_in_dim3A_455 = arith.constant 9 : i32
        %broadcast_in_dim3A_456 = vector.broadcast %broadcast_in_dim3A_455 : i32 to vector<16x1xi32>
        %gather3A_457 = vector.shape_cast %broadcast_in_dim3A_456 : vector<16x1xi32> to vector<16xi32>
        %gather3A_458 = tpu.dynamic_gather %select_n3A[%gather3A_457] in [0] : vector<16xf32>, vector<16xi32> -> vector<16xf32>
        %mul3A_459 = arith.constant 16 : i32
        %mul3A_460 = arith.muli %scan3A_190, %mul3A_459 : i32
        %add3A_461 = arith.constant 9 : i32
        %add3A_462 = arith.addi %mul3A_460, %add3A_461 : i32
        %get3A_463 = arith.index_cast %add3A_462 : i32 to index
        %get3A_464 = arith.constant 0 : index
        %get3A_465 = tpu.vector_load %arg6[%get3A_463, %get3A_464] {strides = array<i32>} : memref<1600x32xf32, #tpu.memory_space<vmem>>, vector<1x16xf32>,
        %get3A_466 = vector.shape_cast %get3A_465 : vector<1x16xf32> to vector<16xf32>
        %get3A_467 = arith.index_cast %add3A_462 : i32 to index
        %get3A_468 = arith.constant 16 : index
        %get3A_469 = tpu.vector_load %arg6[%get3A_467, %get3A_468] {strides = array<i32>} : memref<1600x32xf32, #tpu.memory_space<vmem>>, vector<1x16xf32>,
        %get3A_470 = vector.shape_cast %get3A_469 : vector<1x16xf32> to vector<16xf32>
        %mul3A_471 = arith.mulf %get3A_466, %gather3A_458 : vector<16xf32>
        %swap3A_472 = arith.index_cast %add3A_462 : i32 to index
        %swap3A_473 = arith.constant 0 : index
        %swap3A_474 = tpu.vector_load %arg6[%swap3A_472, %swap3A_473] {strides = array<i32>} : memref<1600x32xf32, #tpu.memory_space<vmem>>, vector<1x16xf32>,
        %swap3A_475 = vector.shape_cast %swap3A_474 : vector<1x16xf32> to vector<16xf32>
        %swap3A_476 = vector.shape_cast %mul3A_471 : vector<16xf32> to vector<1x16xf32>
        tpu.vector_store %arg6[%swap3A_472, %swap3A_473], %swap3A_476 {strides = array<i32>} : memref<1600x32xf32, #tpu.memory_space<vmem>>, vector<1x16xf32>,
        %mul3A_477 = arith.mulf %get3A_470, %gather3A_458 : vector<16xf32>
        %swap3A_478 = arith.index_cast %add3A_462 : i32 to index
        %swap3A_479 = arith.constant 16 : index
        %swap3A_480 = tpu.vector_load %arg6[%swap3A_478, %swap3A_479] {strides = array<i32>} : memref<1600x32xf32, #tpu.memory_space<vmem>>, vector<1x16xf32>,
        %swap3A_481 = vector.shape_cast %swap3A_480 : vector<1x16xf32> to vector<16xf32>
        %swap3A_482 = vector.shape_cast %mul3A_477 : vector<16xf32> to vector<1x16xf32>
        tpu.vector_store %arg6[%swap3A_478, %swap3A_479], %swap3A_482 {strides = array<i32>} : memref<1600x32xf32, #tpu.memory_space<vmem>>, vector<1x16xf32>,
        %broadcast_in_dim3A_483 = arith.constant 10 : i32
        %broadcast_in_dim3A_484 = vector.broadcast %broadcast_in_dim3A_483 : i32 to vector<16x1xi32>
        %gather3A_485 = vector.shape_cast %broadcast_in_dim3A_484 : vector<16x1xi32> to vector<16xi32>
        %gather3A_486 = tpu.dynamic_gather %select_n3A[%gather3A_485] in [0] : vector<16xf32>, vector<16xi32> -> vector<16xf32>
        %mul3A_487 = arith.constant 16 : i32
        %mul3A_488 = arith.muli %scan3A_190, %mul3A_487 : i32
        %add3A_489 = arith.constant 10 : i32
        %add3A_490 = arith.addi %mul3A_488, %add3A_489 : i32
        %get3A_491 = arith.index_cast %add3A_490 : i32 to index
        %get3A_492 = arith.constant 0 : index
        %get3A_493 = tpu.vector_load %arg6[%get3A_491, %get3A_492] {strides = array<i32>} : memref<1600x32xf32, #tpu.memory_space<vmem>>, vector<1x16xf32>,
        %get3A_494 = vector.shape_cast %get3A_493 : vector<1x16xf32> to vector<16xf32>
        %get3A_495 = arith.index_cast %add3A_490 : i32 to index
        %get3A_496 = arith.constant 16 : index
        %get3A_497 = tpu.vector_load %arg6[%get3A_495, %get3A_496] {strides = array<i32>} : memref<1600x32xf32, #tpu.memory_space<vmem>>, vector<1x16xf32>,
        %get3A_498 = vector.shape_cast %get3A_497 : vector<1x16xf32> to vector<16xf32>
        %mul3A_499 = arith.mulf %get3A_494, %gather3A_486 : vector<16xf32>
        %swap3A_500 = arith.index_cast %add3A_490 : i32 to index
        %swap3A_501 = arith.constant 0 : index
        %swap3A_502 = tpu.vector_load %arg6[%swap3A_500, %swap3A_501] {strides = array<i32>} : memref<1600x32xf32, #tpu.memory_space<vmem>>, vector<1x16xf32>,
        %swap3A_503 = vector.shape_cast %swap3A_502 : vector<1x16xf32> to vector<16xf32>
        %swap3A_504 = vector.shape_cast %mul3A_499 : vector<16xf32> to vector<1x16xf32>
        tpu.vector_store %arg6[%swap3A_500, %swap3A_501], %swap3A_504 {strides = array<i32>} : memref<1600x32xf32, #tpu.memory_space<vmem>>, vector<1x16xf32>,
        %mul3A_505 = arith.mulf %get3A_498, %gather3A_486 : vector<16xf32>
        %swap3A_506 = arith.index_cast %add3A_490 : i32 to index
        %swap3A_507 = arith.constant 16 : index
        %swap3A_508 = tpu.vector_load %arg6[%swap3A_506, %swap3A_507] {strides = array<i32>} : memref<1600x32xf32, #tpu.memory_space<vmem>>, vector<1x16xf32>,
        %swap3A_509 = vector.shape_cast %swap3A_508 : vector<1x16xf32> to vector<16xf32>
        %swap3A_510 = vector.shape_cast %mul3A_505 : vector<16xf32> to vector<1x16xf32>
        tpu.vector_store %arg6[%swap3A_506, %swap3A_507], %swap3A_510 {strides = array<i32>} : memref<1600x32xf32, #tpu.memory_space<vmem>>, vector<1x16xf32>,
        %broadcast_in_dim3A_511 = arith.constant 11 : i32
        %broadcast_in_dim3A_512 = vector.broadcast %broadcast_in_dim3A_511 : i32 to vector<16x1xi32>
        %gather3A_513 = vector.shape_cast %broadcast_in_dim3A_512 : vector<16x1xi32> to vector<16xi32>
        %gather3A_514 = tpu.dynamic_gather %select_n3A[%gather3A_513] in [0] : vector<16xf32>, vector<16xi32> -> vector<16xf32>
        %mul3A_515 = arith.constant 16 : i32
        %mul3A_516 = arith.muli %scan3A_190, %mul3A_515 : i32
        %add3A_517 = arith.constant 11 : i32
        %add3A_518 = arith.addi %mul3A_516, %add3A_517 : i32
        %get3A_519 = arith.index_cast %add3A_518 : i32 to index
        %get3A_520 = arith.constant 0 : index
        %get3A_521 = tpu.vector_load %arg6[%get3A_519, %get3A_520] {strides = array<i32>} : memref<1600x32xf32, #tpu.memory_space<vmem>>, vector<1x16xf32>,
        %get3A_522 = vector.shape_cast %get3A_521 : vector<1x16xf32> to vector<16xf32>
        %get3A_523 = arith.index_cast %add3A_518 : i32 to index
        %get3A_524 = arith.constant 16 : index
        %get3A_525 = tpu.vector_load %arg6[%get3A_523, %get3A_524] {strides = array<i32>} : memref<1600x32xf32, #tpu.memory_space<vmem>>, vector<1x16xf32>,
        %get3A_526 = vector.shape_cast %get3A_525 : vector<1x16xf32> to vector<16xf32>
        %mul3A_527 = arith.mulf %get3A_522, %gather3A_514 : vector<16xf32>
        %swap3A_528 = arith.index_cast %add3A_518 : i32 to index
        %swap3A_529 = arith.constant 0 : index
        %swap3A_530 = tpu.vector_load %arg6[%swap3A_528, %swap3A_529] {strides = array<i32>} : memref<1600x32xf32, #tpu.memory_space<vmem>>, vector<1x16xf32>,
        %swap3A_531 = vector.shape_cast %swap3A_530 : vector<1x16xf32> to vector<16xf32>
        %swap3A_532 = vector.shape_cast %mul3A_527 : vector<16xf32> to vector<1x16xf32>
        tpu.vector_store %arg6[%swap3A_528, %swap3A_529], %swap3A_532 {strides = array<i32>} : memref<1600x32xf32, #tpu.memory_space<vmem>>, vector<1x16xf32>,
        %mul3A_533 = arith.mulf %get3A_526, %gather3A_514 : vector<16xf32>
        %swap3A_534 = arith.index_cast %add3A_518 : i32 to index
        %swap3A_535 = arith.constant 16 : index
        %swap3A_536 = tpu.vector_load %arg6[%swap3A_534, %swap3A_535] {strides = array<i32>} : memref<1600x32xf32, #tpu.memory_space<vmem>>, vector<1x16xf32>,
        %swap3A_537 = vector.shape_cast %swap3A_536 : vector<1x16xf32> to vector<16xf32>
        %swap3A_538 = vector.shape_cast %mul3A_533 : vector<16xf32> to vector<1x16xf32>
        tpu.vector_store %arg6[%swap3A_534, %swap3A_535], %swap3A_538 {strides = array<i32>} : memref<1600x32xf32, #tpu.memory_space<vmem>>, vector<1x16xf32>,
        %broadcast_in_dim3A_539 = arith.constant 12 : i32
        %broadcast_in_dim3A_540 = vector.broadcast %broadcast_in_dim3A_539 : i32 to vector<16x1xi32>
        %gather3A_541 = vector.shape_cast %broadcast_in_dim3A_540 : vector<16x1xi32> to vector<16xi32>
        %gather3A_542 = tpu.dynamic_gather %select_n3A[%gather3A_541] in [0] : vector<16xf32>, vector<16xi32> -> vector<16xf32>
        %mul3A_543 = arith.constant 16 : i32
        %mul3A_544 = arith.muli %scan3A_190, %mul3A_543 : i32
        %add3A_545 = arith.constant 12 : i32
        %add3A_546 = arith.addi %mul3A_544, %add3A_545 : i32
        %get3A_547 = arith.index_cast %add3A_546 : i32 to index
        %get3A_548 = arith.constant 0 : index
        %get3A_549 = tpu.vector_load %arg6[%get3A_547, %get3A_548] {strides = array<i32>} : memref<1600x32xf32, #tpu.memory_space<vmem>>, vector<1x16xf32>,
        %get3A_550 = vector.shape_cast %get3A_549 : vector<1x16xf32> to vector<16xf32>
        %get3A_551 = arith.index_cast %add3A_546 : i32 to index
        %get3A_552 = arith.constant 16 : index
        %get3A_553 = tpu.vector_load %arg6[%get3A_551, %get3A_552] {strides = array<i32>} : memref<1600x32xf32, #tpu.memory_space<vmem>>, vector<1x16xf32>,
        %get3A_554 = vector.shape_cast %get3A_553 : vector<1x16xf32> to vector<16xf32>
        %mul3A_555 = arith.mulf %get3A_550, %gather3A_542 : vector<16xf32>
        %swap3A_556 = arith.index_cast %add3A_546 : i32 to index
        %swap3A_557 = arith.constant 0 : index
        %swap3A_558 = tpu.vector_load %arg6[%swap3A_556, %swap3A_557] {strides = array<i32>} : memref<1600x32xf32, #tpu.memory_space<vmem>>, vector<1x16xf32>,
        %swap3A_559 = vector.shape_cast %swap3A_558 : vector<1x16xf32> to vector<16xf32>
        %swap3A_560 = vector.shape_cast %mul3A_555 : vector<16xf32> to vector<1x16xf32>
        tpu.vector_store %arg6[%swap3A_556, %swap3A_557], %swap3A_560 {strides = array<i32>} : memref<1600x32xf32, #tpu.memory_space<vmem>>, vector<1x16xf32>,
        %mul3A_561 = arith.mulf %get3A_554, %gather3A_542 : vector<16xf32>
        %swap3A_562 = arith.index_cast %add3A_546 : i32 to index
        %swap3A_563 = arith.constant 16 : index
        %swap3A_564 = tpu.vector_load %arg6[%swap3A_562, %swap3A_563] {strides = array<i32>} : memref<1600x32xf32, #tpu.memory_space<vmem>>, vector<1x16xf32>,
        %swap3A_565 = vector.shape_cast %swap3A_564 : vector<1x16xf32> to vector<16xf32>
        %swap3A_566 = vector.shape_cast %mul3A_561 : vector<16xf32> to vector<1x16xf32>
        tpu.vector_store %arg6[%swap3A_562, %swap3A_563], %swap3A_566 {strides = array<i32>} : memref<1600x32xf32, #tpu.memory_space<vmem>>, vector<1x16xf32>,
        %broadcast_in_dim3A_567 = arith.constant 13 : i32
        %broadcast_in_dim3A_568 = vector.broadcast %broadcast_in_dim3A_567 : i32 to vector<16x1xi32>
        %gather3A_569 = vector.shape_cast %broadcast_in_dim3A_568 : vector<16x1xi32> to vector<16xi32>
        %gather3A_570 = tpu.dynamic_gather %select_n3A[%gather3A_569] in [0] : vector<16xf32>, vector<16xi32> -> vector<16xf32>
        %mul3A_571 = arith.constant 16 : i32
        %mul3A_572 = arith.muli %scan3A_190, %mul3A_571 : i32
        %add3A_573 = arith.constant 13 : i32
        %add3A_574 = arith.addi %mul3A_572, %add3A_573 : i32
        %get3A_575 = arith.index_cast %add3A_574 : i32 to index
        %get3A_576 = arith.constant 0 : index
        %get3A_577 = tpu.vector_load %arg6[%get3A_575, %get3A_576] {strides = array<i32>} : memref<1600x32xf32, #tpu.memory_space<vmem>>, vector<1x16xf32>,
        %get3A_578 = vector.shape_cast %get3A_577 : vector<1x16xf32> to vector<16xf32>
        %get3A_579 = arith.index_cast %add3A_574 : i32 to index
        %get3A_580 = arith.constant 16 : index
        %get3A_581 = tpu.vector_load %arg6[%get3A_579, %get3A_580] {strides = array<i32>} : memref<1600x32xf32, #tpu.memory_space<vmem>>, vector<1x16xf32>,
        %get3A_582 = vector.shape_cast %get3A_581 : vector<1x16xf32> to vector<16xf32>
        %mul3A_583 = arith.mulf %get3A_578, %gather3A_570 : vector<16xf32>
        %swap3A_584 = arith.index_cast %add3A_574 : i32 to index
        %swap3A_585 = arith.constant 0 : index
        %swap3A_586 = tpu.vector_load %arg6[%swap3A_584, %swap3A_585] {strides = array<i32>} : memref<1600x32xf32, #tpu.memory_space<vmem>>, vector<1x16xf32>,
        %swap3A_587 = vector.shape_cast %swap3A_586 : vector<1x16xf32> to vector<16xf32>
        %swap3A_588 = vector.shape_cast %mul3A_583 : vector<16xf32> to vector<1x16xf32>
        tpu.vector_store %arg6[%swap3A_584, %swap3A_585], %swap3A_588 {strides = array<i32>} : memref<1600x32xf32, #tpu.memory_space<vmem>>, vector<1x16xf32>,
        %mul3A_589 = arith.mulf %get3A_582, %gather3A_570 : vector<16xf32>
        %swap3A_590 = arith.index_cast %add3A_574 : i32 to index
        %swap3A_591 = arith.constant 16 : index
        %swap3A_592 = tpu.vector_load %arg6[%swap3A_590, %swap3A_591] {strides = array<i32>} : memref<1600x32xf32, #tpu.memory_space<vmem>>, vector<1x16xf32>,
        %swap3A_593 = vector.shape_cast %swap3A_592 : vector<1x16xf32> to vector<16xf32>
        %swap3A_594 = vector.shape_cast %mul3A_589 : vector<16xf32> to vector<1x16xf32>
        tpu.vector_store %arg6[%swap3A_590, %swap3A_591], %swap3A_594 {strides = array<i32>} : memref<1600x32xf32, #tpu.memory_space<vmem>>, vector<1x16xf32>,
        %broadcast_in_dim3A_595 = arith.constant 14 : i32
        %broadcast_in_dim3A_596 = vector.broadcast %broadcast_in_dim3A_595 : i32 to vector<16x1xi32>
        %gather3A_597 = vector.shape_cast %broadcast_in_dim3A_596 : vector<16x1xi32> to vector<16xi32>
        %gather3A_598 = tpu.dynamic_gather %select_n3A[%gather3A_597] in [0] : vector<16xf32>, vector<16xi32> -> vector<16xf32>
        %mul3A_599 = arith.constant 16 : i32
        %mul3A_600 = arith.muli %scan3A_190, %mul3A_599 : i32
        %add3A_601 = arith.constant 14 : i32
        %add3A_602 = arith.addi %mul3A_600, %add3A_601 : i32
        %get3A_603 = arith.index_cast %add3A_602 : i32 to index
        %get3A_604 = arith.constant 0 : index
        %get3A_605 = tpu.vector_load %arg6[%get3A_603, %get3A_604] {strides = array<i32>} : memref<1600x32xf32, #tpu.memory_space<vmem>>, vector<1x16xf32>,
        %get3A_606 = vector.shape_cast %get3A_605 : vector<1x16xf32> to vector<16xf32>
        %get3A_607 = arith.index_cast %add3A_602 : i32 to index
        %get3A_608 = arith.constant 16 : index
        %get3A_609 = tpu.vector_load %arg6[%get3A_607, %get3A_608] {strides = array<i32>} : memref<1600x32xf32, #tpu.memory_space<vmem>>, vector<1x16xf32>,
        %get3A_610 = vector.shape_cast %get3A_609 : vector<1x16xf32> to vector<16xf32>
        %mul3A_611 = arith.mulf %get3A_606, %gather3A_598 : vector<16xf32>
        %swap3A_612 = arith.index_cast %add3A_602 : i32 to index
        %swap3A_613 = arith.constant 0 : index
        %swap3A_614 = tpu.vector_load %arg6[%swap3A_612, %swap3A_613] {strides = array<i32>} : memref<1600x32xf32, #tpu.memory_space<vmem>>, vector<1x16xf32>,
        %swap3A_615 = vector.shape_cast %swap3A_614 : vector<1x16xf32> to vector<16xf32>
        %swap3A_616 = vector.shape_cast %mul3A_611 : vector<16xf32> to vector<1x16xf32>
        tpu.vector_store %arg6[%swap3A_612, %swap3A_613], %swap3A_616 {strides = array<i32>} : memref<1600x32xf32, #tpu.memory_space<vmem>>, vector<1x16xf32>,
        %mul3A_617 = arith.mulf %get3A_610, %gather3A_598 : vector<16xf32>
        %swap3A_618 = arith.index_cast %add3A_602 : i32 to index
        %swap3A_619 = arith.constant 16 : index
        %swap3A_620 = tpu.vector_load %arg6[%swap3A_618, %swap3A_619] {strides = array<i32>} : memref<1600x32xf32, #tpu.memory_space<vmem>>, vector<1x16xf32>,
        %swap3A_621 = vector.shape_cast %swap3A_620 : vector<1x16xf32> to vector<16xf32>
        %swap3A_622 = vector.shape_cast %mul3A_617 : vector<16xf32> to vector<1x16xf32>
        tpu.vector_store %arg6[%swap3A_618, %swap3A_619], %swap3A_622 {strides = array<i32>} : memref<1600x32xf32, #tpu.memory_space<vmem>>, vector<1x16xf32>,
        %broadcast_in_dim3A_623 = arith.constant 15 : i32
        %broadcast_in_dim3A_624 = vector.broadcast %broadcast_in_dim3A_623 : i32 to vector<16x1xi32>
        %gather3A_625 = vector.shape_cast %broadcast_in_dim3A_624 : vector<16x1xi32> to vector<16xi32>
        %gather3A_626 = tpu.dynamic_gather %select_n3A[%gather3A_625] in [0] : vector<16xf32>, vector<16xi32> -> vector<16xf32>
        %mul3A_627 = arith.constant 16 : i32
        %mul3A_628 = arith.muli %scan3A_190, %mul3A_627 : i32
        %add3A_629 = arith.constant 15 : i32
        %add3A_630 = arith.addi %mul3A_628, %add3A_629 : i32
        %get3A_631 = arith.index_cast %add3A_630 : i32 to index
        %get3A_632 = arith.constant 0 : index
        %get3A_633 = tpu.vector_load %arg6[%get3A_631, %get3A_632] {strides = array<i32>} : memref<1600x32xf32, #tpu.memory_space<vmem>>, vector<1x16xf32>,
        %get3A_634 = vector.shape_cast %get3A_633 : vector<1x16xf32> to vector<16xf32>
        %get3A_635 = arith.index_cast %add3A_630 : i32 to index
        %get3A_636 = arith.constant 16 : index
        %get3A_637 = tpu.vector_load %arg6[%get3A_635, %get3A_636] {strides = array<i32>} : memref<1600x32xf32, #tpu.memory_space<vmem>>, vector<1x16xf32>,
        %get3A_638 = vector.shape_cast %get3A_637 : vector<1x16xf32> to vector<16xf32>
        %mul3A_639 = arith.mulf %get3A_634, %gather3A_626 : vector<16xf32>
        %swap3A_640 = arith.index_cast %add3A_630 : i32 to index
        %swap3A_641 = arith.constant 0 : index
        %swap3A_642 = tpu.vector_load %arg6[%swap3A_640, %swap3A_641] {strides = array<i32>} : memref<1600x32xf32, #tpu.memory_space<vmem>>, vector<1x16xf32>,
        %swap3A_643 = vector.shape_cast %swap3A_642 : vector<1x16xf32> to vector<16xf32>
        %swap3A_644 = vector.shape_cast %mul3A_639 : vector<16xf32> to vector<1x16xf32>
        tpu.vector_store %arg6[%swap3A_640, %swap3A_641], %swap3A_644 {strides = array<i32>} : memref<1600x32xf32, #tpu.memory_space<vmem>>, vector<1x16xf32>,
        %mul3A_645 = arith.mulf %get3A_638, %gather3A_626 : vector<16xf32>
        %swap3A_646 = arith.index_cast %add3A_630 : i32 to index
        %swap3A_647 = arith.constant 16 : index
        %swap3A_648 = tpu.vector_load %arg6[%swap3A_646, %swap3A_647] {strides = array<i32>} : memref<1600x32xf32, #tpu.memory_space<vmem>>, vector<1x16xf32>,
        %swap3A_649 = vector.shape_cast %swap3A_648 : vector<1x16xf32> to vector<16xf32>
        %swap3A_650 = vector.shape_cast %mul3A_645 : vector<16xf32> to vector<1x16xf32>
        tpu.vector_store %arg6[%swap3A_646, %swap3A_647], %swap3A_650 {strides = array<i32>} : memref<1600x32xf32, #tpu.memory_space<vmem>>, vector<1x16xf32>,
      }
      %scan3A_189 = arith.constant 100 : i32
    } else {
    }
    %dma_start3A_144 = arith.constant 3200 : i32
    %dma_start3A_145 = arith.constant 0 : i32
    %dma_start3A_146 = tpu.memref_slice %arg4[%add3A, %dma_start3A_144, %dma_start3A_145] : memref<32x6400x32xf32, #tpu.memory_space<hbm>> -> memref<1x1600x32xf32, #tpu.memory_space<hbm>>
    %dma_start3A_147 = tpu.memref_squeeze %dma_start3A_146 : memref<1x1600x32xf32, #tpu.memory_space<hbm>> -> memref<1600x32xf32, #tpu.memory_space<hbm>>
    %dma_start3A_148 = arith.constant 3200 : i32
    %dma_start3A_149 = arith.constant 0 : i32
    %dma_start3A_150 = tpu.memref_slice %arg4[%add3A, %dma_start3A_148, %dma_start3A_149] : memref<32x6400x32xf32, #tpu.memory_space<hbm>> -> memref<1x1600x32xf32, #tpu.memory_space<hbm>>
    %dma_start3A_151 = tpu.memref_squeeze %dma_start3A_150 : memref<1x1600x32xf32, #tpu.memory_space<hbm>> -> memref<1600x32xf32, #tpu.memory_space<hbm>>
    tpu.enqueue_dma source(%arg6 : memref<1600x32xf32, #tpu.memory_space<vmem>>) target(%dma_start3A_151 : memref<1600x32xf32, #tpu.memory_space<hbm>>) target_semaphore(%arg13 : memref<!tpu.dma_semaphore, #tpu.memory_space<semaphore_mem>>)
    %dma_wait3A_152 = arith.constant 4800 : i32
    %dma_wait3A_153 = tpu.memref_slice %arg5[%dma_wait3A_152] : memref<6400xi32, #tpu.memory_space<vmem>> -> memref<1600xi32, #tpu.memory_space<vmem>>
    %dma_wait3A_154 = arith.constant 0 : i32
    %dma_wait3A_155 = arith.constant 0 : i32
    %dma_wait3A_156 = tpu.memref_slice %arg3[%dma_wait3A_154, %dma_wait3A_155] : memref<1000000x32xf32, #tpu.memory_space<hbm>> -> memref<1000000x32xf32, #tpu.memory_space<hbm>>
    tpu.wait_indirect_dma semaphore(%arg12 : memref<!tpu.dma_semaphore, #tpu.memory_space<semaphore_mem>>) src(%dma_wait3A_156 : memref<1000000x32xf32, #tpu.memory_space<hbm>>) dst(%arg7 : memref<1600x32xf32, #tpu.memory_space<vmem>>)
    %convert_element_type3A_157 = arith.extui %eq3A_75 : i1 to i32
    %cond3A_158 = arith.constant 0 : i32
    %cond3A_159 = arith.cmpi ne, %convert_element_type3A_157, %cond3A_158 : i32
    scf.if %cond3A_159 {
      %scan3A_184 = arith.constant 0 : i32
      %scan3A_185 = arith.constant 0 : i32
      %scan3A_186 = arith.constant 100 : i32
      %scan3A_187 = arith.addi %scan3A_185, %scan3A_186 : i32
      %scan3A_188 = arith.constant 1 : i32
      scf.for %scan3A_190 = %scan3A_185 to %scan3A_187 step %scan3A_188  : i32 {
        %mul3A_191 = arith.constant 16 : i32
        %mul3A_192 = arith.muli %scan3A_190, %mul3A_191 : i32
        %add3A_193 = arith.constant 4800 : i32
        %add3A_194 = arith.addi %add3A_193, %mul3A_192 : i32
        %get3A_195 = arith.index_cast %add3A_194 : i32 to index
        %get3A_196 = tpu.vector_load %arg5[%get3A_195] {strides = array<i32>} : memref<6400xi32, #tpu.memory_space<vmem>>, vector<16xi32>,
        %get3A_197 = vector.shape_cast %get3A_196 : vector<16xi32> to vector<16xi32>
        %eq3A_198 = arith.constant 0 : i32
        %eq3A_199 = vector.broadcast %eq3A_198 : i32 to vector<16xi32>
        %eq3A_200 = arith.cmpi eq, %get3A_197, %eq3A_199 : vector<16xi32>
        %jit3A = arith.constant 0.000000e+00 : f32
        %jit3A_201 = arith.constant 1.000000e+00 : f32
        %broadcast_in_dim3A_202 = vector.broadcast %jit3A : f32 to vector<16xf32>
        %broadcast_in_dim3A_203 = vector.broadcast %jit3A_201 : f32 to vector<16xf32>
        %select_n3A = arith.select %eq3A_200, %broadcast_in_dim3A_202, %broadcast_in_dim3A_203 : vector<16xi1>, vector<16xf32>
        %broadcast_in_dim3A_204 = arith.constant 0 : i32
        %broadcast_in_dim3A_205 = vector.broadcast %broadcast_in_dim3A_204 : i32 to vector<16x1xi32>
        %gather3A = vector.shape_cast %broadcast_in_dim3A_205 : vector<16x1xi32> to vector<16xi32>
        %gather3A_206 = tpu.dynamic_gather %select_n3A[%gather3A] in [0] : vector<16xf32>, vector<16xi32> -> vector<16xf32>
        %mul3A_207 = arith.constant 16 : i32
        %mul3A_208 = arith.muli %scan3A_190, %mul3A_207 : i32
        %add3A_209 = arith.constant 0 : i32
        %add3A_210 = arith.addi %mul3A_208, %add3A_209 : i32
        %get3A_211 = arith.index_cast %add3A_210 : i32 to index
        %get3A_212 = arith.constant 0 : index
        %get3A_213 = tpu.vector_load %arg7[%get3A_211, %get3A_212] {strides = array<i32>} : memref<1600x32xf32, #tpu.memory_space<vmem>>, vector<1x16xf32>,
        %get3A_214 = vector.shape_cast %get3A_213 : vector<1x16xf32> to vector<16xf32>
        %get3A_215 = arith.index_cast %add3A_210 : i32 to index
        %get3A_216 = arith.constant 16 : index
        %get3A_217 = tpu.vector_load %arg7[%get3A_215, %get3A_216] {strides = array<i32>} : memref<1600x32xf32, #tpu.memory_space<vmem>>, vector<1x16xf32>,
        %get3A_218 = vector.shape_cast %get3A_217 : vector<1x16xf32> to vector<16xf32>
        %mul3A_219 = arith.mulf %get3A_214, %gather3A_206 : vector<16xf32>
        %swap3A_220 = arith.index_cast %add3A_210 : i32 to index
        %swap3A_221 = arith.constant 0 : index
        %swap3A_222 = tpu.vector_load %arg7[%swap3A_220, %swap3A_221] {strides = array<i32>} : memref<1600x32xf32, #tpu.memory_space<vmem>>, vector<1x16xf32>,
        %swap3A_223 = vector.shape_cast %swap3A_222 : vector<1x16xf32> to vector<16xf32>
        %swap3A_224 = vector.shape_cast %mul3A_219 : vector<16xf32> to vector<1x16xf32>
        tpu.vector_store %arg7[%swap3A_220, %swap3A_221], %swap3A_224 {strides = array<i32>} : memref<1600x32xf32, #tpu.memory_space<vmem>>, vector<1x16xf32>,
        %mul3A_225 = arith.mulf %get3A_218, %gather3A_206 : vector<16xf32>
        %swap3A_226 = arith.index_cast %add3A_210 : i32 to index
        %swap3A_227 = arith.constant 16 : index
        %swap3A_228 = tpu.vector_load %arg7[%swap3A_226, %swap3A_227] {strides = array<i32>} : memref<1600x32xf32, #tpu.memory_space<vmem>>, vector<1x16xf32>,
        %swap3A_229 = vector.shape_cast %swap3A_228 : vector<1x16xf32> to vector<16xf32>
        %swap3A_230 = vector.shape_cast %mul3A_225 : vector<16xf32> to vector<1x16xf32>
        tpu.vector_store %arg7[%swap3A_226, %swap3A_227], %swap3A_230 {strides = array<i32>} : memref<1600x32xf32, #tpu.memory_space<vmem>>, vector<1x16xf32>,
        %broadcast_in_dim3A_231 = arith.constant 1 : i32
        %broadcast_in_dim3A_232 = vector.broadcast %broadcast_in_dim3A_231 : i32 to vector<16x1xi32>
        %gather3A_233 = vector.shape_cast %broadcast_in_dim3A_232 : vector<16x1xi32> to vector<16xi32>
        %gather3A_234 = tpu.dynamic_gather %select_n3A[%gather3A_233] in [0] : vector<16xf32>, vector<16xi32> -> vector<16xf32>
        %mul3A_235 = arith.constant 16 : i32
        %mul3A_236 = arith.muli %scan3A_190, %mul3A_235 : i32
        %add3A_237 = arith.constant 1 : i32
        %add3A_238 = arith.addi %mul3A_236, %add3A_237 : i32
        %get3A_239 = arith.index_cast %add3A_238 : i32 to index
        %get3A_240 = arith.constant 0 : index
        %get3A_241 = tpu.vector_load %arg7[%get3A_239, %get3A_240] {strides = array<i32>} : memref<1600x32xf32, #tpu.memory_space<vmem>>, vector<1x16xf32>,
        %get3A_242 = vector.shape_cast %get3A_241 : vector<1x16xf32> to vector<16xf32>
        %get3A_243 = arith.index_cast %add3A_238 : i32 to index
        %get3A_244 = arith.constant 16 : index
        %get3A_245 = tpu.vector_load %arg7[%get3A_243, %get3A_244] {strides = array<i32>} : memref<1600x32xf32, #tpu.memory_space<vmem>>, vector<1x16xf32>,
        %get3A_246 = vector.shape_cast %get3A_245 : vector<1x16xf32> to vector<16xf32>
        %mul3A_247 = arith.mulf %get3A_242, %gather3A_234 : vector<16xf32>
        %swap3A_248 = arith.index_cast %add3A_238 : i32 to index
        %swap3A_249 = arith.constant 0 : index
        %swap3A_250 = tpu.vector_load %arg7[%swap3A_248, %swap3A_249] {strides = array<i32>} : memref<1600x32xf32, #tpu.memory_space<vmem>>, vector<1x16xf32>,
        %swap3A_251 = vector.shape_cast %swap3A_250 : vector<1x16xf32> to vector<16xf32>
        %swap3A_252 = vector.shape_cast %mul3A_247 : vector<16xf32> to vector<1x16xf32>
        tpu.vector_store %arg7[%swap3A_248, %swap3A_249], %swap3A_252 {strides = array<i32>} : memref<1600x32xf32, #tpu.memory_space<vmem>>, vector<1x16xf32>,
        %mul3A_253 = arith.mulf %get3A_246, %gather3A_234 : vector<16xf32>
        %swap3A_254 = arith.index_cast %add3A_238 : i32 to index
        %swap3A_255 = arith.constant 16 : index
        %swap3A_256 = tpu.vector_load %arg7[%swap3A_254, %swap3A_255] {strides = array<i32>} : memref<1600x32xf32, #tpu.memory_space<vmem>>, vector<1x16xf32>,
        %swap3A_257 = vector.shape_cast %swap3A_256 : vector<1x16xf32> to vector<16xf32>
        %swap3A_258 = vector.shape_cast %mul3A_253 : vector<16xf32> to vector<1x16xf32>
        tpu.vector_store %arg7[%swap3A_254, %swap3A_255], %swap3A_258 {strides = array<i32>} : memref<1600x32xf32, #tpu.memory_space<vmem>>, vector<1x16xf32>,
        %broadcast_in_dim3A_259 = arith.constant 2 : i32
        %broadcast_in_dim3A_260 = vector.broadcast %broadcast_in_dim3A_259 : i32 to vector<16x1xi32>
        %gather3A_261 = vector.shape_cast %broadcast_in_dim3A_260 : vector<16x1xi32> to vector<16xi32>
        %gather3A_262 = tpu.dynamic_gather %select_n3A[%gather3A_261] in [0] : vector<16xf32>, vector<16xi32> -> vector<16xf32>
        %mul3A_263 = arith.constant 16 : i32
        %mul3A_264 = arith.muli %scan3A_190, %mul3A_263 : i32
        %add3A_265 = arith.constant 2 : i32
        %add3A_266 = arith.addi %mul3A_264, %add3A_265 : i32
        %get3A_267 = arith.index_cast %add3A_266 : i32 to index
        %get3A_268 = arith.constant 0 : index
        %get3A_269 = tpu.vector_load %arg7[%get3A_267, %get3A_268] {strides = array<i32>} : memref<1600x32xf32, #tpu.memory_space<vmem>>, vector<1x16xf32>,
        %get3A_270 = vector.shape_cast %get3A_269 : vector<1x16xf32> to vector<16xf32>
        %get3A_271 = arith.index_cast %add3A_266 : i32 to index
        %get3A_272 = arith.constant 16 : index
        %get3A_273 = tpu.vector_load %arg7[%get3A_271, %get3A_272] {strides = array<i32>} : memref<1600x32xf32, #tpu.memory_space<vmem>>, vector<1x16xf32>,
        %get3A_274 = vector.shape_cast %get3A_273 : vector<1x16xf32> to vector<16xf32>
        %mul3A_275 = arith.mulf %get3A_270, %gather3A_262 : vector<16xf32>
        %swap3A_276 = arith.index_cast %add3A_266 : i32 to index
        %swap3A_277 = arith.constant 0 : index
        %swap3A_278 = tpu.vector_load %arg7[%swap3A_276, %swap3A_277] {strides = array<i32>} : memref<1600x32xf32, #tpu.memory_space<vmem>>, vector<1x16xf32>,
        %swap3A_279 = vector.shape_cast %swap3A_278 : vector<1x16xf32> to vector<16xf32>
        %swap3A_280 = vector.shape_cast %mul3A_275 : vector<16xf32> to vector<1x16xf32>
        tpu.vector_store %arg7[%swap3A_276, %swap3A_277], %swap3A_280 {strides = array<i32>} : memref<1600x32xf32, #tpu.memory_space<vmem>>, vector<1x16xf32>,
        %mul3A_281 = arith.mulf %get3A_274, %gather3A_262 : vector<16xf32>
        %swap3A_282 = arith.index_cast %add3A_266 : i32 to index
        %swap3A_283 = arith.constant 16 : index
        %swap3A_284 = tpu.vector_load %arg7[%swap3A_282, %swap3A_283] {strides = array<i32>} : memref<1600x32xf32, #tpu.memory_space<vmem>>, vector<1x16xf32>,
        %swap3A_285 = vector.shape_cast %swap3A_284 : vector<1x16xf32> to vector<16xf32>
        %swap3A_286 = vector.shape_cast %mul3A_281 : vector<16xf32> to vector<1x16xf32>
        tpu.vector_store %arg7[%swap3A_282, %swap3A_283], %swap3A_286 {strides = array<i32>} : memref<1600x32xf32, #tpu.memory_space<vmem>>, vector<1x16xf32>,
        %broadcast_in_dim3A_287 = arith.constant 3 : i32
        %broadcast_in_dim3A_288 = vector.broadcast %broadcast_in_dim3A_287 : i32 to vector<16x1xi32>
        %gather3A_289 = vector.shape_cast %broadcast_in_dim3A_288 : vector<16x1xi32> to vector<16xi32>
        %gather3A_290 = tpu.dynamic_gather %select_n3A[%gather3A_289] in [0] : vector<16xf32>, vector<16xi32> -> vector<16xf32>
        %mul3A_291 = arith.constant 16 : i32
        %mul3A_292 = arith.muli %scan3A_190, %mul3A_291 : i32
        %add3A_293 = arith.constant 3 : i32
        %add3A_294 = arith.addi %mul3A_292, %add3A_293 : i32
        %get3A_295 = arith.index_cast %add3A_294 : i32 to index
        %get3A_296 = arith.constant 0 : index
        %get3A_297 = tpu.vector_load %arg7[%get3A_295, %get3A_296] {strides = array<i32>} : memref<1600x32xf32, #tpu.memory_space<vmem>>, vector<1x16xf32>,
        %get3A_298 = vector.shape_cast %get3A_297 : vector<1x16xf32> to vector<16xf32>
        %get3A_299 = arith.index_cast %add3A_294 : i32 to index
        %get3A_300 = arith.constant 16 : index
        %get3A_301 = tpu.vector_load %arg7[%get3A_299, %get3A_300] {strides = array<i32>} : memref<1600x32xf32, #tpu.memory_space<vmem>>, vector<1x16xf32>,
        %get3A_302 = vector.shape_cast %get3A_301 : vector<1x16xf32> to vector<16xf32>
        %mul3A_303 = arith.mulf %get3A_298, %gather3A_290 : vector<16xf32>
        %swap3A_304 = arith.index_cast %add3A_294 : i32 to index
        %swap3A_305 = arith.constant 0 : index
        %swap3A_306 = tpu.vector_load %arg7[%swap3A_304, %swap3A_305] {strides = array<i32>} : memref<1600x32xf32, #tpu.memory_space<vmem>>, vector<1x16xf32>,
        %swap3A_307 = vector.shape_cast %swap3A_306 : vector<1x16xf32> to vector<16xf32>
        %swap3A_308 = vector.shape_cast %mul3A_303 : vector<16xf32> to vector<1x16xf32>
        tpu.vector_store %arg7[%swap3A_304, %swap3A_305], %swap3A_308 {strides = array<i32>} : memref<1600x32xf32, #tpu.memory_space<vmem>>, vector<1x16xf32>,
        %mul3A_309 = arith.mulf %get3A_302, %gather3A_290 : vector<16xf32>
        %swap3A_310 = arith.index_cast %add3A_294 : i32 to index
        %swap3A_311 = arith.constant 16 : index
        %swap3A_312 = tpu.vector_load %arg7[%swap3A_310, %swap3A_311] {strides = array<i32>} : memref<1600x32xf32, #tpu.memory_space<vmem>>, vector<1x16xf32>,
        %swap3A_313 = vector.shape_cast %swap3A_312 : vector<1x16xf32> to vector<16xf32>
        %swap3A_314 = vector.shape_cast %mul3A_309 : vector<16xf32> to vector<1x16xf32>
        tpu.vector_store %arg7[%swap3A_310, %swap3A_311], %swap3A_314 {strides = array<i32>} : memref<1600x32xf32, #tpu.memory_space<vmem>>, vector<1x16xf32>,
        %broadcast_in_dim3A_315 = arith.constant 4 : i32
        %broadcast_in_dim3A_316 = vector.broadcast %broadcast_in_dim3A_315 : i32 to vector<16x1xi32>
        %gather3A_317 = vector.shape_cast %broadcast_in_dim3A_316 : vector<16x1xi32> to vector<16xi32>
        %gather3A_318 = tpu.dynamic_gather %select_n3A[%gather3A_317] in [0] : vector<16xf32>, vector<16xi32> -> vector<16xf32>
        %mul3A_319 = arith.constant 16 : i32
        %mul3A_320 = arith.muli %scan3A_190, %mul3A_319 : i32
        %add3A_321 = arith.constant 4 : i32
        %add3A_322 = arith.addi %mul3A_320, %add3A_321 : i32
        %get3A_323 = arith.index_cast %add3A_322 : i32 to index
        %get3A_324 = arith.constant 0 : index
        %get3A_325 = tpu.vector_load %arg7[%get3A_323, %get3A_324] {strides = array<i32>} : memref<1600x32xf32, #tpu.memory_space<vmem>>, vector<1x16xf32>,
        %get3A_326 = vector.shape_cast %get3A_325 : vector<1x16xf32> to vector<16xf32>
        %get3A_327 = arith.index_cast %add3A_322 : i32 to index
        %get3A_328 = arith.constant 16 : index
        %get3A_329 = tpu.vector_load %arg7[%get3A_327, %get3A_328] {strides = array<i32>} : memref<1600x32xf32, #tpu.memory_space<vmem>>, vector<1x16xf32>,
        %get3A_330 = vector.shape_cast %get3A_329 : vector<1x16xf32> to vector<16xf32>
        %mul3A_331 = arith.mulf %get3A_326, %gather3A_318 : vector<16xf32>
        %swap3A_332 = arith.index_cast %add3A_322 : i32 to index
        %swap3A_333 = arith.constant 0 : index
        %swap3A_334 = tpu.vector_load %arg7[%swap3A_332, %swap3A_333] {strides = array<i32>} : memref<1600x32xf32, #tpu.memory_space<vmem>>, vector<1x16xf32>,
        %swap3A_335 = vector.shape_cast %swap3A_334 : vector<1x16xf32> to vector<16xf32>
        %swap3A_336 = vector.shape_cast %mul3A_331 : vector<16xf32> to vector<1x16xf32>
        tpu.vector_store %arg7[%swap3A_332, %swap3A_333], %swap3A_336 {strides = array<i32>} : memref<1600x32xf32, #tpu.memory_space<vmem>>, vector<1x16xf32>,
        %mul3A_337 = arith.mulf %get3A_330, %gather3A_318 : vector<16xf32>
        %swap3A_338 = arith.index_cast %add3A_322 : i32 to index
        %swap3A_339 = arith.constant 16 : index
        %swap3A_340 = tpu.vector_load %arg7[%swap3A_338, %swap3A_339] {strides = array<i32>} : memref<1600x32xf32, #tpu.memory_space<vmem>>, vector<1x16xf32>,
        %swap3A_341 = vector.shape_cast %swap3A_340 : vector<1x16xf32> to vector<16xf32>
        %swap3A_342 = vector.shape_cast %mul3A_337 : vector<16xf32> to vector<1x16xf32>
        tpu.vector_store %arg7[%swap3A_338, %swap3A_339], %swap3A_342 {strides = array<i32>} : memref<1600x32xf32, #tpu.memory_space<vmem>>, vector<1x16xf32>,
        %broadcast_in_dim3A_343 = arith.constant 5 : i32
        %broadcast_in_dim3A_344 = vector.broadcast %broadcast_in_dim3A_343 : i32 to vector<16x1xi32>
        %gather3A_345 = vector.shape_cast %broadcast_in_dim3A_344 : vector<16x1xi32> to vector<16xi32>
        %gather3A_346 = tpu.dynamic_gather %select_n3A[%gather3A_345] in [0] : vector<16xf32>, vector<16xi32> -> vector<16xf32>
        %mul3A_347 = arith.constant 16 : i32
        %mul3A_348 = arith.muli %scan3A_190, %mul3A_347 : i32
        %add3A_349 = arith.constant 5 : i32
        %add3A_350 = arith.addi %mul3A_348, %add3A_349 : i32
        %get3A_351 = arith.index_cast %add3A_350 : i32 to index
        %get3A_352 = arith.constant 0 : index
        %get3A_353 = tpu.vector_load %arg7[%get3A_351, %get3A_352] {strides = array<i32>} : memref<1600x32xf32, #tpu.memory_space<vmem>>, vector<1x16xf32>,
        %get3A_354 = vector.shape_cast %get3A_353 : vector<1x16xf32> to vector<16xf32>
        %get3A_355 = arith.index_cast %add3A_350 : i32 to index
        %get3A_356 = arith.constant 16 : index
        %get3A_357 = tpu.vector_load %arg7[%get3A_355, %get3A_356] {strides = array<i32>} : memref<1600x32xf32, #tpu.memory_space<vmem>>, vector<1x16xf32>,
        %get3A_358 = vector.shape_cast %get3A_357 : vector<1x16xf32> to vector<16xf32>
        %mul3A_359 = arith.mulf %get3A_354, %gather3A_346 : vector<16xf32>
        %swap3A_360 = arith.index_cast %add3A_350 : i32 to index
        %swap3A_361 = arith.constant 0 : index
        %swap3A_362 = tpu.vector_load %arg7[%swap3A_360, %swap3A_361] {strides = array<i32>} : memref<1600x32xf32, #tpu.memory_space<vmem>>, vector<1x16xf32>,
        %swap3A_363 = vector.shape_cast %swap3A_362 : vector<1x16xf32> to vector<16xf32>
        %swap3A_364 = vector.shape_cast %mul3A_359 : vector<16xf32> to vector<1x16xf32>
        tpu.vector_store %arg7[%swap3A_360, %swap3A_361], %swap3A_364 {strides = array<i32>} : memref<1600x32xf32, #tpu.memory_space<vmem>>, vector<1x16xf32>,
        %mul3A_365 = arith.mulf %get3A_358, %gather3A_346 : vector<16xf32>
        %swap3A_366 = arith.index_cast %add3A_350 : i32 to index
        %swap3A_367 = arith.constant 16 : index
        %swap3A_368 = tpu.vector_load %arg7[%swap3A_366, %swap3A_367] {strides = array<i32>} : memref<1600x32xf32, #tpu.memory_space<vmem>>, vector<1x16xf32>,
        %swap3A_369 = vector.shape_cast %swap3A_368 : vector<1x16xf32> to vector<16xf32>
        %swap3A_370 = vector.shape_cast %mul3A_365 : vector<16xf32> to vector<1x16xf32>
        tpu.vector_store %arg7[%swap3A_366, %swap3A_367], %swap3A_370 {strides = array<i32>} : memref<1600x32xf32, #tpu.memory_space<vmem>>, vector<1x16xf32>,
        %broadcast_in_dim3A_371 = arith.constant 6 : i32
        %broadcast_in_dim3A_372 = vector.broadcast %broadcast_in_dim3A_371 : i32 to vector<16x1xi32>
        %gather3A_373 = vector.shape_cast %broadcast_in_dim3A_372 : vector<16x1xi32> to vector<16xi32>
        %gather3A_374 = tpu.dynamic_gather %select_n3A[%gather3A_373] in [0] : vector<16xf32>, vector<16xi32> -> vector<16xf32>
        %mul3A_375 = arith.constant 16 : i32
        %mul3A_376 = arith.muli %scan3A_190, %mul3A_375 : i32
        %add3A_377 = arith.constant 6 : i32
        %add3A_378 = arith.addi %mul3A_376, %add3A_377 : i32
        %get3A_379 = arith.index_cast %add3A_378 : i32 to index
        %get3A_380 = arith.constant 0 : index
        %get3A_381 = tpu.vector_load %arg7[%get3A_379, %get3A_380] {strides = array<i32>} : memref<1600x32xf32, #tpu.memory_space<vmem>>, vector<1x16xf32>,
        %get3A_382 = vector.shape_cast %get3A_381 : vector<1x16xf32> to vector<16xf32>
        %get3A_383 = arith.index_cast %add3A_378 : i32 to index
        %get3A_384 = arith.constant 16 : index
        %get3A_385 = tpu.vector_load %arg7[%get3A_383, %get3A_384] {strides = array<i32>} : memref<1600x32xf32, #tpu.memory_space<vmem>>, vector<1x16xf32>,
        %get3A_386 = vector.shape_cast %get3A_385 : vector<1x16xf32> to vector<16xf32>
        %mul3A_387 = arith.mulf %get3A_382, %gather3A_374 : vector<16xf32>
        %swap3A_388 = arith.index_cast %add3A_378 : i32 to index
        %swap3A_389 = arith.constant 0 : index
        %swap3A_390 = tpu.vector_load %arg7[%swap3A_388, %swap3A_389] {strides = array<i32>} : memref<1600x32xf32, #tpu.memory_space<vmem>>, vector<1x16xf32>,
        %swap3A_391 = vector.shape_cast %swap3A_390 : vector<1x16xf32> to vector<16xf32>
        %swap3A_392 = vector.shape_cast %mul3A_387 : vector<16xf32> to vector<1x16xf32>
        tpu.vector_store %arg7[%swap3A_388, %swap3A_389], %swap3A_392 {strides = array<i32>} : memref<1600x32xf32, #tpu.memory_space<vmem>>, vector<1x16xf32>,
        %mul3A_393 = arith.mulf %get3A_386, %gather3A_374 : vector<16xf32>
        %swap3A_394 = arith.index_cast %add3A_378 : i32 to index
        %swap3A_395 = arith.constant 16 : index
        %swap3A_396 = tpu.vector_load %arg7[%swap3A_394, %swap3A_395] {strides = array<i32>} : memref<1600x32xf32, #tpu.memory_space<vmem>>, vector<1x16xf32>,
        %swap3A_397 = vector.shape_cast %swap3A_396 : vector<1x16xf32> to vector<16xf32>
        %swap3A_398 = vector.shape_cast %mul3A_393 : vector<16xf32> to vector<1x16xf32>
        tpu.vector_store %arg7[%swap3A_394, %swap3A_395], %swap3A_398 {strides = array<i32>} : memref<1600x32xf32, #tpu.memory_space<vmem>>, vector<1x16xf32>,
        %broadcast_in_dim3A_399 = arith.constant 7 : i32
        %broadcast_in_dim3A_400 = vector.broadcast %broadcast_in_dim3A_399 : i32 to vector<16x1xi32>
        %gather3A_401 = vector.shape_cast %broadcast_in_dim3A_400 : vector<16x1xi32> to vector<16xi32>
        %gather3A_402 = tpu.dynamic_gather %select_n3A[%gather3A_401] in [0] : vector<16xf32>, vector<16xi32> -> vector<16xf32>
        %mul3A_403 = arith.constant 16 : i32
        %mul3A_404 = arith.muli %scan3A_190, %mul3A_403 : i32
        %add3A_405 = arith.constant 7 : i32
        %add3A_406 = arith.addi %mul3A_404, %add3A_405 : i32
        %get3A_407 = arith.index_cast %add3A_406 : i32 to index
        %get3A_408 = arith.constant 0 : index
        %get3A_409 = tpu.vector_load %arg7[%get3A_407, %get3A_408] {strides = array<i32>} : memref<1600x32xf32, #tpu.memory_space<vmem>>, vector<1x16xf32>,
        %get3A_410 = vector.shape_cast %get3A_409 : vector<1x16xf32> to vector<16xf32>
        %get3A_411 = arith.index_cast %add3A_406 : i32 to index
        %get3A_412 = arith.constant 16 : index
        %get3A_413 = tpu.vector_load %arg7[%get3A_411, %get3A_412] {strides = array<i32>} : memref<1600x32xf32, #tpu.memory_space<vmem>>, vector<1x16xf32>,
        %get3A_414 = vector.shape_cast %get3A_413 : vector<1x16xf32> to vector<16xf32>
        %mul3A_415 = arith.mulf %get3A_410, %gather3A_402 : vector<16xf32>
        %swap3A_416 = arith.index_cast %add3A_406 : i32 to index
        %swap3A_417 = arith.constant 0 : index
        %swap3A_418 = tpu.vector_load %arg7[%swap3A_416, %swap3A_417] {strides = array<i32>} : memref<1600x32xf32, #tpu.memory_space<vmem>>, vector<1x16xf32>,
        %swap3A_419 = vector.shape_cast %swap3A_418 : vector<1x16xf32> to vector<16xf32>
        %swap3A_420 = vector.shape_cast %mul3A_415 : vector<16xf32> to vector<1x16xf32>
        tpu.vector_store %arg7[%swap3A_416, %swap3A_417], %swap3A_420 {strides = array<i32>} : memref<1600x32xf32, #tpu.memory_space<vmem>>, vector<1x16xf32>,
        %mul3A_421 = arith.mulf %get3A_414, %gather3A_402 : vector<16xf32>
        %swap3A_422 = arith.index_cast %add3A_406 : i32 to index
        %swap3A_423 = arith.constant 16 : index
        %swap3A_424 = tpu.vector_load %arg7[%swap3A_422, %swap3A_423] {strides = array<i32>} : memref<1600x32xf32, #tpu.memory_space<vmem>>, vector<1x16xf32>,
        %swap3A_425 = vector.shape_cast %swap3A_424 : vector<1x16xf32> to vector<16xf32>
        %swap3A_426 = vector.shape_cast %mul3A_421 : vector<16xf32> to vector<1x16xf32>
        tpu.vector_store %arg7[%swap3A_422, %swap3A_423], %swap3A_426 {strides = array<i32>} : memref<1600x32xf32, #tpu.memory_space<vmem>>, vector<1x16xf32>,
        %broadcast_in_dim3A_427 = arith.constant 8 : i32
        %broadcast_in_dim3A_428 = vector.broadcast %broadcast_in_dim3A_427 : i32 to vector<16x1xi32>
        %gather3A_429 = vector.shape_cast %broadcast_in_dim3A_428 : vector<16x1xi32> to vector<16xi32>
        %gather3A_430 = tpu.dynamic_gather %select_n3A[%gather3A_429] in [0] : vector<16xf32>, vector<16xi32> -> vector<16xf32>
        %mul3A_431 = arith.constant 16 : i32
        %mul3A_432 = arith.muli %scan3A_190, %mul3A_431 : i32
        %add3A_433 = arith.constant 8 : i32
        %add3A_434 = arith.addi %mul3A_432, %add3A_433 : i32
        %get3A_435 = arith.index_cast %add3A_434 : i32 to index
        %get3A_436 = arith.constant 0 : index
        %get3A_437 = tpu.vector_load %arg7[%get3A_435, %get3A_436] {strides = array<i32>} : memref<1600x32xf32, #tpu.memory_space<vmem>>, vector<1x16xf32>,
        %get3A_438 = vector.shape_cast %get3A_437 : vector<1x16xf32> to vector<16xf32>
        %get3A_439 = arith.index_cast %add3A_434 : i32 to index
        %get3A_440 = arith.constant 16 : index
        %get3A_441 = tpu.vector_load %arg7[%get3A_439, %get3A_440] {strides = array<i32>} : memref<1600x32xf32, #tpu.memory_space<vmem>>, vector<1x16xf32>,
        %get3A_442 = vector.shape_cast %get3A_441 : vector<1x16xf32> to vector<16xf32>
        %mul3A_443 = arith.mulf %get3A_438, %gather3A_430 : vector<16xf32>
        %swap3A_444 = arith.index_cast %add3A_434 : i32 to index
        %swap3A_445 = arith.constant 0 : index
        %swap3A_446 = tpu.vector_load %arg7[%swap3A_444, %swap3A_445] {strides = array<i32>} : memref<1600x32xf32, #tpu.memory_space<vmem>>, vector<1x16xf32>,
        %swap3A_447 = vector.shape_cast %swap3A_446 : vector<1x16xf32> to vector<16xf32>
        %swap3A_448 = vector.shape_cast %mul3A_443 : vector<16xf32> to vector<1x16xf32>
        tpu.vector_store %arg7[%swap3A_444, %swap3A_445], %swap3A_448 {strides = array<i32>} : memref<1600x32xf32, #tpu.memory_space<vmem>>, vector<1x16xf32>,
        %mul3A_449 = arith.mulf %get3A_442, %gather3A_430 : vector<16xf32>
        %swap3A_450 = arith.index_cast %add3A_434 : i32 to index
        %swap3A_451 = arith.constant 16 : index
        %swap3A_452 = tpu.vector_load %arg7[%swap3A_450, %swap3A_451] {strides = array<i32>} : memref<1600x32xf32, #tpu.memory_space<vmem>>, vector<1x16xf32>,
        %swap3A_453 = vector.shape_cast %swap3A_452 : vector<1x16xf32> to vector<16xf32>
        %swap3A_454 = vector.shape_cast %mul3A_449 : vector<16xf32> to vector<1x16xf32>
        tpu.vector_store %arg7[%swap3A_450, %swap3A_451], %swap3A_454 {strides = array<i32>} : memref<1600x32xf32, #tpu.memory_space<vmem>>, vector<1x16xf32>,
        %broadcast_in_dim3A_455 = arith.constant 9 : i32
        %broadcast_in_dim3A_456 = vector.broadcast %broadcast_in_dim3A_455 : i32 to vector<16x1xi32>
        %gather3A_457 = vector.shape_cast %broadcast_in_dim3A_456 : vector<16x1xi32> to vector<16xi32>
        %gather3A_458 = tpu.dynamic_gather %select_n3A[%gather3A_457] in [0] : vector<16xf32>, vector<16xi32> -> vector<16xf32>
        %mul3A_459 = arith.constant 16 : i32
        %mul3A_460 = arith.muli %scan3A_190, %mul3A_459 : i32
        %add3A_461 = arith.constant 9 : i32
        %add3A_462 = arith.addi %mul3A_460, %add3A_461 : i32
        %get3A_463 = arith.index_cast %add3A_462 : i32 to index
        %get3A_464 = arith.constant 0 : index
        %get3A_465 = tpu.vector_load %arg7[%get3A_463, %get3A_464] {strides = array<i32>} : memref<1600x32xf32, #tpu.memory_space<vmem>>, vector<1x16xf32>,
        %get3A_466 = vector.shape_cast %get3A_465 : vector<1x16xf32> to vector<16xf32>
        %get3A_467 = arith.index_cast %add3A_462 : i32 to index
        %get3A_468 = arith.constant 16 : index
        %get3A_469 = tpu.vector_load %arg7[%get3A_467, %get3A_468] {strides = array<i32>} : memref<1600x32xf32, #tpu.memory_space<vmem>>, vector<1x16xf32>,
        %get3A_470 = vector.shape_cast %get3A_469 : vector<1x16xf32> to vector<16xf32>
        %mul3A_471 = arith.mulf %get3A_466, %gather3A_458 : vector<16xf32>
        %swap3A_472 = arith.index_cast %add3A_462 : i32 to index
        %swap3A_473 = arith.constant 0 : index
        %swap3A_474 = tpu.vector_load %arg7[%swap3A_472, %swap3A_473] {strides = array<i32>} : memref<1600x32xf32, #tpu.memory_space<vmem>>, vector<1x16xf32>,
        %swap3A_475 = vector.shape_cast %swap3A_474 : vector<1x16xf32> to vector<16xf32>
        %swap3A_476 = vector.shape_cast %mul3A_471 : vector<16xf32> to vector<1x16xf32>
        tpu.vector_store %arg7[%swap3A_472, %swap3A_473], %swap3A_476 {strides = array<i32>} : memref<1600x32xf32, #tpu.memory_space<vmem>>, vector<1x16xf32>,
        %mul3A_477 = arith.mulf %get3A_470, %gather3A_458 : vector<16xf32>
        %swap3A_478 = arith.index_cast %add3A_462 : i32 to index
        %swap3A_479 = arith.constant 16 : index
        %swap3A_480 = tpu.vector_load %arg7[%swap3A_478, %swap3A_479] {strides = array<i32>} : memref<1600x32xf32, #tpu.memory_space<vmem>>, vector<1x16xf32>,
        %swap3A_481 = vector.shape_cast %swap3A_480 : vector<1x16xf32> to vector<16xf32>
        %swap3A_482 = vector.shape_cast %mul3A_477 : vector<16xf32> to vector<1x16xf32>
        tpu.vector_store %arg7[%swap3A_478, %swap3A_479], %swap3A_482 {strides = array<i32>} : memref<1600x32xf32, #tpu.memory_space<vmem>>, vector<1x16xf32>,
        %broadcast_in_dim3A_483 = arith.constant 10 : i32
        %broadcast_in_dim3A_484 = vector.broadcast %broadcast_in_dim3A_483 : i32 to vector<16x1xi32>
        %gather3A_485 = vector.shape_cast %broadcast_in_dim3A_484 : vector<16x1xi32> to vector<16xi32>
        %gather3A_486 = tpu.dynamic_gather %select_n3A[%gather3A_485] in [0] : vector<16xf32>, vector<16xi32> -> vector<16xf32>
        %mul3A_487 = arith.constant 16 : i32
        %mul3A_488 = arith.muli %scan3A_190, %mul3A_487 : i32
        %add3A_489 = arith.constant 10 : i32
        %add3A_490 = arith.addi %mul3A_488, %add3A_489 : i32
        %get3A_491 = arith.index_cast %add3A_490 : i32 to index
        %get3A_492 = arith.constant 0 : index
        %get3A_493 = tpu.vector_load %arg7[%get3A_491, %get3A_492] {strides = array<i32>} : memref<1600x32xf32, #tpu.memory_space<vmem>>, vector<1x16xf32>,
        %get3A_494 = vector.shape_cast %get3A_493 : vector<1x16xf32> to vector<16xf32>
        %get3A_495 = arith.index_cast %add3A_490 : i32 to index
        %get3A_496 = arith.constant 16 : index
        %get3A_497 = tpu.vector_load %arg7[%get3A_495, %get3A_496] {strides = array<i32>} : memref<1600x32xf32, #tpu.memory_space<vmem>>, vector<1x16xf32>,
        %get3A_498 = vector.shape_cast %get3A_497 : vector<1x16xf32> to vector<16xf32>
        %mul3A_499 = arith.mulf %get3A_494, %gather3A_486 : vector<16xf32>
        %swap3A_500 = arith.index_cast %add3A_490 : i32 to index
        %swap3A_501 = arith.constant 0 : index
        %swap3A_502 = tpu.vector_load %arg7[%swap3A_500, %swap3A_501] {strides = array<i32>} : memref<1600x32xf32, #tpu.memory_space<vmem>>, vector<1x16xf32>,
        %swap3A_503 = vector.shape_cast %swap3A_502 : vector<1x16xf32> to vector<16xf32>
        %swap3A_504 = vector.shape_cast %mul3A_499 : vector<16xf32> to vector<1x16xf32>
        tpu.vector_store %arg7[%swap3A_500, %swap3A_501], %swap3A_504 {strides = array<i32>} : memref<1600x32xf32, #tpu.memory_space<vmem>>, vector<1x16xf32>,
        %mul3A_505 = arith.mulf %get3A_498, %gather3A_486 : vector<16xf32>
        %swap3A_506 = arith.index_cast %add3A_490 : i32 to index
        %swap3A_507 = arith.constant 16 : index
        %swap3A_508 = tpu.vector_load %arg7[%swap3A_506, %swap3A_507] {strides = array<i32>} : memref<1600x32xf32, #tpu.memory_space<vmem>>, vector<1x16xf32>,
        %swap3A_509 = vector.shape_cast %swap3A_508 : vector<1x16xf32> to vector<16xf32>
        %swap3A_510 = vector.shape_cast %mul3A_505 : vector<16xf32> to vector<1x16xf32>
        tpu.vector_store %arg7[%swap3A_506, %swap3A_507], %swap3A_510 {strides = array<i32>} : memref<1600x32xf32, #tpu.memory_space<vmem>>, vector<1x16xf32>,
        %broadcast_in_dim3A_511 = arith.constant 11 : i32
        %broadcast_in_dim3A_512 = vector.broadcast %broadcast_in_dim3A_511 : i32 to vector<16x1xi32>
        %gather3A_513 = vector.shape_cast %broadcast_in_dim3A_512 : vector<16x1xi32> to vector<16xi32>
        %gather3A_514 = tpu.dynamic_gather %select_n3A[%gather3A_513] in [0] : vector<16xf32>, vector<16xi32> -> vector<16xf32>
        %mul3A_515 = arith.constant 16 : i32
        %mul3A_516 = arith.muli %scan3A_190, %mul3A_515 : i32
        %add3A_517 = arith.constant 11 : i32
        %add3A_518 = arith.addi %mul3A_516, %add3A_517 : i32
        %get3A_519 = arith.index_cast %add3A_518 : i32 to index
        %get3A_520 = arith.constant 0 : index
        %get3A_521 = tpu.vector_load %arg7[%get3A_519, %get3A_520] {strides = array<i32>} : memref<1600x32xf32, #tpu.memory_space<vmem>>, vector<1x16xf32>,
        %get3A_522 = vector.shape_cast %get3A_521 : vector<1x16xf32> to vector<16xf32>
        %get3A_523 = arith.index_cast %add3A_518 : i32 to index
        %get3A_524 = arith.constant 16 : index
        %get3A_525 = tpu.vector_load %arg7[%get3A_523, %get3A_524] {strides = array<i32>} : memref<1600x32xf32, #tpu.memory_space<vmem>>, vector<1x16xf32>,
        %get3A_526 = vector.shape_cast %get3A_525 : vector<1x16xf32> to vector<16xf32>
        %mul3A_527 = arith.mulf %get3A_522, %gather3A_514 : vector<16xf32>
        %swap3A_528 = arith.index_cast %add3A_518 : i32 to index
        %swap3A_529 = arith.constant 0 : index
        %swap3A_530 = tpu.vector_load %arg7[%swap3A_528, %swap3A_529] {strides = array<i32>} : memref<1600x32xf32, #tpu.memory_space<vmem>>, vector<1x16xf32>,
        %swap3A_531 = vector.shape_cast %swap3A_530 : vector<1x16xf32> to vector<16xf32>
        %swap3A_532 = vector.shape_cast %mul3A_527 : vector<16xf32> to vector<1x16xf32>
        tpu.vector_store %arg7[%swap3A_528, %swap3A_529], %swap3A_532 {strides = array<i32>} : memref<1600x32xf32, #tpu.memory_space<vmem>>, vector<1x16xf32>,
        %mul3A_533 = arith.mulf %get3A_526, %gather3A_514 : vector<16xf32>
        %swap3A_534 = arith.index_cast %add3A_518 : i32 to index
        %swap3A_535 = arith.constant 16 : index
        %swap3A_536 = tpu.vector_load %arg7[%swap3A_534, %swap3A_535] {strides = array<i32>} : memref<1600x32xf32, #tpu.memory_space<vmem>>, vector<1x16xf32>,
        %swap3A_537 = vector.shape_cast %swap3A_536 : vector<1x16xf32> to vector<16xf32>
        %swap3A_538 = vector.shape_cast %mul3A_533 : vector<16xf32> to vector<1x16xf32>
        tpu.vector_store %arg7[%swap3A_534, %swap3A_535], %swap3A_538 {strides = array<i32>} : memref<1600x32xf32, #tpu.memory_space<vmem>>, vector<1x16xf32>,
        %broadcast_in_dim3A_539 = arith.constant 12 : i32
        %broadcast_in_dim3A_540 = vector.broadcast %broadcast_in_dim3A_539 : i32 to vector<16x1xi32>
        %gather3A_541 = vector.shape_cast %broadcast_in_dim3A_540 : vector<16x1xi32> to vector<16xi32>
        %gather3A_542 = tpu.dynamic_gather %select_n3A[%gather3A_541] in [0] : vector<16xf32>, vector<16xi32> -> vector<16xf32>
        %mul3A_543 = arith.constant 16 : i32
        %mul3A_544 = arith.muli %scan3A_190, %mul3A_543 : i32
        %add3A_545 = arith.constant 12 : i32
        %add3A_546 = arith.addi %mul3A_544, %add3A_545 : i32
        %get3A_547 = arith.index_cast %add3A_546 : i32 to index
        %get3A_548 = arith.constant 0 : index
        %get3A_549 = tpu.vector_load %arg7[%get3A_547, %get3A_548] {strides = array<i32>} : memref<1600x32xf32, #tpu.memory_space<vmem>>, vector<1x16xf32>,
        %get3A_550 = vector.shape_cast %get3A_549 : vector<1x16xf32> to vector<16xf32>
        %get3A_551 = arith.index_cast %add3A_546 : i32 to index
        %get3A_552 = arith.constant 16 : index
        %get3A_553 = tpu.vector_load %arg7[%get3A_551, %get3A_552] {strides = array<i32>} : memref<1600x32xf32, #tpu.memory_space<vmem>>, vector<1x16xf32>,
        %get3A_554 = vector.shape_cast %get3A_553 : vector<1x16xf32> to vector<16xf32>
        %mul3A_555 = arith.mulf %get3A_550, %gather3A_542 : vector<16xf32>
        %swap3A_556 = arith.index_cast %add3A_546 : i32 to index
        %swap3A_557 = arith.constant 0 : index
        %swap3A_558 = tpu.vector_load %arg7[%swap3A_556, %swap3A_557] {strides = array<i32>} : memref<1600x32xf32, #tpu.memory_space<vmem>>, vector<1x16xf32>,
        %swap3A_559 = vector.shape_cast %swap3A_558 : vector<1x16xf32> to vector<16xf32>
        %swap3A_560 = vector.shape_cast %mul3A_555 : vector<16xf32> to vector<1x16xf32>
        tpu.vector_store %arg7[%swap3A_556, %swap3A_557], %swap3A_560 {strides = array<i32>} : memref<1600x32xf32, #tpu.memory_space<vmem>>, vector<1x16xf32>,
        %mul3A_561 = arith.mulf %get3A_554, %gather3A_542 : vector<16xf32>
        %swap3A_562 = arith.index_cast %add3A_546 : i32 to index
        %swap3A_563 = arith.constant 16 : index
        %swap3A_564 = tpu.vector_load %arg7[%swap3A_562, %swap3A_563] {strides = array<i32>} : memref<1600x32xf32, #tpu.memory_space<vmem>>, vector<1x16xf32>,
        %swap3A_565 = vector.shape_cast %swap3A_564 : vector<1x16xf32> to vector<16xf32>
        %swap3A_566 = vector.shape_cast %mul3A_561 : vector<16xf32> to vector<1x16xf32>
        tpu.vector_store %arg7[%swap3A_562, %swap3A_563], %swap3A_566 {strides = array<i32>} : memref<1600x32xf32, #tpu.memory_space<vmem>>, vector<1x16xf32>,
        %broadcast_in_dim3A_567 = arith.constant 13 : i32
        %broadcast_in_dim3A_568 = vector.broadcast %broadcast_in_dim3A_567 : i32 to vector<16x1xi32>
        %gather3A_569 = vector.shape_cast %broadcast_in_dim3A_568 : vector<16x1xi32> to vector<16xi32>
        %gather3A_570 = tpu.dynamic_gather %select_n3A[%gather3A_569] in [0] : vector<16xf32>, vector<16xi32> -> vector<16xf32>
        %mul3A_571 = arith.constant 16 : i32
        %mul3A_572 = arith.muli %scan3A_190, %mul3A_571 : i32
        %add3A_573 = arith.constant 13 : i32
        %add3A_574 = arith.addi %mul3A_572, %add3A_573 : i32
        %get3A_575 = arith.index_cast %add3A_574 : i32 to index
        %get3A_576 = arith.constant 0 : index
        %get3A_577 = tpu.vector_load %arg7[%get3A_575, %get3A_576] {strides = array<i32>} : memref<1600x32xf32, #tpu.memory_space<vmem>>, vector<1x16xf32>,
        %get3A_578 = vector.shape_cast %get3A_577 : vector<1x16xf32> to vector<16xf32>
        %get3A_579 = arith.index_cast %add3A_574 : i32 to index
        %get3A_580 = arith.constant 16 : index
        %get3A_581 = tpu.vector_load %arg7[%get3A_579, %get3A_580] {strides = array<i32>} : memref<1600x32xf32, #tpu.memory_space<vmem>>, vector<1x16xf32>,
        %get3A_582 = vector.shape_cast %get3A_581 : vector<1x16xf32> to vector<16xf32>
        %mul3A_583 = arith.mulf %get3A_578, %gather3A_570 : vector<16xf32>
        %swap3A_584 = arith.index_cast %add3A_574 : i32 to index
        %swap3A_585 = arith.constant 0 : index
        %swap3A_586 = tpu.vector_load %arg7[%swap3A_584, %swap3A_585] {strides = array<i32>} : memref<1600x32xf32, #tpu.memory_space<vmem>>, vector<1x16xf32>,
        %swap3A_587 = vector.shape_cast %swap3A_586 : vector<1x16xf32> to vector<16xf32>
        %swap3A_588 = vector.shape_cast %mul3A_583 : vector<16xf32> to vector<1x16xf32>
        tpu.vector_store %arg7[%swap3A_584, %swap3A_585], %swap3A_588 {strides = array<i32>} : memref<1600x32xf32, #tpu.memory_space<vmem>>, vector<1x16xf32>,
        %mul3A_589 = arith.mulf %get3A_582, %gather3A_570 : vector<16xf32>
        %swap3A_590 = arith.index_cast %add3A_574 : i32 to index
        %swap3A_591 = arith.constant 16 : index
        %swap3A_592 = tpu.vector_load %arg7[%swap3A_590, %swap3A_591] {strides = array<i32>} : memref<1600x32xf32, #tpu.memory_space<vmem>>, vector<1x16xf32>,
        %swap3A_593 = vector.shape_cast %swap3A_592 : vector<1x16xf32> to vector<16xf32>
        %swap3A_594 = vector.shape_cast %mul3A_589 : vector<16xf32> to vector<1x16xf32>
        tpu.vector_store %arg7[%swap3A_590, %swap3A_591], %swap3A_594 {strides = array<i32>} : memref<1600x32xf32, #tpu.memory_space<vmem>>, vector<1x16xf32>,
        %broadcast_in_dim3A_595 = arith.constant 14 : i32
        %broadcast_in_dim3A_596 = vector.broadcast %broadcast_in_dim3A_595 : i32 to vector<16x1xi32>
        %gather3A_597 = vector.shape_cast %broadcast_in_dim3A_596 : vector<16x1xi32> to vector<16xi32>
        %gather3A_598 = tpu.dynamic_gather %select_n3A[%gather3A_597] in [0] : vector<16xf32>, vector<16xi32> -> vector<16xf32>
        %mul3A_599 = arith.constant 16 : i32
        %mul3A_600 = arith.muli %scan3A_190, %mul3A_599 : i32
        %add3A_601 = arith.constant 14 : i32
        %add3A_602 = arith.addi %mul3A_600, %add3A_601 : i32
        %get3A_603 = arith.index_cast %add3A_602 : i32 to index
        %get3A_604 = arith.constant 0 : index
        %get3A_605 = tpu.vector_load %arg7[%get3A_603, %get3A_604] {strides = array<i32>} : memref<1600x32xf32, #tpu.memory_space<vmem>>, vector<1x16xf32>,
        %get3A_606 = vector.shape_cast %get3A_605 : vector<1x16xf32> to vector<16xf32>
        %get3A_607 = arith.index_cast %add3A_602 : i32 to index
        %get3A_608 = arith.constant 16 : index
        %get3A_609 = tpu.vector_load %arg7[%get3A_607, %get3A_608] {strides = array<i32>} : memref<1600x32xf32, #tpu.memory_space<vmem>>, vector<1x16xf32>,
        %get3A_610 = vector.shape_cast %get3A_609 : vector<1x16xf32> to vector<16xf32>
        %mul3A_611 = arith.mulf %get3A_606, %gather3A_598 : vector<16xf32>
        %swap3A_612 = arith.index_cast %add3A_602 : i32 to index
        %swap3A_613 = arith.constant 0 : index
        %swap3A_614 = tpu.vector_load %arg7[%swap3A_612, %swap3A_613] {strides = array<i32>} : memref<1600x32xf32, #tpu.memory_space<vmem>>, vector<1x16xf32>,
        %swap3A_615 = vector.shape_cast %swap3A_614 : vector<1x16xf32> to vector<16xf32>
        %swap3A_616 = vector.shape_cast %mul3A_611 : vector<16xf32> to vector<1x16xf32>
        tpu.vector_store %arg7[%swap3A_612, %swap3A_613], %swap3A_616 {strides = array<i32>} : memref<1600x32xf32, #tpu.memory_space<vmem>>, vector<1x16xf32>,
        %mul3A_617 = arith.mulf %get3A_610, %gather3A_598 : vector<16xf32>
        %swap3A_618 = arith.index_cast %add3A_602 : i32 to index
        %swap3A_619 = arith.constant 16 : index
        %swap3A_620 = tpu.vector_load %arg7[%swap3A_618, %swap3A_619] {strides = array<i32>} : memref<1600x32xf32, #tpu.memory_space<vmem>>, vector<1x16xf32>,
        %swap3A_621 = vector.shape_cast %swap3A_620 : vector<1x16xf32> to vector<16xf32>
        %swap3A_622 = vector.shape_cast %mul3A_617 : vector<16xf32> to vector<1x16xf32>
        tpu.vector_store %arg7[%swap3A_618, %swap3A_619], %swap3A_622 {strides = array<i32>} : memref<1600x32xf32, #tpu.memory_space<vmem>>, vector<1x16xf32>,
        %broadcast_in_dim3A_623 = arith.constant 15 : i32
        %broadcast_in_dim3A_624 = vector.broadcast %broadcast_in_dim3A_623 : i32 to vector<16x1xi32>
        %gather3A_625 = vector.shape_cast %broadcast_in_dim3A_624 : vector<16x1xi32> to vector<16xi32>
        %gather3A_626 = tpu.dynamic_gather %select_n3A[%gather3A_625] in [0] : vector<16xf32>, vector<16xi32> -> vector<16xf32>
        %mul3A_627 = arith.constant 16 : i32
        %mul3A_628 = arith.muli %scan3A_190, %mul3A_627 : i32
        %add3A_629 = arith.constant 15 : i32
        %add3A_630 = arith.addi %mul3A_628, %add3A_629 : i32
        %get3A_631 = arith.index_cast %add3A_630 : i32 to index
        %get3A_632 = arith.constant 0 : index
        %get3A_633 = tpu.vector_load %arg7[%get3A_631, %get3A_632] {strides = array<i32>} : memref<1600x32xf32, #tpu.memory_space<vmem>>, vector<1x16xf32>,
        %get3A_634 = vector.shape_cast %get3A_633 : vector<1x16xf32> to vector<16xf32>
        %get3A_635 = arith.index_cast %add3A_630 : i32 to index
        %get3A_636 = arith.constant 16 : index
        %get3A_637 = tpu.vector_load %arg7[%get3A_635, %get3A_636] {strides = array<i32>} : memref<1600x32xf32, #tpu.memory_space<vmem>>, vector<1x16xf32>,
        %get3A_638 = vector.shape_cast %get3A_637 : vector<1x16xf32> to vector<16xf32>
        %mul3A_639 = arith.mulf %get3A_634, %gather3A_626 : vector<16xf32>
        %swap3A_640 = arith.index_cast %add3A_630 : i32 to index
        %swap3A_641 = arith.constant 0 : index
        %swap3A_642 = tpu.vector_load %arg7[%swap3A_640, %swap3A_641] {strides = array<i32>} : memref<1600x32xf32, #tpu.memory_space<vmem>>, vector<1x16xf32>,
        %swap3A_643 = vector.shape_cast %swap3A_642 : vector<1x16xf32> to vector<16xf32>
        %swap3A_644 = vector.shape_cast %mul3A_639 : vector<16xf32> to vector<1x16xf32>
        tpu.vector_store %arg7[%swap3A_640, %swap3A_641], %swap3A_644 {strides = array<i32>} : memref<1600x32xf32, #tpu.memory_space<vmem>>, vector<1x16xf32>,
        %mul3A_645 = arith.mulf %get3A_638, %gather3A_626 : vector<16xf32>
        %swap3A_646 = arith.index_cast %add3A_630 : i32 to index
        %swap3A_647 = arith.constant 16 : index
        %swap3A_648 = tpu.vector_load %arg7[%swap3A_646, %swap3A_647] {strides = array<i32>} : memref<1600x32xf32, #tpu.memory_space<vmem>>, vector<1x16xf32>,
        %swap3A_649 = vector.shape_cast %swap3A_648 : vector<1x16xf32> to vector<16xf32>
        %swap3A_650 = vector.shape_cast %mul3A_645 : vector<16xf32> to vector<1x16xf32>
        tpu.vector_store %arg7[%swap3A_646, %swap3A_647], %swap3A_650 {strides = array<i32>} : memref<1600x32xf32, #tpu.memory_space<vmem>>, vector<1x16xf32>,
      }
      %scan3A_189 = arith.constant 100 : i32
    } else {
    }
    %dma_start3A_160 = arith.constant 4800 : i32
    %dma_start3A_161 = arith.constant 0 : i32
    %dma_start3A_162 = tpu.memref_slice %arg4[%add3A, %dma_start3A_160, %dma_start3A_161] : memref<32x6400x32xf32, #tpu.memory_space<hbm>> -> memref<1x1600x32xf32, #tpu.memory_space<hbm>>
    %dma_start3A_163 = tpu.memref_squeeze %dma_start3A_162 : memref<1x1600x32xf32, #tpu.memory_space<hbm>> -> memref<1600x32xf32, #tpu.memory_space<hbm>>
    %dma_start3A_164 = arith.constant 4800 : i32
    %dma_start3A_165 = arith.constant 0 : i32
    %dma_start3A_166 = tpu.memref_slice %arg4[%add3A, %dma_start3A_164, %dma_start3A_165] : memref<32x6400x32xf32, #tpu.memory_space<hbm>> -> memref<1x1600x32xf32, #tpu.memory_space<hbm>>
    %dma_start3A_167 = tpu.memref_squeeze %dma_start3A_166 : memref<1x1600x32xf32, #tpu.memory_space<hbm>> -> memref<1600x32xf32, #tpu.memory_space<hbm>>
    tpu.enqueue_dma source(%arg7 : memref<1600x32xf32, #tpu.memory_space<vmem>>) target(%dma_start3A_167 : memref<1600x32xf32, #tpu.memory_space<hbm>>) target_semaphore(%arg14 : memref<!tpu.dma_semaphore, #tpu.memory_space<semaphore_mem>>)
    %dma_wait3A_168 = arith.constant 3200 : i32
    %dma_wait3A_169 = arith.constant 0 : i32
    %dma_wait3A_170 = tpu.memref_slice %arg4[%add3A, %dma_wait3A_168, %dma_wait3A_169] : memref<32x6400x32xf32, #tpu.memory_space<hbm>> -> memref<1x1600x32xf32, #tpu.memory_space<hbm>>
    %dma_wait3A_171 = tpu.memref_squeeze %dma_wait3A_170 : memref<1x1600x32xf32, #tpu.memory_space<hbm>> -> memref<1600x32xf32, #tpu.memory_space<hbm>>
    %dma_wait3A_172 = arith.constant 3200 : i32
    %dma_wait3A_173 = arith.constant 0 : i32
    %dma_wait3A_174 = tpu.memref_slice %arg4[%add3A, %dma_wait3A_172, %dma_wait3A_173] : memref<32x6400x32xf32, #tpu.memory_space<hbm>> -> memref<1x1600x32xf32, #tpu.memory_space<hbm>>
    %dma_wait3A_175 = tpu.memref_squeeze %dma_wait3A_174 : memref<1x1600x32xf32, #tpu.memory_space<hbm>> -> memref<1600x32xf32, #tpu.memory_space<hbm>>
    tpu.wait_dma2 semaphore(%arg13 : memref<!tpu.dma_semaphore, #tpu.memory_space<semaphore_mem>>) src(%arg6 : memref<1600x32xf32, #tpu.memory_space<vmem>>) dst(%dma_wait3A_175 : memref<1600x32xf32, #tpu.memory_space<hbm>>)
    %dma_wait3A_176 = arith.constant 4800 : i32
    %dma_wait3A_177 = arith.constant 0 : i32
    %dma_wait3A_178 = tpu.memref_slice %arg4[%add3A, %dma_wait3A_176, %dma_wait3A_177] : memref<32x6400x32xf32, #tpu.memory_space<hbm>> -> memref<1x1600x32xf32, #tpu.memory_space<hbm>>
    %dma_wait3A_179 = tpu.memref_squeeze %dma_wait3A_178 : memref<1x1600x32xf32, #tpu.memory_space<hbm>> -> memref<1600x32xf32, #tpu.memory_space<hbm>>
    %dma_wait3A_180 = arith.constant 4800 : i32
    %dma_wait3A_181 = arith.constant 0 : i32
    %dma_wait3A_182 = tpu.memref_slice %arg4[%add3A, %dma_wait3A_180, %dma_wait3A_181] : memref<32x6400x32xf32, #tpu.memory_space<hbm>> -> memref<1x1600x32xf32, #tpu.memory_space<hbm>>
    %dma_wait3A_183 = tpu.memref_squeeze %dma_wait3A_182 : memref<1x1600x32xf32, #tpu.memory_space<hbm>> -> memref<1600x32xf32, #tpu.memory_space<hbm>>
    tpu.wait_dma2 semaphore(%arg14 : memref<!tpu.dma_semaphore, #tpu.memory_space<semaphore_mem>>) src(%arg7 : memref<1600x32xf32, #tpu.memory_space<vmem>>) dst(%dma_wait3A_183 : memref<1600x32xf32, #tpu.memory_space<hbm>>)
    return
  }
}

</mosaic_0001>

<sc_bundles>
// kernel: kernel.3.cloned.1.call-start
scs
__scs_entry_jumppad:
0x0: {  	(pc) =	sbr.rel $0x88, $3  }
0x1: {  	(tag) =	ssettag $0x0;
	lr =	simm.s32 $0x1  }
0x2: {  	[smem:$0x3F9F] =	sst lr;
	_ =	strace $0xD0000000  }
0x3: {  	_ = 	snop  }
0x4: {  	_ = 	snop  }
0x5: {  	_ = 	snop  }
0x6: {  	_ = 	snop  }
0x7: {  	_ = 	snop  }
__scs_overlays_trampoline_lowered:
0x8: {  	[smem:$0x3FAE] =	sst s0  }
0x9: {  	[smem:$0x3FAF] =	sst s1  }
0xa: {  	[smem:$0x3FB0] =	sst s2  }
0xb: {  	[smem:$0x3FB1] =	sst s3  }
0xc: {  	[smem:$0x3FB2] =	sst s4  }
0xd: {  	[smem:$0x3FB3] =	sst s5  }
0xe: {  	[smem:$0x3FB4] =	sst s6  }
0xf: {  	[smem:$0x3FB5] =	sst s7  }
0x10: {  	[smem:$0x3FB6] =	sst s8  }
0x11: {  	[smem:$0x3FB7] =	sst s9;
	s0 =	simm.s32 @!p0 $0x0  }
0x12: {  	s1 =	sld [smem:$0x3F9D];
	s0 =	simm.s32 @p0 $0x1  }
0x13: {  	[smem:$0x3FB8] =	sst s0;
	s0 =	simm.s32 @!p1 $0x0  }
0x14: {  	s2 =	sld [smem:$0x3F9C];
	s0 =	simm.s32 @p1 $0x1  }
0x15: {  	[smem:$0x3FB9] =	sst s0;
	s0 =	simm.s32 @!p2 $0x0  }
0x16: {  	s3 =	sld [smem:$0x3FDB];
	s0 =	simm.s32 @p2 $0x1  }
0x17: {  	s4 =	simm.s32 $0x1BF5;
	[smem:$0x3FBB] =	sst s0  }
0x18: {  	s0 =	sld [smem:$0x3F9E];
	_ =	swait.ge [sflag:s4], $0x0  }
0x19: {  	s7 =	sld [smem:$0x3F9F]  }
0x1a: {  	s8 =	sadd.s32 $0xFFFFE003, lr  }
0x1b: {  	s9 =	sadd.s32 $0xFFFFFEF7, lr;
	s5 =	simm.s32 $0xFFFFFFFF;
	p2 =	slt.u32 s8, $0xFFFFF086  }
0x1c: {  	p1 =	slt.u32 s9, $0xF7A;
	s5 =	simm.s32 @!p2 $0x0  }
0x1d: {  	s5 =	simm.s32 @p1 $0x1;
	p0 =	seq.s32 s7, s2  }
0x1e: {  	s7 =	smul.u32 @!p0 $0xF7A, s2;
	p2 =	seq.s32 @!p0 s5, $0x0  }
0x1f: {  	s9 =	smul.u32 $0xF7A, s1;
	s8 =	simm.s32 @!p0 $0x1BF5;
	p2 =	por !p2, p0  }
0x20: {  	[sflag:s8] =	ssyncset.s32 @!p0 $0xFFFFF086;
	s6 =	sadd.s32 @!p0 s3, s7;
	s7 =	simm.s32 @!p0 $0x108  }
0x21: {  	s3 =	sadd.s32 s3, s9;
	s6 =	sadd.s32 @!p0 $0x88, s6;
	s7 =	simm.s32 @p2 $0x1082  }
0x22: {  	[simem:s7], [sflag:s8] =	dma.local @!p0 [hbm:s6], $0xF7A  }
0x23: {  	s9 =	sor.u32 $0xD0000000, s2;
	s6 =	simm.s32 $0x108;
	_ =	swait.ge @!p0 [sflag:s8], $0x0  }
0x24: {  	s3 =	sadd.s32 $0x88, s3;
	s6 =	simm.s32 @!p1 $0x1082;
	[sflag:s4] =	ssyncset.s32 $0xFFFFF086  }
0x25: {  	[simem:s6], [sflag:s4] =	dma.local [hbm:s3], $0xF7A  }
0x26: {  	[smem:$0x3F9F] =	sst s1;
	(tag) =	ssettag s2;
	_ =	strace s9  }
0x27: {  	s1 =	sld [smem:$0x3FAF]  }
0x28: {  	s2 =	sld [smem:$0x3FB0]  }
0x29: {  	s4 =	sld [smem:$0x3FB2]  }
0x2a: {  	p0 =	seq.s32 s5, $0x0;
	s5 =	sld [smem:$0x3FB3]  }
0x2b: {  	s6 =	sld [smem:$0x3FB4]  }
0x2c: {  	s7 =	sld [smem:$0x3FB5]  }
0x2d: {  	s3 =	simm.s32 $0x108;
	s8 =	sld [smem:$0x3FB6]  }
0x2e: {  	s3 =	simm.s32 @!p0 $0x1082;
	s9 =	sld [smem:$0x3FB7]  }
0x2f: {  	lr =	sadd.s32 s0, s3;
	s0 =	sld [smem:$0x3FAE]  }
0x30: {  	s3 =	sld [smem:$0x3FB1]  }
0x31: {  	[smem:$0x3FBA] =	sst s10  }
0x32: {  	s10 =	sld [smem:$0x3FB8];
	_ =	sdelay $0x3  }
0x33: {  	p0 =	seq.s32 s10, $0x1;
	s10 =	sld [smem:$0x3FBA];
	_ =	sdelay $0x3  }
0x34: {  	[smem:$0x3FBA] =	sst s10  }
0x35: {  	s10 =	sld [smem:$0x3FB9];
	_ =	sdelay $0x3  }
0x36: {  	p1 =	seq.s32 s10, $0x1;
	s10 =	sld [smem:$0x3FBA];
	_ =	sdelay $0x3  }
0x37: {  	[smem:$0x3FBA] =	sst s10  }
0x38: {  	s10 =	sld [smem:$0x3FBB]  }
0x39: {  	_ = 	snop;
	(pc) =	sbr.ind lr, $3  }
0x3a: {  	_ = 	snop  }
0x3b: {  	_ = 	snop  }
0x3c: {  	p2 =	seq.s32 s10, $0x1;
	s10 =	sld [smem:$0x3FBA]  }
0x3d: {  	_ =	shalt  }
0x3e: {  	_ =	shalt  }
0x3f: {  	_ =	shalt  }
0x40: {  	_ =	shalt  }
0x41: {  	_ =	shalt  }
0x42: {  	_ =	shalt  }
0x43: {  	_ =	shalt  }
0x44: {  	_ =	shalt  }
0x45: {  	_ =	shalt  }
0x46: {  	_ =	shalt  }
0x47: {  	_ =	shalt  }
0x48: {  	_ =	shalt  }
0x49: {  	_ =	shalt  }
0x4a: {  	_ =	shalt  }
0x4b: {  	_ =	shalt  }
0x4c: {  	_ =	shalt  }
0x4d: {  	_ =	shalt  }
0x4e: {  	_ =	shalt  }
0x4f: {  	_ =	shalt  }
0x50: {  	_ =	shalt  }
0x51: {  	_ =	shalt  }
0x52: {  	_ =	shalt  }
0x53: {  	_ =	shalt  }
0x54: {  	_ =	shalt  }
0x55: {  	_ =	shalt  }
0x56: {  	_ =	shalt  }
0x57: {  	_ =	shalt  }
0x58: {  	_ =	shalt  }
0x59: {  	_ =	shalt  }
0x5a: {  	_ =	shalt  }
0x5b: {  	_ =	shalt  }
0x5c: {  	_ =	shalt  }
0x5d: {  	_ =	shalt  }
0x5e: {  	_ =	shalt  }
0x5f: {  	_ =	shalt  }
0x60: {  	_ =	shalt  }
0x61: {  	_ =	shalt  }
0x62: {  	_ =	shalt  }
0x63: {  	_ =	shalt  }
0x64: {  	_ =	shalt  }
0x65: {  	_ =	shalt  }
0x66: {  	_ =	shalt  }
0x67: {  	_ =	shalt  }
0x68: {  	_ =	shalt  }
0x69: {  	_ =	shalt  }
0x6a: {  	_ =	shalt  }
0x6b: {  	_ =	shalt  }
0x6c: {  	_ =	shalt  }
0x6d: {  	_ =	shalt  }
0x6e: {  	_ =	shalt  }
0x6f: {  	_ =	shalt  }
0x70: {  	_ =	shalt  }
0x71: {  	_ =	shalt  }
0x72: {  	_ =	shalt  }
0x73: {  	_ =	shalt  }
0x74: {  	_ =	shalt  }
0x75: {  	_ =	shalt  }
0x76: {  	_ =	shalt  }
0x77: {  	_ =	shalt  }
0x78: {  	_ =	shalt  }
0x79: {  	_ =	shalt  }
0x7a: {  	_ =	shalt  }
0x7b: {  	_ =	shalt  }
0x7c: {  	_ =	shalt  }
0x7d: {  	_ =	shalt  }
0x7e: {  	_ =	shalt  }
0x7f: {  	_ =	shalt  }
0x80: {  	_ =	shalt  }
0x81: {  	_ =	shalt  }
0x82: {  	_ =	shalt  }
0x83: {  	_ =	shalt  }
0x84: {  	_ =	shalt  }
0x85: {  	_ =	shalt  }
0x86: {  	_ =	shalt  }
0x87: {  	_ =	shalt  }
.Lfunc_end0:
.L_simem_size_0:
called_computation_lowered:
.L_overlay_start_0:
0x88: {  	s2 =	sld [smem:$0x3FD9]  }
0x89: {  	s3 =	sld [smem:$0x3FFE];
	_ =	sdelay $0x1  }
0x8a: {  	s1 =	srdreg.scid  }
0x8b: {  	s0 =	sand.u32 $0x1, s1  }
0x8c: {  	s17 =	sshll.u32 s0, $0xA;
	s2 =	sadd.s32 s3, s2  }
0x8d: {  	s2 =	sadd.s32 s2, s17  }
0x8e: {  	[smem:$0x3FC6] =	sst s2  }
0x8f: {  	_ = 	snop  }
0x90: {  	s2 =	sld [smem:$0x3FD0];
	(tm) =	ssettm $0x1  }
0x91: {  	s18 =	sld [smem:$0x3FFB];
	_ =	sdelay $0x3  }
0x92: {  	_ =	strace s18  }
0x93: {  	s3 =	sld [smem:$0x3FFC];
	_ =	sdelay $0x3  }
0x94: {  	_ =	strace s3  }
0x95: {  	s3 =	sld [smem:$0x3FFD];
	_ =	sdelay $0x3  }
0x96: {  	_ =	strace s3  }
0x97: {  	_ =	strace $0x8FFFFFFF  }
0x98: {  	s19 =	sld [smem:$0x3FDB];
	_ =	sdelay $0x1  }
0x99: {  	s4 =	simm.s32 $_scs_section_size  }
0x9a: {  	s5 =	simm.s32 $_size__tile_overlayer_lowered;
	s6 =	simm.s32 $_tile_overlayer_lowered  }
0x9b: {  	s22 =	simm.s32 $0x1BFF;
	s21 =	sshll.u32 s6, $0x1;
	s3 =	sadd.s32 s4, s19  }
0x9c: {  	s7 =	simm.s32 $0x0;
	s20 =	sshll.u32 s5, $0x1;
	s5 =	sadd.s32 s21, s3  }
0x9d: {  	[timem:s7], [sflag:s22] =	dma.local [hbm:s5], s20  }
0x9e: {  	_ =	swait.ge [sflag:s22], s20  }
0x9f: {  	s4 =	ssub.s32 $0x0, s20;
	[sflag:s22] =	ssyncset.done $0x0  }
0xa0: {  	[sflag:s22] =	ssyncadd.s32 s4;
	_ =	sdelay $0x1  }
0xa1: {  	s23 =	simm.s32 $0x1B8B  }
0xa2: {  	_ =	swait.ge [sflag:s23], $0x1  }
0xa3: {  	[sflag:s23] =	ssyncset.done $0x0  }
0xa4: {  	s25 =	simm.s32 $0x1B8E;
	s24 =	sld [smem:$0x3FFE];
	[sflag:s23] =	ssyncadd.s32 $0xFFFFFFFF  }
0xa5: {  	s26 =	simm.s32 $execute0_lowered;
	[smem:$0x3FD2] =	sst s25  }
0xa6: {  	s5 =	sshll.u32 s26, $0x1;
	_ =	strace $0x80000046;
	[dreg:$0x1] =	wrdreg $0xFFFFFFFF  }
0xa7: {  	s28 =	simm.s32 $_size_execute0_lowered;
	s3 =	sadd.s32 s3, s5;
	[dreg:$0x0] =	wrdreg $0x0  }
0xa8: {  	s5 =	sshll.u32 s28, $0x1;
	[dreg:$0x2] =	wrdreg s3  }
0xa9: {  	[dreg:$0x3] =	wrdreg s5  }
0xaa: {  	[dreg:$0x4] =	wrdreg $0xC0  }
0xab: {  	_ =	task [dreg:s7], $0x5FFFF  }
0xac: {  	[dreg:$0x1] =	wrdreg $0xFFFFFFFF  }
0xad: {  	[dreg:$0x0] =	wrdreg $0x60  }
0xae: {  	[dreg:$0x2] =	wrdreg s24  }
0xaf: {  	[dreg:$0x3] =	wrdreg s2  }
0xb0: {  	[dreg:$0x4] =	wrdreg $0x1A9100  }
0xb1: {  	[dreg:$0x5] =	wrdreg $0x9  }
0xb2: {  	_ =	task.clear_ibuf [dreg:s7], $0x6FFFF;
	_ =	strace $0x90000046  }
0xb3: {  	s29 =	simm.s32 $0x9;
	_ =	strace $0x80000048  }
0xb4: {  	_ =	swait.ge [sflag:s29], $0x1  }
0xb5: {  	[sflag:s29] =	ssyncadd.s32 $0xFFFFFFFF  }
0xb6: {  	_ =	strace $0x90000048  }
0xb7: {  	_ =	sfence  }
0xb8: {  	s30 =	sld [smem:$0x0];
	_ =	sdelay $0x2  }
0xb9: {  	s31 =	sshll.u32 s1, $0xD;
	s1 =	sshrl.u32 s1, $0x2  }
0xba: {  	s3 =	sand.u32 $0x4000, s31;
	s1 =	sadd.s32 s1, s30  }
0xbb: {  	s0 =	sor.u32 s3, s0;
	s1 =	sshll.u32 s1, $0x11  }
0xbc: {  	s0 =	sor.u32 s1, s0  }
0xbd: {  	s0 =	sadd.s32 $0x8F2B, s0  }
0xbe: {  	[sflag:s0] =	ssyncadd.remote.s32 $0x1  }
0xbf: {  	_ =	sfence.sel $0xFFFF  }
0xc0: {  	[dreg:$0x0] =	wrdreg $0xFFFFFFFF;
	(pc) =	sbr.abs _section_cstart, $3  }
0xc1: {  	[dreg:$0x1] =	wrdreg $0xFFFFFFFF  }
0xc2: {  	_ =	task.clear_ibuf [dreg:s7], $0x2FFFF;
	_ =	strace $0x9FFFFFFF  }
0xc3: {  	(tm) =	ssettm $0x7FFFFFFF  }
tec
execute0_lowered:
.L_overlay_start_1:
0x0: {  	(tag) =	ssettag $0x1  }
0x1: {  	s3 =	rddreg [dreg:$0x0]  }
0x2: {  	s1 =	srdreg.scid;
	s4 =	rddreg [dreg:$0x1]  }
0x3: {  	s0 =	stileid.u32;
	s6 =	rddreg [dreg:$0x2]  }
0x4: {  	s2 =	simm.s32 $0x0;
	s11 =	simm.s32 $0x5;
	s12 =	simm.s32 $0x640  }
0x5: {  	s13 =	simm.s32 $0x1900;
	s14 =	simm.s32 $0x1A900;
	s15 =	simm.s32 $0x1  }
0x6: {  	s16 =	simm.s32 $0xE100;
	s17 =	simm.s32 $0x2;
	s18 =	simm.s32 $0x3  }
0x7: {  	s19 =	simm.s32 $0xC80;
	s5 =	sand.u32 $0x1, s1;
	s30 =	sshll.u32 s0, $0x1  }
0x8: {  	s20 =	simm.s32 $0x4;
	s21 =	simm.s32 $0x12C0;
	s7 =	sor.u32 s5, s30  }
0x9: {  	s22 =	simm.s32 $0x0;
	s1 =	rddreg [dreg:$0x3];
	s8 =	smul.u32 $0x320, s7  }
0xa: {  	v0 =	vimm.s32 $0x0;
	v1 =	vimm.f32 $1.000000000e+00;
	[smem:$0x7FF] =	sst s2;
	s5 =	ssub.s32 $0x2, s5;
	s7 =	smul.u32 $0x32000, s7  }
.Ltmp0:
0xb: {  	v2 =	vimm.s32 $0x1;
	v3 =	vimm.s32 $0x2;
	v4 =	vimm.s32 $0x3;
	s31 =	sshll.u32 s0, $0x4;
	s9 =	sshrl.u32 s5, $0x1;
	(pc) =	sbr.rel .LBB2_1-.Ltmp0, $4  }
0xc: {  	v5 =	vimm.s32 $0x4;
	v6 =	vimm.s32 $0x5;
	v7 =	vimm.s32 $0x6;
	_ =	strace $0x80000047;
	s6 =	sadd.s32 s31, s6;
	s10 =	ssub.s32 s5, s9  }
0xd: {  	v8 =	vimm.s32 $0x7;
	v9 =	vimm.s32 $0x8;
	v10 =	vimm.s32 $0x9;
	s8 =	sadd.s32 s8, s3;
	s3 =	sadd.s32 $0xF42A00, s3;
	s7 =	sshrl.u32 s7, $0x3  }
0xe: {  	v11 =	vimm.s32 $0xA;
	v12 =	vimm.s32 $0xB;
	v13 =	vimm.s32 $0xC;
	s10 =	smax.u32 s10, $0x1;
	s4 =	sadd.s32 s4, s7;
	s5 =	sadd.s32 $0x600, s8  }
0xf: {  	v14 =	vimm.s32 $0xD;
	v15 =	vimm.s32 $0xE;
	v16 =	vimm.s32 $0xF;
	s7 =	sadd.s32 $0x1900, s4;
	s8 =	sadd.s32 $0x3200, s4;
	s9 =	sadd.s32 $0x4B00, s4  }
.LBB2_17:
0x10: {  	[hbm4b:s8+s2] =	stream.linear.scatter [tilespmem:s13], [sflag:$0x3], $0xC800, $0x38;
	[tilespmem:$0x1A920] =	vst v63  }
0x11: {  	_ =	swait.ge [sflag:s17], $0xC800  }
0x12: {  	[sflag:s17] =	ssyncset.done $0x0  }
0x13: {  	[sflag:s17] =	ssyncadd.s32 $0xFFFF3800  }
.LBB2_18:
0x14: {  	[hbm4b:s9+s2] =	stream.linear.scatter [tilespmem:s16], [sflag:$0x4], $0xC800, $0x38;
	[tilespmem:$0x1A920] =	vst v63  }
0x15: {  	s22 =	sadd.s32 $0x1, s22  }
0x16: {  	_ =	swait.ge [sflag:s18], $0xC800;
	p0 =	sne.s32 s22, s10  }
.Ltmp1:
0x17: {  	[sflag:s18] =	ssyncset.done $0x0;
	(pc) =	sbr.rel @!p0 .LBB2_19-.Ltmp1, $4  }
0x18: {  	[sflag:s18] =	ssyncadd.s32 $0xFFFF3800  }
0x19: {  	_ =	swait.ge [sflag:s20], $0xC800  }
0x1a: {  	[sflag:s20] =	ssyncset.done $0x0  }
0x1b: {  	[sflag:s20] =	ssyncadd.s32 $0xFFFF3800  }
.LBB2_1:
0x1c: {  	[tilespmem:s2], [sflag:$0x5] =	stream.linear.gather [hbm4b:s5+s2], $0x1900, $0x38;
	[tilespmem:$0x1A920] =	vst v63  }
0x1d: {  	_ =	swait.ge [sflag:s11], $0x1900  }
0x1e: {  	[sflag:s11] =	ssyncset.done $0x0  }
0x1f: {  	s24 =	simm.s32 $0x0;
	[sflag:s11] =	ssyncadd.s32 $0xFFFFE700  }
0x20: {  	[tilespmem:s13], [sflag:$0x1] =	stream.indirect.gather [hbm4b:s3+s12], $0x20, s2, s12, $0xb8;
	[tilespmem:$0x1A920] =	vst v63  }
0x21: {  	v17 =	vimm.s32 $0x7FFFFFFF;
	s23 =	simm.s32 $0x40;
	v18 =	vld [tilespmem:s24+$0x0]  }
.LBB2_2:
0x22: {  	p0 =	sne.s32 s23, $0x63C0  }
.Ltmp2:
0x23: {  	_ = 	snop;
	(pc) =	sbr.rel @p0 .LBB2_2-.Ltmp2, $3  }
0x24: {  	_ =	sdelay $0x1  }
0x25: {  	s24 =	sshra.s32 s23, $0x2;
	s23 =	sadd.s32 $0x40, s23;
	vm0 =	vlt.s32 v17, v18  }
0x26: {  	v17 =	vsel vm0, v17, v18;
	v18 =	vld [tilespmem:s24+$0x0]  }
0x27: {  	_ =	sdelay $0x3  }
0x28: {  	vm0 =	vlt.s32 v17, v18  }
0x29: {  	v17 =	vsel vm0, v17, v18  }
0x2a: {  	[tilespmem:$0x1A900] =	vst v17  }
0x2b: {  	[spmem:s6] =	stream.linear.scatter [tilespmem:s14], [sflag:$0x5], $0x10, $0x38;
	[tilespmem:$0x1A920] =	vst v63  }
0x2c: {  	_ =	swait.ge [sflag:s11], $0x10  }
0x2d: {  	[sflag:s11] =	ssyncset.done $0x0  }
0x2e: {  	s23 =	simm.s32 $0x0;
	[sflag:s11] =	ssyncadd.s32 $0xFFFFFFF0  }
0x2f: {  	[smem:s23], [sflag:$0x5] =	stream.linear.gather [spmem:s6], $0x10, $0x38;
	[tilespmem:$0x1A920] =	vst v63  }
0x30: {  	_ =	swait.ge [sflag:s11], $0x10  }
0x31: {  	[sflag:s11] =	ssyncset.done $0x0  }
0x32: {  	[sflag:s11] =	ssyncadd.s32 $0xFFFFFFF0  }
0x33: {  	s24 =	sld [smem:$0x0]  }
0x34: {  	s25 =	sld [smem:$0x1];
	_ =	sdelay $0x1  }
0x35: {  	s26 =	sld [smem:$0x2]  }
0x36: {  	p0 =	slt.s32 s24, s25  }
0x37: {  	s25 =	smov.u32 @p0 s24;
	s24 =	sld [smem:$0x3]  }
0x38: {  	p0 =	slt.s32 s25, s26  }
0x39: {  	s26 =	smov.u32 @p0 s25;
	s25 =	sld [smem:$0x4]  }
0x3a: {  	p0 =	slt.s32 s26, s24  }
0x3b: {  	s24 =	smov.u32 @p0 s26;
	s26 =	sld [smem:$0x5]  }
0x3c: {  	p0 =	slt.s32 s24, s25  }
0x3d: {  	s25 =	smov.u32 @p0 s24;
	s24 =	sld [smem:$0x6]  }
0x3e: {  	p0 =	slt.s32 s25, s26  }
0x3f: {  	s26 =	smov.u32 @p0 s25;
	s25 =	sld [smem:$0x7]  }
0x40: {  	p0 =	slt.s32 s26, s24  }
0x41: {  	s24 =	smov.u32 @p0 s26;
	s26 =	sld [smem:$0x8]  }
0x42: {  	p0 =	slt.s32 s24, s25  }
0x43: {  	s25 =	smov.u32 @p0 s24;
	s24 =	sld [smem:$0x9]  }
0x44: {  	p0 =	slt.s32 s25, s26  }
0x45: {  	s26 =	smov.u32 @p0 s25;
	s25 =	sld [smem:$0xA]  }
0x46: {  	p0 =	slt.s32 s26, s24  }
0x47: {  	s24 =	smov.u32 @p0 s26;
	s26 =	sld [smem:$0xB]  }
0x48: {  	p0 =	slt.s32 s24, s25  }
0x49: {  	s25 =	smov.u32 @p0 s24;
	s24 =	sld [smem:$0xC]  }
0x4a: {  	p0 =	slt.s32 s25, s26  }
0x4b: {  	s26 =	smov.u32 @p0 s25;
	s25 =	sld [smem:$0xD]  }
0x4c: {  	p0 =	slt.s32 s26, s24  }
0x4d: {  	s24 =	smov.u32 @p0 s26;
	s26 =	sld [smem:$0xE]  }
0x4e: {  	p0 =	slt.s32 s24, s25  }
0x4f: {  	s25 =	smov.u32 @p0 s24;
	s24 =	sld [smem:$0xF]  }
0x50: {  	p0 =	slt.s32 s25, s26  }
0x51: {  	s26 =	smov.u32 @p0 s25  }
0x52: {  	p0 =	slt.s32 s26, s24  }
0x53: {  	s24 =	smov.u32 @p0 s26  }
0x54: {  	p0 =	sne.s32 s24, $0x0  }
.Ltmp3:
0x55: {  	_ = 	snop;
	(pc) =	sbr.rel @p0 .LBB2_7-.Ltmp3, $4  }
0x56: {  	_ =	swait.ge [sflag:s15], $0xC800  }
0x57: {  	[sflag:s15] =	ssyncset.done $0x0  }
0x58: {  	[sflag:s15] =	ssyncadd.s32 $0xFFFF3800  }
0x59: {  	[tilespmem:s16], [sflag:$0x2] =	stream.indirect.gather [hbm4b:s3+s12], $0x20, s12, s12, $0xb8;
	[tilespmem:$0x1A920] =	vst v63  }
0x5a: {  	s24 =	simm.s32 $0x1A00  }
0x5b: {  	v24 =	vld [tilespmem:s24+$0xFFFFFFF0]  }
0x5c: {  	v26 =	vld [tilespmem:s24+$0xFFFFFF10]  }
0x5d: {  	v28 =	vld [tilespmem:s24+$0xE0]  }
0x5e: {  	v27 =	vld [tilespmem:s24+$0xFFFFFF40]  }
0x5f: {  	v17 =	vld [tilespmem:s24+$0xFFFFFFC0]  }
0x60: {  	s25 =	simm.s32 $0x0;
	v20 =	vld [tilespmem:s24+$0xFFFFFFE0]  }
0x61: {  	v18 =	vld [tilespmem:s25+$0x0]  }
0x62: {  	v22 =	vld [tilespmem:s24+$0xFFFFFF70]  }
0x63: {  	v25 =	vld [tilespmem:s24+$0xFFFFFFD0]  }
0x64: {  	v19 =	vld [tilespmem:s24+$0xFFFFFFB0]  }
0x65: {  	v30 =	vld [tilespmem:s24+$0xFFFFFF00]  }
0x66: {  	v23 =	vld [tilespmem:s24+$0xFFFFFF20];
	vm0 =	veq.s32 v18, $0x0  }
0x67: {  	v37 =	vld [tilespmem:s24+$0xC0];
	v18 =	vsel vm0, $0x0, v1  }
0x68: {  	v32 =	vld [tilespmem:s24+$0x90];
	v33 =	vperm.xlane v18, v0;
	v21 =	vperm.xlane v18, v16  }
0x69: {  	v35 =	vld [tilespmem:s24+$0xFFFFFF50];
	v34 =	vperm.xlane v18, v3;
	v29 =	vperm.xlane v18, v15  }
0x6a: {  	v36 =	vld [tilespmem:s24+$0xB0];
	v39 =	vmul.f32 v30, v33;
	v30 =	vperm.xlane v18, v14  }
0x6b: {  	s26 =	simm.s32 $0x1A00;
	s25 =	simm.s32 $0x40;
	v31 =	vld [tilespmem:s24+$0xD0];
	v38 =	vmul.f32 v27, v34;
	v27 =	vperm.xlane v18, v13  }
.LBB2_5:
0x6c: {  	p1 =	sne.s32 s25, $0x18C0  }
0x6d: {  	[tilespmem:s24+$0xFFFFFF00] =	vst v39;
	v39 =	vld [tilespmem:s24+$0x60];
	v37 =	vmul.f32 v37, v29;
	v28 =	vmul.f32 v28, v21;
	s26 =	sadd.s32 $0x200, s26;
	s28 =	smov.u32 s25;
	s25 =	sadd.s32 $0x40, s25  }
0x6e: {  	[tilespmem:s24+$0xFFFFFF40] =	vst v38;
	v38 =	vperm.xlane v18, v11;
	v32 =	vmul.f32 v32, v27;
	v40 =	vld [tilespmem:s24+$0xA0]  }
0x6f: {  	v26 =	vmul.f32 v26, v33;
	v33 =	vmul.f32 v35, v34;
	v34 =	vld [tilespmem:s24+$0x70];
	[tilespmem:s24+$0xE0] =	vst v28  }
0x70: {  	v28 =	vperm.xlane v18, v6;
	v35 =	vld [tilespmem:s24+$0x80];
	v36 =	vmul.f32 v36, v30;
	[tilespmem:s24+$0xC0] =	vst v37  }
0x71: {  	v37 =	vperm.xlane v18, v7;
	[tilespmem:s24+$0xFFFFFF10] =	vst v26;
	v26 =	vld [tilespmem:s24+$0xFFFFFF60];
	v29 =	vmul.f32 v31, v29  }
0x72: {  	v42 =	vperm.xlane v18, v12;
	v31 =	vperm.xlane v18, v8;
	v41 =	vld [tilespmem:s24+$0x40];
	[tilespmem:s24+$0xB0] =	vst v36  }
0x73: {  	[tilespmem:s24+$0xFFFFFF50] =	vst v33;
	v33 =	vperm.xlane v18, v10;
	v36 =	vld [tilespmem:s24+$0x20];
	v30 =	vmul.f32 v40, v30  }
0x74: {  	v40 =	vperm.xlane v18, v4;
	v43 =	vld [tilespmem:s24+$0x50];
	v34 =	vmul.f32 v34, v42;
	[tilespmem:s24+$0x90] =	vst v32  }
0x75: {  	v24 =	vmul.f32 v24, v31;
	v32 =	vld [tilespmem:s24+$0x0];
	v27 =	vmul.f32 v35, v27;
	[tilespmem:s24+$0xA0] =	vst v30  }
0x76: {  	v25 =	vmul.f32 v25, v37;
	v26 =	vmul.f32 v26, v40;
	v30 =	vld [tilespmem:s24+$0x30];
	[tilespmem:s24+$0x70] =	vst v34  }
0x77: {  	v35 =	vmul.f32 v39, v42;
	v34 =	vperm.xlane v18, v2;
	[tilespmem:s24+$0xFFFFFFF0] =	vst v24;
	v24 =	vld [tilespmem:s24+$0x10]  }
0x78: {  	v41 =	vmul.f32 v41, v38;
	v39 =	vld [tilespmem:s24+$0xFFFFFFA0];
	[tilespmem:s24+$0xFFFFFFD0] =	vst v25;
	v25 =	vperm.xlane v18, v9  }
0x79: {  	v36 =	vmul.f32 v36, v33;
	v42 =	vld [tilespmem:s24+$0xFFFFFF30];
	v38 =	vmul.f32 v43, v38;
	[tilespmem:s24+$0xD0] =	vst v29  }
0x7a: {  	v22 =	vmul.f32 v22, v40;
	v23 =	vmul.f32 v23, v34;
	[tilespmem:s24+$0x80] =	vst v27;
	v27 =	vld [tilespmem:s24+$0xF0]  }
0x7b: {  	v32 =	vmul.f32 v32, v25;
	v29 =	vld [tilespmem:s24+$0xFFFFFF90];
	v30 =	vmul.f32 v30, v33;
	[tilespmem:s24+$0x60] =	vst v35  }
0x7c: {  	v20 =	vmul.f32 v20, v31;
	[tilespmem:s24+$0xFFFFFF70] =	vst v22;
	v22 =	vld [tilespmem:s24+$0xFFFFFF80];
	v25 =	vmul.f32 v24, v25  }
0x7d: {  	v17 =	vmul.f32 v17, v37;
	[tilespmem:s24+$0xFFFFFF60] =	vst v26;
	v24 =	vmul.f32 v39, v28  }
0x7e: {  	v19 =	vmul.f32 v19, v28;
	[tilespmem:s24+$0xFFFFFF20] =	vst v23;
	v23 =	vmul.f32 v42, v34  }
0x7f: {  	v18 =	vperm.xlane v18, v5;
	[tilespmem:s24+$0xFFFFFFE0] =	vst v20;
	v20 =	vmul.f32 v27, v21  }
0x80: {  	[tilespmem:s24+$0xFFFFFFC0] =	vst v17  }
0x81: {  	v17 =	vmul.f32 v22, v18;
	v18 =	vmul.f32 v29, v18;
	[tilespmem:s24+$0xF0] =	vst v20  }
0x82: {  	[tilespmem:s24+$0xFFFFFFB0] =	vst v19  }
0x83: {  	[tilespmem:s24+$0xFFFFFF90] =	vst v18  }
0x84: {  	[tilespmem:s24+$0xFFFFFFA0] =	vst v24  }
0x85: {  	[tilespmem:s24+$0x40] =	vst v41  }
0x86: {  	[tilespmem:s24+$0xFFFFFF80] =	vst v17  }
0x87: {  	v24 =	vld [tilespmem:s26+$0xFFFFFFF0];
	[tilespmem:s24+$0x0] =	vst v32  }
0x88: {  	v26 =	vld [tilespmem:s26+$0xFFFFFF10];
	[tilespmem:s24+$0x30] =	vst v30  }
0x89: {  	v28 =	vld [tilespmem:s26+$0xE0];
	[tilespmem:s24+$0x20] =	vst v36  }
0x8a: {  	v27 =	vld [tilespmem:s26+$0xFFFFFF40];
	[tilespmem:s24+$0x50] =	vst v38  }
0x8b: {  	v17 =	vld [tilespmem:s26+$0xFFFFFFC0];
	[tilespmem:s24+$0xFFFFFF30] =	vst v23  }
0x8c: {  	s28 =	sshra.s32 s28, $0x2;
	v20 =	vld [tilespmem:s26+$0xFFFFFFE0];
	[tilespmem:s24+$0x10] =	vst v25;
	s24 =	smov.u32 s26  }
0x8d: {  	v18 =	vld [tilespmem:s28+$0x0]  }
0x8e: {  	v22 =	vld [tilespmem:s26+$0xFFFFFF70]  }
0x8f: {  	v25 =	vld [tilespmem:s26+$0xFFFFFFD0]  }
0x90: {  	v19 =	vld [tilespmem:s26+$0xFFFFFFB0]  }
0x91: {  	v30 =	vld [tilespmem:s26+$0xFFFFFF00]  }
0x92: {  	vm0 =	veq.s32 v18, $0x0;
	v23 =	vld [tilespmem:s26+$0xFFFFFF20]  }
.Ltmp4:
0x93: {  	v18 =	vsel vm0, $0x0, v1;
	v37 =	vld [tilespmem:s26+$0xC0];
	(pc) =	sbr.rel @p1 .LBB2_5-.Ltmp4, $4  }
0x94: {  	v33 =	vperm.xlane v18, v0;
	v32 =	vld [tilespmem:s26+$0x90];
	v21 =	vperm.xlane v18, v16  }
0x95: {  	v34 =	vperm.xlane v18, v3;
	v29 =	vperm.xlane v18, v15;
	v35 =	vld [tilespmem:s26+$0xFFFFFF50]  }
0x96: {  	v39 =	vmul.f32 v30, v33;
	v30 =	vperm.xlane v18, v14;
	v36 =	vld [tilespmem:s26+$0xB0]  }
0x97: {  	v38 =	vmul.f32 v27, v34;
	v27 =	vperm.xlane v18, v13;
	v31 =	vld [tilespmem:s26+$0xD0]  }
0x98: {  	[tilespmem:s24+$0xFFFFFF00] =	vst v39;
	v28 =	vmul.f32 v28, v21  }
0x99: {  	v37 =	vmul.f32 v37, v29;
	[tilespmem:s24+$0xFFFFFF40] =	vst v38  }
0x9a: {  	v26 =	vmul.f32 v26, v33;
	[tilespmem:s24+$0xE0] =	vst v28  }
0x9b: {  	v60 =	vperm.xlane v18, v8;
	v57 =	vmul.f32 v32, v27;
	[tilespmem:s24+$0xC0] =	vst v37  }
0x9c: {  	v63 =	vperm.xlane v18, v7;
	v34 =	vmul.f32 v35, v34;
	[tilespmem:s24+$0xFFFFFF10] =	vst v26  }
0x9d: {  	v43 =	vperm.xlane v18, v4;
	v24 =	vmul.f32 v24, v60;
	[tilespmem:s24+$0x90] =	vst v57  }
0x9e: {  	v48 =	vperm.xlane v18, v2;
	v25 =	vmul.f32 v25, v63;
	[tilespmem:s24+$0xFFFFFF50] =	vst v34  }
0x9f: {  	v22 =	vmul.f32 v22, v43;
	[tilespmem:s24+$0xFFFFFFF0] =	vst v24  }
0xa0: {  	v53 =	vld [tilespmem:s24+$0xA0];
	v51 =	vmul.f32 v23, v48;
	[tilespmem:s24+$0xFFFFFFD0] =	vst v25  }
0xa1: {  	v54 =	vld [tilespmem:s24+$0x70];
	v20 =	vmul.f32 v20, v60;
	[tilespmem:s24+$0xFFFFFF70] =	vst v22  }
0xa2: {  	v56 =	vld [tilespmem:s24+$0x80];
	v17 =	vmul.f32 v17, v63;
	[tilespmem:s24+$0xFFFFFF20] =	vst v51  }
0xa3: {  	v55 =	vld [tilespmem:s24+$0x60];
	v36 =	vmul.f32 v36, v30;
	[tilespmem:s24+$0xFFFFFFE0] =	vst v20  }
0xa4: {  	v58 =	vld [tilespmem:s24+$0xFFFFFF60];
	v59 =	vperm.xlane v18, v12;
	v41 =	vmul.f32 v31, v29;
	[tilespmem:s24+$0xFFFFFFC0] =	vst v17  }
0xa5: {  	v47 =	vld [tilespmem:s24+$0xF0];
	[tilespmem:s24+$0xB0] =	vst v36;
	v62 =	vmul.f32 v53, v30  }
0xa6: {  	v50 =	vld [tilespmem:s24+$0xFFFFFF30];
	v33 =	vmul.f32 v54, v59;
	[tilespmem:s24+$0xD0] =	vst v41  }
0xa7: {  	v61 =	vld [tilespmem:s24+$0x40];
	v45 =	vmul.f32 v56, v27;
	[tilespmem:s24+$0xA0] =	vst v62  }
0xa8: {  	v40 =	vld [tilespmem:s24+$0x50];
	v28 =	vmul.f32 v55, v59;
	[tilespmem:s24+$0x70] =	vst v33  }
0xa9: {  	v42 =	vld [tilespmem:s24+$0x0];
	v31 =	vmul.f32 v58, v43;
	[tilespmem:s24+$0x80] =	vst v45  }
0xaa: {  	v49 =	vld [tilespmem:s24+$0xFFFFFF90];
	v17 =	vperm.xlane v18, v11;
	v56 =	vmul.f32 v47, v21;
	[tilespmem:s24+$0x60] =	vst v28  }
0xab: {  	v46 =	vld [tilespmem:s24+$0xFFFFFFA0];
	v63 =	vmul.f32 v50, v48;
	[tilespmem:s24+$0xFFFFFF60] =	vst v31  }
0xac: {  	v52 =	vld [tilespmem:s24+$0xFFFFFF80];
	v53 =	vperm.xlane v18, v6;
	v59 =	vmul.f32 v61, v17;
	[tilespmem:s24+$0xF0] =	vst v56  }
0xad: {  	v44 =	vld [tilespmem:s24+$0x30];
	v55 =	vperm.xlane v18, v5;
	v17 =	vmul.f32 v40, v17;
	[tilespmem:s24+$0xFFFFFF30] =	vst v63  }
0xae: {  	v34 =	vld [tilespmem:s24+$0x20];
	v19 =	vmul.f32 v19, v53;
	[tilespmem:s24+$0x40] =	vst v59  }
0xaf: {  	v57 =	vmul.f32 v49, v55;
	[tilespmem:s24+$0x50] =	vst v17  }
0xb0: {  	v54 =	vld [tilespmem:s24+$0x10];
	v58 =	vmul.f32 v46, v53;
	[tilespmem:s24+$0xFFFFFFB0] =	vst v19;
	v19 =	vperm.xlane v18, v9  }
0xb1: {  	v60 =	vmul.f32 v52, v55;
	[tilespmem:s24+$0xFFFFFF90] =	vst v57;
	v18 =	vperm.xlane v18, v10  }
0xb2: {  	[tilespmem:s24+$0xFFFFFFA0] =	vst v58;
	v61 =	vmul.f32 v42, v19  }
0xb3: {  	[tilespmem:s24+$0xFFFFFF80] =	vst v60;
	v62 =	vmul.f32 v44, v18;
	v18 =	vmul.f32 v34, v18  }
0xb4: {  	[tilespmem:s24+$0x0] =	vst v61  }
0xb5: {  	[tilespmem:s24+$0x20] =	vst v18;
	v18 =	vmul.f32 v54, v19  }
0xb6: {  	[tilespmem:s24+$0x30] =	vst v62  }
0xb7: {  	[tilespmem:s24+$0x10] =	vst v18  }
.LBB2_7:
0xb8: {  	[hbm4b:s4+s23] =	stream.linear.scatter [tilespmem:s13], [sflag:$0x3], $0xC800, $0x38;
	[tilespmem:$0x1A920] =	vst v63  }
0xb9: {  	_ =	swait.ge [sflag:s17], $0xC800  }
0xba: {  	[sflag:s17] =	ssyncset.done $0x0  }
.Ltmp5:
0xbb: {  	[sflag:s17] =	ssyncadd.s32 $0xFFFF3800;
	(pc) =	sbr.rel @p0 .LBB2_11-.Ltmp5, $4  }
0xbc: {  	_ =	swait.ge [sflag:s18], $0xC800  }
0xbd: {  	[sflag:s18] =	ssyncset.done $0x0  }
0xbe: {  	[sflag:s18] =	ssyncadd.s32 $0xFFFF3800  }
0xbf: {  	[tilespmem:s13], [sflag:$0x1] =	stream.indirect.gather [hbm4b:s3+s12], $0x20, s19, s12, $0xb8;
	[tilespmem:$0x1A920] =	vst v63  }
0xc0: {  	s23 =	simm.s32 $0xE200  }
0xc1: {  	v24 =	vld [tilespmem:s23+$0xFFFFFFF0]  }
0xc2: {  	v26 =	vld [tilespmem:s23+$0xFFFFFF10]  }
0xc3: {  	v28 =	vld [tilespmem:s23+$0xE0]  }
0xc4: {  	v27 =	vld [tilespmem:s23+$0xFFFFFF40]  }
0xc5: {  	v17 =	vld [tilespmem:s23+$0xFFFFFFC0]  }
0xc6: {  	s24 =	simm.s32 $0x0;
	v20 =	vld [tilespmem:s23+$0xFFFFFFE0]  }
0xc7: {  	v18 =	vld [tilespmem:s24+$0x640]  }
0xc8: {  	v22 =	vld [tilespmem:s23+$0xFFFFFF70]  }
0xc9: {  	v25 =	vld [tilespmem:s23+$0xFFFFFFD0]  }
0xca: {  	v19 =	vld [tilespmem:s23+$0xFFFFFFB0]  }
0xcb: {  	v30 =	vld [tilespmem:s23+$0xFFFFFF00]  }
0xcc: {  	v23 =	vld [tilespmem:s23+$0xFFFFFF20];
	vm0 =	veq.s32 v18, $0x0  }
0xcd: {  	v37 =	vld [tilespmem:s23+$0xC0];
	v18 =	vsel vm0, $0x0, v1  }
0xce: {  	v32 =	vld [tilespmem:s23+$0x90];
	v33 =	vperm.xlane v18, v0;
	v21 =	vperm.xlane v18, v16  }
0xcf: {  	v35 =	vld [tilespmem:s23+$0xFFFFFF50];
	v34 =	vperm.xlane v18, v3;
	v29 =	vperm.xlane v18, v15  }
0xd0: {  	v36 =	vld [tilespmem:s23+$0xB0];
	v39 =	vmul.f32 v30, v33;
	v30 =	vperm.xlane v18, v14  }
0xd1: {  	s25 =	simm.s32 $0xE200;
	s24 =	simm.s32 $0x40;
	v31 =	vld [tilespmem:s23+$0xD0];
	v38 =	vmul.f32 v27, v34;
	v27 =	vperm.xlane v18, v13  }
.LBB2_9:
0xd2: {  	p1 =	sne.s32 s24, $0x18C0  }
0xd3: {  	[tilespmem:s23+$0xFFFFFF00] =	vst v39;
	v39 =	vld [tilespmem:s23+$0x60];
	v37 =	vmul.f32 v37, v29;
	v28 =	vmul.f32 v28, v21;
	s25 =	sadd.s32 $0x200, s25;
	s26 =	smov.u32 s24;
	s24 =	sadd.s32 $0x40, s24  }
0xd4: {  	[tilespmem:s23+$0xFFFFFF40] =	vst v38;
	v38 =	vperm.xlane v18, v11;
	v32 =	vmul.f32 v32, v27;
	v40 =	vld [tilespmem:s23+$0xA0]  }
0xd5: {  	v26 =	vmul.f32 v26, v33;
	v33 =	vmul.f32 v35, v34;
	v34 =	vld [tilespmem:s23+$0x70];
	[tilespmem:s23+$0xE0] =	vst v28  }
0xd6: {  	v28 =	vperm.xlane v18, v6;
	v35 =	vld [tilespmem:s23+$0x80];
	v36 =	vmul.f32 v36, v30;
	[tilespmem:s23+$0xC0] =	vst v37  }
0xd7: {  	v37 =	vperm.xlane v18, v7;
	[tilespmem:s23+$0xFFFFFF10] =	vst v26;
	v26 =	vld [tilespmem:s23+$0xFFFFFF60];
	v29 =	vmul.f32 v31, v29  }
0xd8: {  	v42 =	vperm.xlane v18, v12;
	v31 =	vperm.xlane v18, v8;
	v41 =	vld [tilespmem:s23+$0x40];
	[tilespmem:s23+$0xB0] =	vst v36  }
0xd9: {  	[tilespmem:s23+$0xFFFFFF50] =	vst v33;
	v33 =	vperm.xlane v18, v10;
	v36 =	vld [tilespmem:s23+$0x20];
	v30 =	vmul.f32 v40, v30  }
0xda: {  	v40 =	vperm.xlane v18, v4;
	v43 =	vld [tilespmem:s23+$0x50];
	v34 =	vmul.f32 v34, v42;
	[tilespmem:s23+$0x90] =	vst v32  }
0xdb: {  	v24 =	vmul.f32 v24, v31;
	v32 =	vld [tilespmem:s23+$0x0];
	v27 =	vmul.f32 v35, v27;
	[tilespmem:s23+$0xA0] =	vst v30  }
0xdc: {  	v25 =	vmul.f32 v25, v37;
	v26 =	vmul.f32 v26, v40;
	v30 =	vld [tilespmem:s23+$0x30];
	[tilespmem:s23+$0x70] =	vst v34  }
0xdd: {  	v35 =	vmul.f32 v39, v42;
	v34 =	vperm.xlane v18, v2;
	[tilespmem:s23+$0xFFFFFFF0] =	vst v24;
	v24 =	vld [tilespmem:s23+$0x10]  }
0xde: {  	v41 =	vmul.f32 v41, v38;
	v39 =	vld [tilespmem:s23+$0xFFFFFFA0];
	[tilespmem:s23+$0xFFFFFFD0] =	vst v25;
	v25 =	vperm.xlane v18, v9  }
0xdf: {  	v36 =	vmul.f32 v36, v33;
	v42 =	vld [tilespmem:s23+$0xFFFFFF30];
	v38 =	vmul.f32 v43, v38;
	[tilespmem:s23+$0xD0] =	vst v29  }
0xe0: {  	v22 =	vmul.f32 v22, v40;
	v23 =	vmul.f32 v23, v34;
	[tilespmem:s23+$0x80] =	vst v27;
	v27 =	vld [tilespmem:s23+$0xF0]  }
0xe1: {  	v32 =	vmul.f32 v32, v25;
	v29 =	vld [tilespmem:s23+$0xFFFFFF90];
	v30 =	vmul.f32 v30, v33;
	[tilespmem:s23+$0x60] =	vst v35  }
0xe2: {  	v20 =	vmul.f32 v20, v31;
	[tilespmem:s23+$0xFFFFFF70] =	vst v22;
	v22 =	vld [tilespmem:s23+$0xFFFFFF80];
	v25 =	vmul.f32 v24, v25  }
0xe3: {  	v17 =	vmul.f32 v17, v37;
	[tilespmem:s23+$0xFFFFFF60] =	vst v26;
	v24 =	vmul.f32 v39, v28  }
0xe4: {  	v19 =	vmul.f32 v19, v28;
	[tilespmem:s23+$0xFFFFFF20] =	vst v23;
	v23 =	vmul.f32 v42, v34  }
0xe5: {  	v18 =	vperm.xlane v18, v5;
	[tilespmem:s23+$0xFFFFFFE0] =	vst v20;
	v20 =	vmul.f32 v27, v21  }
0xe6: {  	[tilespmem:s23+$0xFFFFFFC0] =	vst v17  }
0xe7: {  	v17 =	vmul.f32 v22, v18;
	v18 =	vmul.f32 v29, v18;
	[tilespmem:s23+$0xF0] =	vst v20  }
0xe8: {  	[tilespmem:s23+$0xFFFFFFB0] =	vst v19  }
0xe9: {  	[tilespmem:s23+$0xFFFFFF90] =	vst v18  }
0xea: {  	[tilespmem:s23+$0xFFFFFFA0] =	vst v24  }
0xeb: {  	[tilespmem:s23+$0x40] =	vst v41  }
0xec: {  	[tilespmem:s23+$0xFFFFFF80] =	vst v17  }
0xed: {  	v24 =	vld [tilespmem:s25+$0xFFFFFFF0];
	[tilespmem:s23+$0x0] =	vst v32  }
0xee: {  	v26 =	vld [tilespmem:s25+$0xFFFFFF10];
	[tilespmem:s23+$0x30] =	vst v30  }
0xef: {  	v28 =	vld [tilespmem:s25+$0xE0];
	[tilespmem:s23+$0x20] =	vst v36  }
0xf0: {  	v27 =	vld [tilespmem:s25+$0xFFFFFF40];
	[tilespmem:s23+$0x50] =	vst v38  }
0xf1: {  	v17 =	vld [tilespmem:s25+$0xFFFFFFC0];
	[tilespmem:s23+$0xFFFFFF30] =	vst v23  }
0xf2: {  	s26 =	sshra.s32 s26, $0x2;
	v20 =	vld [tilespmem:s25+$0xFFFFFFE0];
	[tilespmem:s23+$0x10] =	vst v25;
	s23 =	smov.u32 s25  }
0xf3: {  	v18 =	vld [tilespmem:s26+$0x640]  }
0xf4: {  	v22 =	vld [tilespmem:s25+$0xFFFFFF70]  }
0xf5: {  	v25 =	vld [tilespmem:s25+$0xFFFFFFD0]  }
0xf6: {  	v19 =	vld [tilespmem:s25+$0xFFFFFFB0]  }
0xf7: {  	v30 =	vld [tilespmem:s25+$0xFFFFFF00]  }
0xf8: {  	vm0 =	veq.s32 v18, $0x0;
	v23 =	vld [tilespmem:s25+$0xFFFFFF20]  }
.Ltmp6:
0xf9: {  	v18 =	vsel vm0, $0x0, v1;
	v37 =	vld [tilespmem:s25+$0xC0];
	(pc) =	sbr.rel @p1 .LBB2_9-.Ltmp6, $4  }
0xfa: {  	v33 =	vperm.xlane v18, v0;
	v32 =	vld [tilespmem:s25+$0x90];
	v21 =	vperm.xlane v18, v16  }
0xfb: {  	v34 =	vperm.xlane v18, v3;
	v29 =	vperm.xlane v18, v15;
	v35 =	vld [tilespmem:s25+$0xFFFFFF50]  }
0xfc: {  	v39 =	vmul.f32 v30, v33;
	v30 =	vperm.xlane v18, v14;
	v36 =	vld [tilespmem:s25+$0xB0]  }
0xfd: {  	v38 =	vmul.f32 v27, v34;
	v27 =	vperm.xlane v18, v13;
	v31 =	vld [tilespmem:s25+$0xD0]  }
0xfe: {  	[tilespmem:s23+$0xFFFFFF00] =	vst v39;
	v28 =	vmul.f32 v28, v21  }
0xff: {  	v37 =	vmul.f32 v37, v29;
	[tilespmem:s23+$0xFFFFFF40] =	vst v38  }
0x100: {  	v26 =	vmul.f32 v26, v33;
	[tilespmem:s23+$0xE0] =	vst v28  }
0x101: {  	v60 =	vperm.xlane v18, v8;
	v57 =	vmul.f32 v32, v27;
	[tilespmem:s23+$0xC0] =	vst v37  }
0x102: {  	v63 =	vperm.xlane v18, v7;
	v34 =	vmul.f32 v35, v34;
	[tilespmem:s23+$0xFFFFFF10] =	vst v26  }
0x103: {  	v43 =	vperm.xlane v18, v4;
	v24 =	vmul.f32 v24, v60;
	[tilespmem:s23+$0x90] =	vst v57  }
0x104: {  	v48 =	vperm.xlane v18, v2;
	v25 =	vmul.f32 v25, v63;
	[tilespmem:s23+$0xFFFFFF50] =	vst v34  }
0x105: {  	v22 =	vmul.f32 v22, v43;
	[tilespmem:s23+$0xFFFFFFF0] =	vst v24  }
0x106: {  	v53 =	vld [tilespmem:s23+$0xA0];
	v51 =	vmul.f32 v23, v48;
	[tilespmem:s23+$0xFFFFFFD0] =	vst v25  }
0x107: {  	v54 =	vld [tilespmem:s23+$0x70];
	v20 =	vmul.f32 v20, v60;
	[tilespmem:s23+$0xFFFFFF70] =	vst v22  }
0x108: {  	v56 =	vld [tilespmem:s23+$0x80];
	v17 =	vmul.f32 v17, v63;
	[tilespmem:s23+$0xFFFFFF20] =	vst v51  }
0x109: {  	v55 =	vld [tilespmem:s23+$0x60];
	v36 =	vmul.f32 v36, v30;
	[tilespmem:s23+$0xFFFFFFE0] =	vst v20  }
0x10a: {  	v58 =	vld [tilespmem:s23+$0xFFFFFF60];
	v59 =	vperm.xlane v18, v12;
	v41 =	vmul.f32 v31, v29;
	[tilespmem:s23+$0xFFFFFFC0] =	vst v17  }
0x10b: {  	v47 =	vld [tilespmem:s23+$0xF0];
	[tilespmem:s23+$0xB0] =	vst v36;
	v62 =	vmul.f32 v53, v30  }
0x10c: {  	v50 =	vld [tilespmem:s23+$0xFFFFFF30];
	v33 =	vmul.f32 v54, v59;
	[tilespmem:s23+$0xD0] =	vst v41  }
0x10d: {  	v61 =	vld [tilespmem:s23+$0x40];
	v45 =	vmul.f32 v56, v27;
	[tilespmem:s23+$0xA0] =	vst v62  }
0x10e: {  	v40 =	vld [tilespmem:s23+$0x50];
	v28 =	vmul.f32 v55, v59;
	[tilespmem:s23+$0x70] =	vst v33  }
0x10f: {  	v42 =	vld [tilespmem:s23+$0x0];
	v31 =	vmul.f32 v58, v43;
	[tilespmem:s23+$0x80] =	vst v45  }
0x110: {  	v49 =	vld [tilespmem:s23+$0xFFFFFF90];
	v17 =	vperm.xlane v18, v11;
	v56 =	vmul.f32 v47, v21;
	[tilespmem:s23+$0x60] =	vst v28  }
0x111: {  	v46 =	vld [tilespmem:s23+$0xFFFFFFA0];
	v63 =	vmul.f32 v50, v48;
	[tilespmem:s23+$0xFFFFFF60] =	vst v31  }
0x112: {  	v52 =	vld [tilespmem:s23+$0xFFFFFF80];
	v53 =	vperm.xlane v18, v6;
	v59 =	vmul.f32 v61, v17;
	[tilespmem:s23+$0xF0] =	vst v56  }
0x113: {  	v44 =	vld [tilespmem:s23+$0x30];
	v55 =	vperm.xlane v18, v5;
	v17 =	vmul.f32 v40, v17;
	[tilespmem:s23+$0xFFFFFF30] =	vst v63  }
0x114: {  	v34 =	vld [tilespmem:s23+$0x20];
	v19 =	vmul.f32 v19, v53;
	[tilespmem:s23+$0x40] =	vst v59  }
0x115: {  	v57 =	vmul.f32 v49, v55;
	[tilespmem:s23+$0x50] =	vst v17  }
0x116: {  	v54 =	vld [tilespmem:s23+$0x10];
	v58 =	vmul.f32 v46, v53;
	[tilespmem:s23+$0xFFFFFFB0] =	vst v19;
	v19 =	vperm.xlane v18, v9  }
0x117: {  	v60 =	vmul.f32 v52, v55;
	[tilespmem:s23+$0xFFFFFF90] =	vst v57;
	v18 =	vperm.xlane v18, v10  }
0x118: {  	[tilespmem:s23+$0xFFFFFFA0] =	vst v58;
	v61 =	vmul.f32 v42, v19  }
0x119: {  	[tilespmem:s23+$0xFFFFFF80] =	vst v60;
	v62 =	vmul.f32 v44, v18;
	v18 =	vmul.f32 v34, v18  }
0x11a: {  	[tilespmem:s23+$0x0] =	vst v61  }
0x11b: {  	[tilespmem:s23+$0x20] =	vst v18;
	v18 =	vmul.f32 v54, v19  }
0x11c: {  	[tilespmem:s23+$0x30] =	vst v62  }
0x11d: {  	[tilespmem:s23+$0x10] =	vst v18  }
.LBB2_11:
0x11e: {  	s23 =	simm.s32 $0x0  }
0x11f: {  	[hbm4b:s7+s23] =	stream.linear.scatter [tilespmem:s16], [sflag:$0x4], $0xC800, $0x38;
	[tilespmem:$0x1A920] =	vst v63  }
0x120: {  	_ =	swait.ge [sflag:s15], $0xC800  }
0x121: {  	[sflag:s15] =	ssyncset.done $0x0  }
.Ltmp7:
0x122: {  	[sflag:s15] =	ssyncadd.s32 $0xFFFF3800;
	(pc) =	sbr.rel @p0 .LBB2_17-.Ltmp7, $4  }
0x123: {  	_ =	swait.ge [sflag:s20], $0xC800  }
0x124: {  	[sflag:s20] =	ssyncset.done $0x0  }
0x125: {  	[sflag:s20] =	ssyncadd.s32 $0xFFFF3800  }
0x126: {  	[tilespmem:s16], [sflag:$0x2] =	stream.indirect.gather [hbm4b:s3+s12], $0x20, s21, s12, $0xb8;
	[tilespmem:$0x1A920] =	vst v63  }
0x127: {  	s23 =	simm.s32 $0x1A00  }
0x128: {  	v24 =	vld [tilespmem:s23+$0xFFFFFFF0]  }
0x129: {  	v26 =	vld [tilespmem:s23+$0xFFFFFF10]  }
0x12a: {  	v28 =	vld [tilespmem:s23+$0xE0]  }
0x12b: {  	v27 =	vld [tilespmem:s23+$0xFFFFFF40]  }
0x12c: {  	v17 =	vld [tilespmem:s23+$0xFFFFFFC0]  }
0x12d: {  	s24 =	simm.s32 $0x0;
	v20 =	vld [tilespmem:s23+$0xFFFFFFE0]  }
0x12e: {  	v18 =	vld [tilespmem:s24+$0xC80]  }
0x12f: {  	v22 =	vld [tilespmem:s23+$0xFFFFFF70]  }
0x130: {  	v25 =	vld [tilespmem:s23+$0xFFFFFFD0]  }
0x131: {  	v19 =	vld [tilespmem:s23+$0xFFFFFFB0]  }
0x132: {  	v30 =	vld [tilespmem:s23+$0xFFFFFF00]  }
0x133: {  	v23 =	vld [tilespmem:s23+$0xFFFFFF20];
	vm0 =	veq.s32 v18, $0x0  }
0x134: {  	v37 =	vld [tilespmem:s23+$0xC0];
	v18 =	vsel vm0, $0x0, v1  }
0x135: {  	v32 =	vld [tilespmem:s23+$0x90];
	v33 =	vperm.xlane v18, v0;
	v21 =	vperm.xlane v18, v16  }
0x136: {  	v35 =	vld [tilespmem:s23+$0xFFFFFF50];
	v34 =	vperm.xlane v18, v3;
	v29 =	vperm.xlane v18, v15  }
0x137: {  	v36 =	vld [tilespmem:s23+$0xB0];
	v39 =	vmul.f32 v30, v33;
	v30 =	vperm.xlane v18, v14  }
0x138: {  	s25 =	simm.s32 $0x1A00;
	s24 =	simm.s32 $0x40;
	v31 =	vld [tilespmem:s23+$0xD0];
	v38 =	vmul.f32 v27, v34;
	v27 =	vperm.xlane v18, v13  }
.LBB2_13:
0x139: {  	p0 =	sne.s32 s24, $0x18C0  }
0x13a: {  	[tilespmem:s23+$0xFFFFFF00] =	vst v39;
	v39 =	vld [tilespmem:s23+$0x60];
	v37 =	vmul.f32 v37, v29;
	v28 =	vmul.f32 v28, v21;
	s25 =	sadd.s32 $0x200, s25;
	s26 =	smov.u32 s24;
	s24 =	sadd.s32 $0x40, s24  }
0x13b: {  	[tilespmem:s23+$0xFFFFFF40] =	vst v38;
	v38 =	vperm.xlane v18, v11;
	v32 =	vmul.f32 v32, v27;
	v40 =	vld [tilespmem:s23+$0xA0]  }
0x13c: {  	v26 =	vmul.f32 v26, v33;
	v33 =	vmul.f32 v35, v34;
	v34 =	vld [tilespmem:s23+$0x70];
	[tilespmem:s23+$0xE0] =	vst v28  }
0x13d: {  	v28 =	vperm.xlane v18, v6;
	v35 =	vld [tilespmem:s23+$0x80];
	v36 =	vmul.f32 v36, v30;
	[tilespmem:s23+$0xC0] =	vst v37  }
0x13e: {  	v37 =	vperm.xlane v18, v7;
	[tilespmem:s23+$0xFFFFFF10] =	vst v26;
	v26 =	vld [tilespmem:s23+$0xFFFFFF60];
	v29 =	vmul.f32 v31, v29  }
0x13f: {  	v42 =	vperm.xlane v18, v12;
	v31 =	vperm.xlane v18, v8;
	v41 =	vld [tilespmem:s23+$0x40];
	[tilespmem:s23+$0xB0] =	vst v36  }
0x140: {  	[tilespmem:s23+$0xFFFFFF50] =	vst v33;
	v33 =	vperm.xlane v18, v10;
	v36 =	vld [tilespmem:s23+$0x20];
	v30 =	vmul.f32 v40, v30  }
0x141: {  	v40 =	vperm.xlane v18, v4;
	v43 =	vld [tilespmem:s23+$0x50];
	v34 =	vmul.f32 v34, v42;
	[tilespmem:s23+$0x90] =	vst v32  }
0x142: {  	v24 =	vmul.f32 v24, v31;
	v32 =	vld [tilespmem:s23+$0x0];
	v27 =	vmul.f32 v35, v27;
	[tilespmem:s23+$0xA0] =	vst v30  }
0x143: {  	v25 =	vmul.f32 v25, v37;
	v26 =	vmul.f32 v26, v40;
	v30 =	vld [tilespmem:s23+$0x30];
	[tilespmem:s23+$0x70] =	vst v34  }
0x144: {  	v35 =	vmul.f32 v39, v42;
	v34 =	vperm.xlane v18, v2;
	[tilespmem:s23+$0xFFFFFFF0] =	vst v24;
	v24 =	vld [tilespmem:s23+$0x10]  }
0x145: {  	v41 =	vmul.f32 v41, v38;
	v39 =	vld [tilespmem:s23+$0xFFFFFFA0];
	[tilespmem:s23+$0xFFFFFFD0] =	vst v25;
	v25 =	vperm.xlane v18, v9  }
0x146: {  	v36 =	vmul.f32 v36, v33;
	v42 =	vld [tilespmem:s23+$0xFFFFFF30];
	v38 =	vmul.f32 v43, v38;
	[tilespmem:s23+$0xD0] =	vst v29  }
0x147: {  	v22 =	vmul.f32 v22, v40;
	v23 =	vmul.f32 v23, v34;
	[tilespmem:s23+$0x80] =	vst v27;
	v27 =	vld [tilespmem:s23+$0xF0]  }
0x148: {  	v32 =	vmul.f32 v32, v25;
	v29 =	vld [tilespmem:s23+$0xFFFFFF90];
	v30 =	vmul.f32 v30, v33;
	[tilespmem:s23+$0x60] =	vst v35  }
0x149: {  	v20 =	vmul.f32 v20, v31;
	[tilespmem:s23+$0xFFFFFF70] =	vst v22;
	v22 =	vld [tilespmem:s23+$0xFFFFFF80];
	v25 =	vmul.f32 v24, v25  }
0x14a: {  	v17 =	vmul.f32 v17, v37;
	[tilespmem:s23+$0xFFFFFF60] =	vst v26;
	v24 =	vmul.f32 v39, v28  }
0x14b: {  	v19 =	vmul.f32 v19, v28;
	[tilespmem:s23+$0xFFFFFF20] =	vst v23;
	v23 =	vmul.f32 v42, v34  }
0x14c: {  	v18 =	vperm.xlane v18, v5;
	[tilespmem:s23+$0xFFFFFFE0] =	vst v20;
	v20 =	vmul.f32 v27, v21  }
0x14d: {  	[tilespmem:s23+$0xFFFFFFC0] =	vst v17  }
0x14e: {  	v17 =	vmul.f32 v22, v18;
	v18 =	vmul.f32 v29, v18;
	[tilespmem:s23+$0xF0] =	vst v20  }
0x14f: {  	[tilespmem:s23+$0xFFFFFFB0] =	vst v19  }
0x150: {  	[tilespmem:s23+$0xFFFFFF90] =	vst v18  }
0x151: {  	[tilespmem:s23+$0xFFFFFFA0] =	vst v24  }
0x152: {  	[tilespmem:s23+$0x40] =	vst v41  }
0x153: {  	[tilespmem:s23+$0xFFFFFF80] =	vst v17  }
0x154: {  	v24 =	vld [tilespmem:s25+$0xFFFFFFF0];
	[tilespmem:s23+$0x0] =	vst v32  }
0x155: {  	v26 =	vld [tilespmem:s25+$0xFFFFFF10];
	[tilespmem:s23+$0x30] =	vst v30  }
0x156: {  	v28 =	vld [tilespmem:s25+$0xE0];
	[tilespmem:s23+$0x20] =	vst v36  }
0x157: {  	v27 =	vld [tilespmem:s25+$0xFFFFFF40];
	[tilespmem:s23+$0x50] =	vst v38  }
0x158: {  	v17 =	vld [tilespmem:s25+$0xFFFFFFC0];
	[tilespmem:s23+$0xFFFFFF30] =	vst v23  }
0x159: {  	s26 =	sshra.s32 s26, $0x2;
	v20 =	vld [tilespmem:s25+$0xFFFFFFE0];
	[tilespmem:s23+$0x10] =	vst v25;
	s23 =	smov.u32 s25  }
0x15a: {  	v18 =	vld [tilespmem:s26+$0xC80]  }
0x15b: {  	v22 =	vld [tilespmem:s25+$0xFFFFFF70]  }
0x15c: {  	v25 =	vld [tilespmem:s25+$0xFFFFFFD0]  }
0x15d: {  	v19 =	vld [tilespmem:s25+$0xFFFFFFB0]  }
0x15e: {  	v30 =	vld [tilespmem:s25+$0xFFFFFF00]  }
0x15f: {  	vm0 =	veq.s32 v18, $0x0;
	v23 =	vld [tilespmem:s25+$0xFFFFFF20]  }
.Ltmp8:
0x160: {  	v18 =	vsel vm0, $0x0, v1;
	v37 =	vld [tilespmem:s25+$0xC0];
	(pc) =	sbr.rel @p0 .LBB2_13-.Ltmp8, $4  }
0x161: {  	v33 =	vperm.xlane v18, v0;
	v32 =	vld [tilespmem:s25+$0x90];
	v21 =	vperm.xlane v18, v16  }
0x162: {  	v34 =	vperm.xlane v18, v3;
	v29 =	vperm.xlane v18, v15;
	v35 =	vld [tilespmem:s25+$0xFFFFFF50]  }
0x163: {  	v39 =	vmul.f32 v30, v33;
	v30 =	vperm.xlane v18, v14;
	v36 =	vld [tilespmem:s25+$0xB0]  }
0x164: {  	v38 =	vmul.f32 v27, v34;
	v27 =	vperm.xlane v18, v13;
	v31 =	vld [tilespmem:s25+$0xD0]  }
0x165: {  	[tilespmem:s23+$0xFFFFFF00] =	vst v39;
	v28 =	vmul.f32 v28, v21  }
0x166: {  	v37 =	vmul.f32 v37, v29;
	[tilespmem:s23+$0xFFFFFF40] =	vst v38  }
0x167: {  	v26 =	vmul.f32 v26, v33;
	[tilespmem:s23+$0xE0] =	vst v28  }
0x168: {  	v58 =	vperm.xlane v18, v8;
	[tilespmem:s23+$0xC0] =	vst v37;
	v34 =	vmul.f32 v35, v34  }
0x169: {  	v53 =	vld [tilespmem:s23+$0xA0];
	[tilespmem:s23+$0xFFFFFF10] =	vst v26;
	v26 =	vmul.f32 v32, v27  }
0x16a: {  	v54 =	vld [tilespmem:s23+$0x70];
	v24 =	vmul.f32 v24, v58;
	[tilespmem:s23+$0xFFFFFF50] =	vst v34  }
0x16b: {  	v55 =	vld [tilespmem:s23+$0x80];
	v20 =	vmul.f32 v20, v58;
	[tilespmem:s23+$0x90] =	vst v26  }
0x16c: {  	v36 =	vmul.f32 v36, v30;
	[tilespmem:s23+$0xFFFFFFF0] =	vst v24  }
0x16d: {  	v57 =	vperm.xlane v18, v12;
	v29 =	vmul.f32 v31, v29;
	[tilespmem:s23+$0xFFFFFFE0] =	vst v20  }
0x16e: {  	v28 =	vld [tilespmem:s23+$0x60];
	[tilespmem:s23+$0xB0] =	vst v36;
	v30 =	vmul.f32 v53, v30  }
0x16f: {  	v56 =	vld [tilespmem:s23+$0xFFFFFF60];
	v26 =	vperm.xlane v18, v7;
	v33 =	vmul.f32 v54, v57;
	[tilespmem:s23+$0xD0] =	vst v29  }
0x170: {  	v31 =	vperm.xlane v18, v4;
	v24 =	vmul.f32 v55, v27;
	[tilespmem:s23+$0xA0] =	vst v30  }
0x171: {  	v25 =	vmul.f32 v25, v26;
	[tilespmem:s23+$0x70] =	vst v33  }
0x172: {  	v22 =	vmul.f32 v22, v31;
	[tilespmem:s23+$0x80] =	vst v24  }
0x173: {  	v29 =	vperm.xlane v18, v2;
	v28 =	vmul.f32 v28, v57;
	[tilespmem:s23+$0xFFFFFFD0] =	vst v25;
	v25 =	vld [tilespmem:s23+$0xF0]  }
0x174: {  	v31 =	vmul.f32 v56, v31;
	v24 =	vld [tilespmem:s23+$0xFFFFFF90];
	[tilespmem:s23+$0xFFFFFF70] =	vst v22  }
0x175: {  	v59 =	vld [tilespmem:s23+$0x40];
	v22 =	vmul.f32 v23, v29;
	[tilespmem:s23+$0x60] =	vst v28;
	v28 =	vperm.xlane v18, v6  }
0x176: {  	v61 =	vld [tilespmem:s23+$0x50];
	v17 =	vmul.f32 v17, v26;
	[tilespmem:s23+$0xFFFFFF60] =	vst v31  }
0x177: {  	v27 =	vld [tilespmem:s23+$0xFFFFFFA0];
	[tilespmem:s23+$0xFFFFFF20] =	vst v22;
	v22 =	vperm.xlane v18, v5;
	v19 =	vmul.f32 v19, v28  }
0x178: {  	v23 =	vld [tilespmem:s23+$0xFFFFFF80];
	[tilespmem:s23+$0xFFFFFFC0] =	vst v17;
	v17 =	vperm.xlane v18, v11;
	v20 =	vmul.f32 v25, v21  }
0x179: {  	v62 =	vld [tilespmem:s23+$0x30];
	v21 =	vmul.f32 v24, v22;
	[tilespmem:s23+$0xFFFFFFB0] =	vst v19  }
0x17a: {  	v60 =	vld [tilespmem:s23+$0x20];
	v24 =	vmul.f32 v59, v17;
	[tilespmem:s23+$0xF0] =	vst v20  }
0x17b: {  	v30 =	vld [tilespmem:s23+$0x0];
	v19 =	vperm.xlane v18, v9;
	v17 =	vmul.f32 v61, v17;
	[tilespmem:s23+$0xFFFFFF90] =	vst v21  }
0x17c: {  	v31 =	vld [tilespmem:s23+$0x10];
	v18 =	vperm.xlane v18, v10;
	v20 =	vmul.f32 v27, v28;
	[tilespmem:s23+$0x40] =	vst v24  }
0x17d: {  	v63 =	vld [tilespmem:s23+$0xFFFFFF30];
	v21 =	vmul.f32 v23, v22;
	[tilespmem:s23+$0x50] =	vst v17  }
0x17e: {  	v22 =	vmul.f32 v62, v18;
	[tilespmem:s23+$0xFFFFFFA0] =	vst v20  }
0x17f: {  	v18 =	vmul.f32 v60, v18;
	[tilespmem:s23+$0xFFFFFF80] =	vst v21  }
0x180: {  	v20 =	vmul.f32 v30, v19;
	[tilespmem:s23+$0x30] =	vst v22  }
0x181: {  	[tilespmem:s23+$0x20] =	vst v18;
	v18 =	vmul.f32 v31, v19  }
0x182: {  	[tilespmem:s23+$0x0] =	vst v20;
	v20 =	vmul.f32 v63, v29  }
0x183: {  	[tilespmem:s23+$0x10] =	vst v18  }
0x184: {  	s31 =	simm.s32 $0x0;
	[tilespmem:s23+$0xFFFFFF30] =	vst v20  }
0x185: {  	[hbm4b:s8+s31] =	stream.linear.scatter [tilespmem:s13], [sflag:$0x3], $0xC800, $0x38;
	[tilespmem:$0x1A920] =	vst v63  }
0x186: {  	_ =	swait.ge [sflag:s17], $0xC800  }
0x187: {  	[sflag:s17] =	ssyncset.done $0x0  }
0x188: {  	s23 =	simm.s32 $0xE200;
	[sflag:s17] =	ssyncadd.s32 $0xFFFF3800  }
0x189: {  	v24 =	vld [tilespmem:s23+$0xFFFFFFF0]  }
0x18a: {  	v26 =	vld [tilespmem:s23+$0xFFFFFF10]  }
0x18b: {  	v28 =	vld [tilespmem:s23+$0xE0]  }
0x18c: {  	v27 =	vld [tilespmem:s23+$0xFFFFFF40]  }
0x18d: {  	v17 =	vld [tilespmem:s23+$0xFFFFFFC0]  }
0x18e: {  	s24 =	simm.s32 $0x0;
	v20 =	vld [tilespmem:s23+$0xFFFFFFE0]  }
0x18f: {  	v18 =	vld [tilespmem:s24+$0x12C0]  }
0x190: {  	v22 =	vld [tilespmem:s23+$0xFFFFFF70]  }
0x191: {  	v25 =	vld [tilespmem:s23+$0xFFFFFFD0]  }
0x192: {  	v19 =	vld [tilespmem:s23+$0xFFFFFFB0]  }
0x193: {  	v30 =	vld [tilespmem:s23+$0xFFFFFF00]  }
0x194: {  	v23 =	vld [tilespmem:s23+$0xFFFFFF20];
	vm0 =	veq.s32 v18, $0x0  }
0x195: {  	v37 =	vld [tilespmem:s23+$0xC0];
	v18 =	vsel vm0, $0x0, v1  }
0x196: {  	v32 =	vld [tilespmem:s23+$0x90];
	v33 =	vperm.xlane v18, v0;
	v21 =	vperm.xlane v18, v16  }
0x197: {  	v35 =	vld [tilespmem:s23+$0xFFFFFF50];
	v34 =	vperm.xlane v18, v3;
	v29 =	vperm.xlane v18, v15  }
0x198: {  	v36 =	vld [tilespmem:s23+$0xB0];
	v39 =	vmul.f32 v30, v33;
	v30 =	vperm.xlane v18, v14  }
0x199: {  	s25 =	simm.s32 $0xE200;
	s24 =	simm.s32 $0x40;
	v31 =	vld [tilespmem:s23+$0xD0];
	v38 =	vmul.f32 v27, v34;
	v27 =	vperm.xlane v18, v13  }
.LBB2_15:
0x19a: {  	p0 =	seq.s32 s24, $0x18C0  }
0x19b: {  	[tilespmem:s23+$0xFFFFFF00] =	vst v39;
	v39 =	vld [tilespmem:s23+$0x60];
	v37 =	vmul.f32 v37, v29;
	v28 =	vmul.f32 v28, v21;
	s25 =	sadd.s32 $0x200, s25;
	s26 =	smov.u32 s24;
	s24 =	sadd.s32 $0x40, s24  }
0x19c: {  	[tilespmem:s23+$0xFFFFFF40] =	vst v38;
	v38 =	vperm.xlane v18, v11;
	v32 =	vmul.f32 v32, v27;
	v40 =	vld [tilespmem:s23+$0xA0]  }
0x19d: {  	v26 =	vmul.f32 v26, v33;
	v33 =	vmul.f32 v35, v34;
	v34 =	vld [tilespmem:s23+$0x70];
	[tilespmem:s23+$0xE0] =	vst v28  }
0x19e: {  	v28 =	vperm.xlane v18, v6;
	v35 =	vld [tilespmem:s23+$0x80];
	v36 =	vmul.f32 v36, v30;
	[tilespmem:s23+$0xC0] =	vst v37  }
0x19f: {  	v37 =	vperm.xlane v18, v7;
	[tilespmem:s23+$0xFFFFFF10] =	vst v26;
	v26 =	vld [tilespmem:s23+$0xFFFFFF60];
	v29 =	vmul.f32 v31, v29  }
0x1a0: {  	v42 =	vperm.xlane v18, v12;
	v31 =	vperm.xlane v18, v8;
	v41 =	vld [tilespmem:s23+$0x40];
	[tilespmem:s23+$0xB0] =	vst v36  }
0x1a1: {  	[tilespmem:s23+$0xFFFFFF50] =	vst v33;
	v33 =	vperm.xlane v18, v10;
	v36 =	vld [tilespmem:s23+$0x20];
	v30 =	vmul.f32 v40, v30  }
0x1a2: {  	v40 =	vperm.xlane v18, v4;
	v43 =	vld [tilespmem:s23+$0x50];
	v34 =	vmul.f32 v34, v42;
	[tilespmem:s23+$0x90] =	vst v32  }
0x1a3: {  	v24 =	vmul.f32 v24, v31;
	v32 =	vld [tilespmem:s23+$0x0];
	v27 =	vmul.f32 v35, v27;
	[tilespmem:s23+$0xA0] =	vst v30  }
0x1a4: {  	v25 =	vmul.f32 v25, v37;
	v26 =	vmul.f32 v26, v40;
	v30 =	vld [tilespmem:s23+$0x30];
	[tilespmem:s23+$0x70] =	vst v34  }
0x1a5: {  	v35 =	vmul.f32 v39, v42;
	v34 =	vperm.xlane v18, v2;
	[tilespmem:s23+$0xFFFFFFF0] =	vst v24;
	v24 =	vld [tilespmem:s23+$0x10]  }
0x1a6: {  	v41 =	vmul.f32 v41, v38;
	v39 =	vld [tilespmem:s23+$0xFFFFFFA0];
	[tilespmem:s23+$0xFFFFFFD0] =	vst v25;
	v25 =	vperm.xlane v18, v9  }
0x1a7: {  	v36 =	vmul.f32 v36, v33;
	v42 =	vld [tilespmem:s23+$0xFFFFFF30];
	v38 =	vmul.f32 v43, v38;
	[tilespmem:s23+$0xD0] =	vst v29  }
0x1a8: {  	v22 =	vmul.f32 v22, v40;
	v23 =	vmul.f32 v23, v34;
	[tilespmem:s23+$0x80] =	vst v27;
	v27 =	vld [tilespmem:s23+$0xF0]  }
0x1a9: {  	v32 =	vmul.f32 v32, v25;
	v29 =	vld [tilespmem:s23+$0xFFFFFF90];
	v30 =	vmul.f32 v30, v33;
	[tilespmem:s23+$0x60] =	vst v35  }
0x1aa: {  	v20 =	vmul.f32 v20, v31;
	[tilespmem:s23+$0xFFFFFF70] =	vst v22;
	v22 =	vld [tilespmem:s23+$0xFFFFFF80];
	v25 =	vmul.f32 v24, v25  }
0x1ab: {  	v17 =	vmul.f32 v17, v37;
	[tilespmem:s23+$0xFFFFFF60] =	vst v26;
	v24 =	vmul.f32 v39, v28  }
0x1ac: {  	v19 =	vmul.f32 v19, v28;
	[tilespmem:s23+$0xFFFFFF20] =	vst v23;
	v23 =	vmul.f32 v42, v34  }
0x1ad: {  	v18 =	vperm.xlane v18, v5;
	[tilespmem:s23+$0xFFFFFFE0] =	vst v20;
	v20 =	vmul.f32 v27, v21  }
0x1ae: {  	[tilespmem:s23+$0xFFFFFFC0] =	vst v17  }
0x1af: {  	v17 =	vmul.f32 v22, v18;
	v18 =	vmul.f32 v29, v18;
	[tilespmem:s23+$0xF0] =	vst v20  }
0x1b0: {  	[tilespmem:s23+$0xFFFFFFB0] =	vst v19  }
0x1b1: {  	[tilespmem:s23+$0xFFFFFF90] =	vst v18  }
0x1b2: {  	[tilespmem:s23+$0xFFFFFFA0] =	vst v24  }
0x1b3: {  	[tilespmem:s23+$0x40] =	vst v41  }
0x1b4: {  	[tilespmem:s23+$0xFFFFFF80] =	vst v17  }
0x1b5: {  	v24 =	vld [tilespmem:s25+$0xFFFFFFF0];
	[tilespmem:s23+$0x0] =	vst v32  }
0x1b6: {  	v26 =	vld [tilespmem:s25+$0xFFFFFF10];
	[tilespmem:s23+$0x30] =	vst v30  }
0x1b7: {  	v28 =	vld [tilespmem:s25+$0xE0];
	[tilespmem:s23+$0x20] =	vst v36  }
0x1b8: {  	v27 =	vld [tilespmem:s25+$0xFFFFFF40];
	[tilespmem:s23+$0x50] =	vst v38  }
0x1b9: {  	v17 =	vld [tilespmem:s25+$0xFFFFFFC0];
	[tilespmem:s23+$0xFFFFFF30] =	vst v23  }
0x1ba: {  	s26 =	sshra.s32 s26, $0x2;
	v20 =	vld [tilespmem:s25+$0xFFFFFFE0];
	[tilespmem:s23+$0x10] =	vst v25;
	s23 =	smov.u32 s25  }
0x1bb: {  	v18 =	vld [tilespmem:s26+$0x12C0]  }
0x1bc: {  	v22 =	vld [tilespmem:s25+$0xFFFFFF70]  }
0x1bd: {  	v25 =	vld [tilespmem:s25+$0xFFFFFFD0]  }
0x1be: {  	v19 =	vld [tilespmem:s25+$0xFFFFFFB0]  }
0x1bf: {  	v30 =	vld [tilespmem:s25+$0xFFFFFF00]  }
0x1c0: {  	vm0 =	veq.s32 v18, $0x0;
	v23 =	vld [tilespmem:s25+$0xFFFFFF20]  }
.Ltmp9:
0x1c1: {  	v18 =	vsel vm0, $0x0, v1;
	v37 =	vld [tilespmem:s25+$0xC0];
	(pc) =	sbr.rel @!p0 .LBB2_15-.Ltmp9, $4  }
0x1c2: {  	v33 =	vperm.xlane v18, v0;
	v32 =	vld [tilespmem:s25+$0x90];
	v21 =	vperm.xlane v18, v16  }
0x1c3: {  	v34 =	vperm.xlane v18, v3;
	v29 =	vperm.xlane v18, v15;
	v35 =	vld [tilespmem:s25+$0xFFFFFF50]  }
0x1c4: {  	v39 =	vmul.f32 v30, v33;
	v30 =	vperm.xlane v18, v14;
	v36 =	vld [tilespmem:s25+$0xB0]  }
0x1c5: {  	v38 =	vmul.f32 v27, v34;
	v27 =	vperm.xlane v18, v13;
	v31 =	vld [tilespmem:s25+$0xD0]  }
0x1c6: {  	[tilespmem:s23+$0xFFFFFF00] =	vst v39;
	v28 =	vmul.f32 v28, v21  }
0x1c7: {  	v37 =	vmul.f32 v37, v29;
	[tilespmem:s23+$0xFFFFFF40] =	vst v38  }
0x1c8: {  	v26 =	vmul.f32 v26, v33;
	[tilespmem:s23+$0xE0] =	vst v28  }
0x1c9: {  	v60 =	vperm.xlane v18, v8;
	v57 =	vmul.f32 v32, v27;
	[tilespmem:s23+$0xC0] =	vst v37  }
0x1ca: {  	v63 =	vperm.xlane v18, v7;
	v34 =	vmul.f32 v35, v34;
	[tilespmem:s23+$0xFFFFFF10] =	vst v26  }
0x1cb: {  	v43 =	vperm.xlane v18, v4;
	v24 =	vmul.f32 v24, v60;
	[tilespmem:s23+$0x90] =	vst v57  }
0x1cc: {  	v48 =	vperm.xlane v18, v2;
	v25 =	vmul.f32 v25, v63;
	[tilespmem:s23+$0xFFFFFF50] =	vst v34  }
0x1cd: {  	v22 =	vmul.f32 v22, v43;
	[tilespmem:s23+$0xFFFFFFF0] =	vst v24  }
0x1ce: {  	v53 =	vld [tilespmem:s23+$0xA0];
	v51 =	vmul.f32 v23, v48;
	[tilespmem:s23+$0xFFFFFFD0] =	vst v25  }
0x1cf: {  	v54 =	vld [tilespmem:s23+$0x70];
	v20 =	vmul.f32 v20, v60;
	[tilespmem:s23+$0xFFFFFF70] =	vst v22  }
0x1d0: {  	v56 =	vld [tilespmem:s23+$0x80];
	v17 =	vmul.f32 v17, v63;
	[tilespmem:s23+$0xFFFFFF20] =	vst v51  }
0x1d1: {  	v55 =	vld [tilespmem:s23+$0x60];
	v36 =	vmul.f32 v36, v30;
	[tilespmem:s23+$0xFFFFFFE0] =	vst v20  }
0x1d2: {  	v58 =	vld [tilespmem:s23+$0xFFFFFF60];
	v59 =	vperm.xlane v18, v12;
	v41 =	vmul.f32 v31, v29;
	[tilespmem:s23+$0xFFFFFFC0] =	vst v17  }
0x1d3: {  	v47 =	vld [tilespmem:s23+$0xF0];
	[tilespmem:s23+$0xB0] =	vst v36;
	v62 =	vmul.f32 v53, v30  }
0x1d4: {  	v50 =	vld [tilespmem:s23+$0xFFFFFF30];
	v33 =	vmul.f32 v54, v59;
	[tilespmem:s23+$0xD0] =	vst v41  }
0x1d5: {  	v61 =	vld [tilespmem:s23+$0x40];
	v45 =	vmul.f32 v56, v27;
	[tilespmem:s23+$0xA0] =	vst v62  }
0x1d6: {  	v40 =	vld [tilespmem:s23+$0x50];
	v28 =	vmul.f32 v55, v59;
	[tilespmem:s23+$0x70] =	vst v33  }
0x1d7: {  	v42 =	vld [tilespmem:s23+$0x0];
	v31 =	vmul.f32 v58, v43;
	[tilespmem:s23+$0x80] =	vst v45  }
0x1d8: {  	v49 =	vld [tilespmem:s23+$0xFFFFFF90];
	v17 =	vperm.xlane v18, v11;
	v56 =	vmul.f32 v47, v21;
	[tilespmem:s23+$0x60] =	vst v28  }
0x1d9: {  	v46 =	vld [tilespmem:s23+$0xFFFFFFA0];
	v63 =	vmul.f32 v50, v48;
	[tilespmem:s23+$0xFFFFFF60] =	vst v31  }
0x1da: {  	v52 =	vld [tilespmem:s23+$0xFFFFFF80];
	v53 =	vperm.xlane v18, v6;
	v59 =	vmul.f32 v61, v17;
	[tilespmem:s23+$0xF0] =	vst v56  }
0x1db: {  	v44 =	vld [tilespmem:s23+$0x30];
	v55 =	vperm.xlane v18, v5;
	v17 =	vmul.f32 v40, v17;
	[tilespmem:s23+$0xFFFFFF30] =	vst v63  }
0x1dc: {  	v34 =	vld [tilespmem:s23+$0x20];
	v19 =	vmul.f32 v19, v53;
	[tilespmem:s23+$0x40] =	vst v59  }
0x1dd: {  	v57 =	vmul.f32 v49, v55;
	[tilespmem:s23+$0x50] =	vst v17  }
0x1de: {  	v54 =	vld [tilespmem:s23+$0x10];
	v58 =	vmul.f32 v46, v53;
	[tilespmem:s23+$0xFFFFFFB0] =	vst v19;
	v19 =	vperm.xlane v18, v9  }
0x1df: {  	v60 =	vmul.f32 v52, v55;
	[tilespmem:s23+$0xFFFFFF90] =	vst v57;
	v18 =	vperm.xlane v18, v10  }
0x1e0: {  	[tilespmem:s23+$0xFFFFFFA0] =	vst v58;
	v61 =	vmul.f32 v42, v19  }
.Ltmp10:
0x1e1: {  	[tilespmem:s23+$0xFFFFFF80] =	vst v60;
	v62 =	vmul.f32 v44, v18;
	v18 =	vmul.f32 v34, v18;
	(pc) =	sbr.rel .LBB2_18-.Ltmp10, $4  }
0x1e2: {  	[tilespmem:s23+$0x0] =	vst v61  }
0x1e3: {  	[tilespmem:s23+$0x20] =	vst v18;
	v18 =	vmul.f32 v54, v19  }
0x1e4: {  	[tilespmem:s23+$0x30] =	vst v62  }
0x1e5: {  	[tilespmem:s23+$0x10] =	vst v18  }
.LBB2_19:
0x1e6: {  	_ =	sfence.sel $0x180000  }
0x1e7: {  	[bflag:$0x0] =	sbarrier.arrive $0xFFFF  }
0x1e8: {  	p0 =	sne.s32 s0, $0x0;
	_ =	strace $0x90000047  }
0x1e9: {  	s0 =	sadd.s32 @!p0 $0x100000, s1;
	[bflag:$0x2] =	sbarrier.arrive $0xFFFF  }
0x1ea: {  	[sflag:s0] =	ssyncadd.tile.s32 @!p0 $0x1;
	_ =	shalt  }
.Lfunc_end2:
_tile_overlayer_lowered:
.L_overlay_start_2:
0x1eb: {  	(tag) =	ssettag $0x2  }
0x1ec: {  	s0 =	rddreg [dreg:$0x0];
	s2 =	stileid.u32  }
0x1ed: {  	s1 =	rddreg [dreg:$0x1];
	p0 =	sne.s32 s2, $0x0  }
0x1ee: {  	s3 =	rddreg [dreg:$0x2];
	[bflag:$0x3] =	sbarrier.arrive $0xFFFF;
	s2 =	simm.s32 @!p0 $0x1C05  }
0x1ef: {  	[timem:s3], [sflag:s2] =	dma.local @!p0 [hbm:s0], s1  }
0x1f0: {  	s0 =	simm.s32 @!p0 $0x5  }
0x1f1: {  	_ =	swait.ge @!p0 [sflag:s0], s1  }
0x1f2: {  	s1 =	ssub.s32 @!p0 $0x0, s1;
	[sflag:s0] =	ssyncset.done @!p0 $0x0  }
0x1f3: {  	[sflag:s0] =	ssyncadd.s32 @!p0 s1  }
0x1f4: {  	[bflag:$0x3] =	sbarrier.arrive $0xFFFF  }
0x1f5: {  	_ =	shalt  }

</sc_bundles>
